<compile_context>
chip_gen: v7x
topology: tpu7x:2x2x1
jax: 0.10.2.dev20260603
libtpu: 0.0.44.dev20260713+nightly
codegen_flags: <defaults>
</compile_context>

<pallas_src>
import jax
import jax.numpy as jnp
from jax import lax
from jax.experimental import pallas as pl
from jax.experimental.pallas import tpu as pltpu
from jax.experimental.pallas import tpu_sc as plsc

BATCH, SEQ, DIM = 4, 2048, 1024
NC, NS, L = 2, 16, 16
NW = NC * NS
S_PER_W = SEQ // NW
SUB = 16
NSUB = S_PER_W // SUB
NCHUNK = NSUB * BATCH
NBUFX = 4
PF = 2
VECS = DIM // L
CHUNK_VECS = SUB * VECS


def _body(x_hbm, pe_hbm, pos_hbm, out_hbm, idx_v, pe_v, x_v, in_sems,
          out_sems, g_sems):
    wid = lax.axis_index("s") * NC + lax.axis_index("c")
    s0 = wid * S_PER_W
    pltpu.sync_copy(pos_hbm.at[0, pl.ds(s0, S_PER_W)], idx_v)

    def gather(sub):
        return pltpu.async_copy(
            pe_hbm.at[idx_v.at[pl.ds(sub * SUB, SUB)]], pe_v.at[sub % 2],
            g_sems[sub % 2])

    def row0(t):
        return s0 + (t // BATCH) * SUB

    def start_in(t):
        return pltpu.async_copy(
            x_hbm.at[t % BATCH, pl.ds(row0(t), SUB), :],
            x_v.at[t % NBUFX], in_sems[t % NBUFX])

    ins, outs, gs = {}, {}, {}
    gs[0] = gather(0)
    for t in range(PF):
        ins[t] = start_in(t)
    for t in range(NCHUNK):
        if t >= NBUFX - PF:
            outs[t - (NBUFX - PF)].wait()
        if t + PF < NCHUNK:
            ins[t + PF] = start_in(t + PF)
        if t % BATCH == 0:
            sub = t // BATCH
            if sub + 1 < NSUB:
                gs[sub + 1] = gather(sub + 1)
            gs[sub].wait()
        ins[t].wait()

        slot, pb = t % NBUFX, (t // BATCH) % 2

        @plsc.parallel_loop(0, CHUNK_VECS, unroll=8)
        def _(i):
            r = i // VECS
            sl = pl.ds((i % VECS) * L, L)
            plsc.addupdate(x_v.at[slot, r, sl], pe_v[pb, r, sl])

        outs[t] = pltpu.async_copy(
            x_v.at[slot], out_hbm.at[t % BATCH, pl.ds(row0(t), SUB), :],
            out_sems[slot])
    for t in range(NCHUNK - (NBUFX - PF), NCHUNK):
        outs[t].wait()


def kernel(x, pe_table, position_ids):
    mesh = plsc.VectorSubcoreMesh(core_axis_name="c", subcore_axis_name="s")
    f = pl.kernel(
        _body,
        out_type=jax.ShapeDtypeStruct((BATCH, SEQ, DIM), jnp.float32),
        mesh=mesh,
        scratch_types=[
            pltpu.VMEM((S_PER_W,), jnp.int32),
            pltpu.VMEM((2, SUB, DIM), jnp.float32),
            pltpu.VMEM((NBUFX, SUB, DIM), jnp.float32),
            [pltpu.SemaphoreType.DMA] * NBUFX,
            [pltpu.SemaphoreType.DMA] * NBUFX,
            [pltpu.SemaphoreType.DMA] * 2,
        ],
    )
    return f(x, pe_table, position_ids)

# --- scband reference (transcript-rebuilt; emitter-appended) ---
"""Pipeline reference for scband-learned-positional-encoding-19782619365945 (READ-ONLY COPY).

The authoritative reference and input builder live on the scoring server;
editing this copy changes nothing except your own understanding.
"""

import jax, jax.numpy as jnp
import numpy as np

MAX_POS = 2048
EMBED_DIM = 1024
SEQ_LEN = 2048
BATCH = 4

def setup_inputs(seed: int = 0) -> dict:
    key = jax.random.key(seed)
    k1, k2 = jax.random.split(key)
    x = jax.random.normal(k1, (BATCH, SEQ_LEN, EMBED_DIM), dtype=jnp.float32)
    pe_table = jax.random.normal(k2, (MAX_POS, EMBED_DIM), dtype=jnp.float32) * 0.02
    position_ids = jnp.arange(MAX_POS, dtype=jnp.int64 if jax.config.jax_enable_x64 else jnp.int32)[None, :]
    return {"x": x, "pe_table": pe_table, "position_ids": position_ids}

def reference(x, pe_table, position_ids):
    # position_ids buffer sliced to seq_length, then embedding gather
    pos = position_ids[:, :SEQ_LEN]
    position_embeddings = jnp.take(pe_table, pos, axis=0)  # [1, S, D]
    return x + position_embeddings

if __name__ == "__main__":
    import jax
    _d = setup_inputs()
    print(jax.jit(kernel)(*tuple(_d.values())))

</pallas_src>

<mosaic_0001>
#map = affine_map<(d0, d1) -> (0, 0, 0)>
#map1 = affine_map<(d0, d1) -> (0, 0)>
module attributes {stable_mosaic.version = 14 : i64} {
  func.func @_body(%arg0: i32, %arg1: i32, %arg2: memref<4x2048x1024xf32, #tpu.memory_space<hbm>>, %arg3: memref<2048x1024xf32, #tpu.memory_space<hbm>>, %arg4: memref<1x2048xi32, #tpu.memory_space<hbm>>, %arg5: memref<4x2048x1024xf32, #tpu.memory_space<hbm>>, %arg6: memref<64xi32, #tpu.memory_space<vmem>>, %arg7: memref<2x16x1024xf32, #tpu.memory_space<vmem>>, %arg8: memref<4x16x1024xf32, #tpu.memory_space<vmem>>, %arg9: memref<!tpu.dma_semaphore, #tpu.memory_space<semaphore_mem>>, %arg10: memref<!tpu.dma_semaphore, #tpu.memory_space<semaphore_mem>>, %arg11: memref<!tpu.dma_semaphore, #tpu.memory_space<semaphore_mem>>, %arg12: memref<!tpu.dma_semaphore, #tpu.memory_space<semaphore_mem>>, %arg13: memref<!tpu.dma_semaphore, #tpu.memory_space<semaphore_mem>>, %arg14: memref<!tpu.dma_semaphore, #tpu.memory_space<semaphore_mem>>, %arg15: memref<!tpu.dma_semaphore, #tpu.memory_space<semaphore_mem>>, %arg16: memref<!tpu.dma_semaphore, #tpu.memory_space<semaphore_mem>>, %arg17: memref<!tpu.dma_semaphore, #tpu.memory_space<semaphore_mem>>, %arg18: memref<!tpu.dma_semaphore, #tpu.memory_space<semaphore_mem>>) attributes {dimension_semantics = [#tpu.dimension_semantics<core_parallel>, #tpu.dimension_semantics<subcore_parallel>], iteration_bounds = array<i64: 2, 16>, scalar_prefetch = 0 : i64, scratch_operands = 13 : i64, tpu.core_type = #tpu.core_type<sc_vector_subcore>, window_params = [{transform_indices = #map}, {transform_indices = #map1}, {transform_indices = #map1}, {transform_indices = #map}]} {
    %mul3A = arith.constant 2 : i32
    %mul3A_0 = arith.muli %arg1, %mul3A : i32
    %add3A = arith.addi %mul3A_0, %arg0 : i32
    %mul3A_1 = arith.constant 64 : i32
    %mul3A_2 = arith.muli %add3A, %mul3A_1 : i32
    %run_scoped3A = arith.constant 0 : i32
    "tpu.region"() ({
      %run_scoped3A_1216 = tpu.sem_alloc : memref<!tpu.dma_semaphore, #tpu.memory_space<semaphore_mem>>
      %dma_start3A_1217 = tpu.memref_slice %arg4[%run_scoped3A, %mul3A_2] : memref<1x2048xi32, #tpu.memory_space<hbm>> -> memref<1x64xi32, #tpu.memory_space<hbm>>
      %dma_start3A_1218 = tpu.memref_squeeze %dma_start3A_1217 : memref<1x64xi32, #tpu.memory_space<hbm>> -> memref<64xi32, #tpu.memory_space<hbm>>
      %dma_start3A_1219 = tpu.memref_slice %arg4[%run_scoped3A, %mul3A_2] : memref<1x2048xi32, #tpu.memory_space<hbm>> -> memref<1x64xi32, #tpu.memory_space<hbm>>
      %dma_start3A_1220 = tpu.memref_squeeze %dma_start3A_1219 : memref<1x64xi32, #tpu.memory_space<hbm>> -> memref<64xi32, #tpu.memory_space<hbm>>
      tpu.enqueue_dma source(%dma_start3A_1220 : memref<64xi32, #tpu.memory_space<hbm>>) target(%arg6 : memref<64xi32, #tpu.memory_space<vmem>>) target_semaphore(%run_scoped3A_1216 : memref<!tpu.dma_semaphore, #tpu.memory_space<semaphore_mem>>)
      %dma_wait3A_1221 = tpu.memref_slice %arg4[%run_scoped3A, %mul3A_2] : memref<1x2048xi32, #tpu.memory_space<hbm>> -> memref<1x64xi32, #tpu.memory_space<hbm>>
      %dma_wait3A_1222 = tpu.memref_squeeze %dma_wait3A_1221 : memref<1x64xi32, #tpu.memory_space<hbm>> -> memref<64xi32, #tpu.memory_space<hbm>>
      %dma_wait3A_1223 = tpu.memref_slice %arg4[%run_scoped3A, %mul3A_2] : memref<1x2048xi32, #tpu.memory_space<hbm>> -> memref<1x64xi32, #tpu.memory_space<hbm>>
      %dma_wait3A_1224 = tpu.memref_squeeze %dma_wait3A_1223 : memref<1x64xi32, #tpu.memory_space<hbm>> -> memref<64xi32, #tpu.memory_space<hbm>>
      tpu.wait_dma2 semaphore(%run_scoped3A_1216 : memref<!tpu.dma_semaphore, #tpu.memory_space<semaphore_mem>>) src(%dma_wait3A_1224 : memref<64xi32, #tpu.memory_space<hbm>>) dst(%arg6 : memref<64xi32, #tpu.memory_space<vmem>>)
      tpu.yield
    }) : () -> ()
    %dma_start3A = arith.constant 0 : i32
    %dma_start3A_3 = arith.constant 0 : i32
    %dma_start3A_4 = arith.constant 0 : i32
    %dma_start3A_5 = tpu.memref_slice %arg7[%dma_start3A, %dma_start3A_3, %dma_start3A_4] : memref<2x16x1024xf32, #tpu.memory_space<vmem>> -> memref<1x16x1024xf32, #tpu.memory_space<vmem>>
    %dma_start3A_6 = tpu.memref_squeeze %dma_start3A_5 : memref<1x16x1024xf32, #tpu.memory_space<vmem>> -> memref<16x1024xf32, #tpu.memory_space<vmem>>
    %dma_start3A_7 = arith.constant 0 : i32
    %dma_start3A_8 = tpu.memref_slice %arg6[%dma_start3A_7] : memref<64xi32, #tpu.memory_space<vmem>> -> memref<16xi32, #tpu.memory_space<vmem>>
    %dma_start3A_9 = arith.constant 0 : i32
    %dma_start3A_10 = arith.constant 0 : i32
    %dma_start3A_11 = tpu.memref_slice %arg3[%dma_start3A_9, %dma_start3A_10] : memref<2048x1024xf32, #tpu.memory_space<hbm>> -> memref<2048x1024xf32, #tpu.memory_space<hbm>>
    tpu.enqueue_indirect_dma source(%dma_start3A_11 : memref<2048x1024xf32, #tpu.memory_space<hbm>>) target(%dma_start3A_6 : memref<16x1024xf32, #tpu.memory_space<vmem>>) offsets(%dma_start3A_8 : memref<16xi32, #tpu.memory_space<vmem>>) semaphore(%arg17 : memref<!tpu.dma_semaphore, #tpu.memory_space<semaphore_mem>>)
    %add3A_12 = arith.constant 0 : i32
    %add3A_13 = arith.addi %mul3A_2, %add3A_12 : i32
    %dma_start3A_14 = arith.constant 0 : i32
    %dma_start3A_15 = arith.constant 0 : i32
    %dma_start3A_16 = arith.constant 0 : i32
    %dma_start3A_17 = arith.constant 0 : i32
    %dma_start3A_18 = tpu.memref_slice %arg8[%dma_start3A_15, %dma_start3A_16, %dma_start3A_17] : memref<4x16x1024xf32, #tpu.memory_space<vmem>> -> memref<1x16x1024xf32, #tpu.memory_space<vmem>>
    %dma_start3A_19 = tpu.memref_squeeze %dma_start3A_18 : memref<1x16x1024xf32, #tpu.memory_space<vmem>> -> memref<16x1024xf32, #tpu.memory_space<vmem>>
    %dma_start3A_20 = arith.constant 0 : i32
    %dma_start3A_21 = tpu.memref_slice %arg2[%dma_start3A_14, %add3A_13, %dma_start3A_20] : memref<4x2048x1024xf32, #tpu.memory_space<hbm>> -> memref<1x16x1024xf32, #tpu.memory_space<hbm>>
    %dma_start3A_22 = tpu.memref_squeeze %dma_start3A_21 : memref<1x16x1024xf32, #tpu.memory_space<hbm>> -> memref<16x1024xf32, #tpu.memory_space<hbm>>
    %dma_start3A_23 = arith.constant 0 : i32
    %dma_start3A_24 = arith.constant 0 : i32
    %dma_start3A_25 = tpu.memref_slice %arg8[%dma_start3A_15, %dma_start3A_23, %dma_start3A_24] : memref<4x16x1024xf32, #tpu.memory_space<vmem>> -> memref<1x16x1024xf32, #tpu.memory_space<vmem>>
    %dma_start3A_26 = tpu.memref_squeeze %dma_start3A_25 : memref<1x16x1024xf32, #tpu.memory_space<vmem>> -> memref<16x1024xf32, #tpu.memory_space<vmem>>
    %dma_start3A_27 = arith.constant 0 : i32
    %dma_start3A_28 = tpu.memref_slice %arg2[%dma_start3A_14, %add3A_13, %dma_start3A_27] : memref<4x2048x1024xf32, #tpu.memory_space<hbm>> -> memref<1x16x1024xf32, #tpu.memory_space<hbm>>
    %dma_start3A_29 = tpu.memref_squeeze %dma_start3A_28 : memref<1x16x1024xf32, #tpu.memory_space<hbm>> -> memref<16x1024xf32, #tpu.memory_space<hbm>>
    tpu.enqueue_dma source(%dma_start3A_29 : memref<16x1024xf32, #tpu.memory_space<hbm>>) target(%dma_start3A_26 : memref<16x1024xf32, #tpu.memory_space<vmem>>) target_semaphore(%arg9 : memref<!tpu.dma_semaphore, #tpu.memory_space<semaphore_mem>>)
    %add3A_30 = arith.constant 0 : i32
    %add3A_31 = arith.addi %mul3A_2, %add3A_30 : i32
    %dma_start3A_32 = arith.constant 1 : i32
    %dma_start3A_33 = arith.constant 1 : i32
    %dma_start3A_34 = arith.constant 0 : i32
    %dma_start3A_35 = arith.constant 0 : i32
    %dma_start3A_36 = tpu.memref_slice %arg8[%dma_start3A_33, %dma_start3A_34, %dma_start3A_35] : memref<4x16x1024xf32, #tpu.memory_space<vmem>> -> memref<1x16x1024xf32, #tpu.memory_space<vmem>>
    %dma_start3A_37 = tpu.memref_squeeze %dma_start3A_36 : memref<1x16x1024xf32, #tpu.memory_space<vmem>> -> memref<16x1024xf32, #tpu.memory_space<vmem>>
    %dma_start3A_38 = arith.constant 0 : i32
    %dma_start3A_39 = tpu.memref_slice %arg2[%dma_start3A_32, %add3A_31, %dma_start3A_38] : memref<4x2048x1024xf32, #tpu.memory_space<hbm>> -> memref<1x16x1024xf32, #tpu.memory_space<hbm>>
    %dma_start3A_40 = tpu.memref_squeeze %dma_start3A_39 : memref<1x16x1024xf32, #tpu.memory_space<hbm>> -> memref<16x1024xf32, #tpu.memory_space<hbm>>
    %dma_start3A_41 = arith.constant 0 : i32
    %dma_start3A_42 = arith.constant 0 : i32
    %dma_start3A_43 = tpu.memref_slice %arg8[%dma_start3A_33, %dma_start3A_41, %dma_start3A_42] : memref<4x16x1024xf32, #tpu.memory_space<vmem>> -> memref<1x16x1024xf32, #tpu.memory_space<vmem>>
    %dma_start3A_44 = tpu.memref_squeeze %dma_start3A_43 : memref<1x16x1024xf32, #tpu.memory_space<vmem>> -> memref<16x1024xf32, #tpu.memory_space<vmem>>
    %dma_start3A_45 = arith.constant 0 : i32
    %dma_start3A_46 = tpu.memref_slice %arg2[%dma_start3A_32, %add3A_31, %dma_start3A_45] : memref<4x2048x1024xf32, #tpu.memory_space<hbm>> -> memref<1x16x1024xf32, #tpu.memory_space<hbm>>
    %dma_start3A_47 = tpu.memref_squeeze %dma_start3A_46 : memref<1x16x1024xf32, #tpu.memory_space<hbm>> -> memref<16x1024xf32, #tpu.memory_space<hbm>>
    tpu.enqueue_dma source(%dma_start3A_47 : memref<16x1024xf32, #tpu.memory_space<hbm>>) target(%dma_start3A_44 : memref<16x1024xf32, #tpu.memory_space<vmem>>) target_semaphore(%arg10 : memref<!tpu.dma_semaphore, #tpu.memory_space<semaphore_mem>>)
    %add3A_48 = arith.constant 0 : i32
    %add3A_49 = arith.addi %mul3A_2, %add3A_48 : i32
    %dma_start3A_50 = arith.constant 2 : i32
    %dma_start3A_51 = arith.constant 2 : i32
    %dma_start3A_52 = arith.constant 0 : i32
    %dma_start3A_53 = arith.constant 0 : i32
    %dma_start3A_54 = tpu.memref_slice %arg8[%dma_start3A_51, %dma_start3A_52, %dma_start3A_53] : memref<4x16x1024xf32, #tpu.memory_space<vmem>> -> memref<1x16x1024xf32, #tpu.memory_space<vmem>>
    %dma_start3A_55 = tpu.memref_squeeze %dma_start3A_54 : memref<1x16x1024xf32, #tpu.memory_space<vmem>> -> memref<16x1024xf32, #tpu.memory_space<vmem>>
    %dma_start3A_56 = arith.constant 0 : i32
    %dma_start3A_57 = tpu.memref_slice %arg2[%dma_start3A_50, %add3A_49, %dma_start3A_56] : memref<4x2048x1024xf32, #tpu.memory_space<hbm>> -> memref<1x16x1024xf32, #tpu.memory_space<hbm>>
    %dma_start3A_58 = tpu.memref_squeeze %dma_start3A_57 : memref<1x16x1024xf32, #tpu.memory_space<hbm>> -> memref<16x1024xf32, #tpu.memory_space<hbm>>
    %dma_start3A_59 = arith.constant 0 : i32
    %dma_start3A_60 = arith.constant 0 : i32
    %dma_start3A_61 = tpu.memref_slice %arg8[%dma_start3A_51, %dma_start3A_59, %dma_start3A_60] : memref<4x16x1024xf32, #tpu.memory_space<vmem>> -> memref<1x16x1024xf32, #tpu.memory_space<vmem>>
    %dma_start3A_62 = tpu.memref_squeeze %dma_start3A_61 : memref<1x16x1024xf32, #tpu.memory_space<vmem>> -> memref<16x1024xf32, #tpu.memory_space<vmem>>
    %dma_start3A_63 = arith.constant 0 : i32
    %dma_start3A_64 = tpu.memref_slice %arg2[%dma_start3A_50, %add3A_49, %dma_start3A_63] : memref<4x2048x1024xf32, #tpu.memory_space<hbm>> -> memref<1x16x1024xf32, #tpu.memory_space<hbm>>
    %dma_start3A_65 = tpu.memref_squeeze %dma_start3A_64 : memref<1x16x1024xf32, #tpu.memory_space<hbm>> -> memref<16x1024xf32, #tpu.memory_space<hbm>>
    tpu.enqueue_dma source(%dma_start3A_65 : memref<16x1024xf32, #tpu.memory_space<hbm>>) target(%dma_start3A_62 : memref<16x1024xf32, #tpu.memory_space<vmem>>) target_semaphore(%arg11 : memref<!tpu.dma_semaphore, #tpu.memory_space<semaphore_mem>>)
    %dma_start3A_66 = arith.constant 1 : i32
    %dma_start3A_67 = arith.constant 0 : i32
    %dma_start3A_68 = arith.constant 0 : i32
    %dma_start3A_69 = tpu.memref_slice %arg7[%dma_start3A_66, %dma_start3A_67, %dma_start3A_68] : memref<2x16x1024xf32, #tpu.memory_space<vmem>> -> memref<1x16x1024xf32, #tpu.memory_space<vmem>>
    %dma_start3A_70 = tpu.memref_squeeze %dma_start3A_69 : memref<1x16x1024xf32, #tpu.memory_space<vmem>> -> memref<16x1024xf32, #tpu.memory_space<vmem>>
    %dma_start3A_71 = arith.constant 16 : i32
    %dma_start3A_72 = tpu.memref_slice %arg6[%dma_start3A_71] : memref<64xi32, #tpu.memory_space<vmem>> -> memref<16xi32, #tpu.memory_space<vmem>>
    %dma_start3A_73 = arith.constant 0 : i32
    %dma_start3A_74 = arith.constant 0 : i32
    %dma_start3A_75 = tpu.memref_slice %arg3[%dma_start3A_73, %dma_start3A_74] : memref<2048x1024xf32, #tpu.memory_space<hbm>> -> memref<2048x1024xf32, #tpu.memory_space<hbm>>
    tpu.enqueue_indirect_dma source(%dma_start3A_75 : memref<2048x1024xf32, #tpu.memory_space<hbm>>) target(%dma_start3A_70 : memref<16x1024xf32, #tpu.memory_space<vmem>>) offsets(%dma_start3A_72 : memref<16xi32, #tpu.memory_space<vmem>>) semaphore(%arg18 : memref<!tpu.dma_semaphore, #tpu.memory_space<semaphore_mem>>)
    %dma_wait3A = arith.constant 0 : i32
    %dma_wait3A_76 = arith.constant 0 : i32
    %dma_wait3A_77 = arith.constant 0 : i32
    %dma_wait3A_78 = tpu.memref_slice %arg7[%dma_wait3A, %dma_wait3A_76, %dma_wait3A_77] : memref<2x16x1024xf32, #tpu.memory_space<vmem>> -> memref<1x16x1024xf32, #tpu.memory_space<vmem>>
    %dma_wait3A_79 = tpu.memref_squeeze %dma_wait3A_78 : memref<1x16x1024xf32, #tpu.memory_space<vmem>> -> memref<16x1024xf32, #tpu.memory_space<vmem>>
    %dma_wait3A_80 = arith.constant 0 : i32
    %dma_wait3A_81 = tpu.memref_slice %arg6[%dma_wait3A_80] : memref<64xi32, #tpu.memory_space<vmem>> -> memref<16xi32, #tpu.memory_space<vmem>>
    %dma_wait3A_82 = arith.constant 0 : i32
    %dma_wait3A_83 = arith.constant 0 : i32
    %dma_wait3A_84 = tpu.memref_slice %arg3[%dma_wait3A_82, %dma_wait3A_83] : memref<2048x1024xf32, #tpu.memory_space<hbm>> -> memref<2048x1024xf32, #tpu.memory_space<hbm>>
    tpu.wait_indirect_dma semaphore(%arg17 : memref<!tpu.dma_semaphore, #tpu.memory_space<semaphore_mem>>) src(%dma_wait3A_84 : memref<2048x1024xf32, #tpu.memory_space<hbm>>) dst(%dma_wait3A_79 : memref<16x1024xf32, #tpu.memory_space<vmem>>)
    %dma_wait3A_85 = arith.constant 0 : i32
    %dma_wait3A_86 = arith.constant 0 : i32
    %dma_wait3A_87 = arith.constant 0 : i32
    %dma_wait3A_88 = arith.constant 0 : i32
    %dma_wait3A_89 = tpu.memref_slice %arg8[%dma_wait3A_86, %dma_wait3A_87, %dma_wait3A_88] : memref<4x16x1024xf32, #tpu.memory_space<vmem>> -> memref<1x16x1024xf32, #tpu.memory_space<vmem>>
    %dma_wait3A_90 = tpu.memref_squeeze %dma_wait3A_89 : memref<1x16x1024xf32, #tpu.memory_space<vmem>> -> memref<16x1024xf32, #tpu.memory_space<vmem>>
    %dma_wait3A_91 = arith.constant 0 : i32
    %dma_wait3A_92 = tpu.memref_slice %arg2[%dma_wait3A_85, %add3A_13, %dma_wait3A_91] : memref<4x2048x1024xf32, #tpu.memory_space<hbm>> -> memref<1x16x1024xf32, #tpu.memory_space<hbm>>
    %dma_wait3A_93 = tpu.memref_squeeze %dma_wait3A_92 : memref<1x16x1024xf32, #tpu.memory_space<hbm>> -> memref<16x1024xf32, #tpu.memory_space<hbm>>
    %dma_wait3A_94 = arith.constant 0 : i32
    %dma_wait3A_95 = arith.constant 0 : i32
    %dma_wait3A_96 = tpu.memref_slice %arg8[%dma_wait3A_86, %dma_wait3A_94, %dma_wait3A_95] : memref<4x16x1024xf32, #tpu.memory_space<vmem>> -> memref<1x16x1024xf32, #tpu.memory_space<vmem>>
    %dma_wait3A_97 = tpu.memref_squeeze %dma_wait3A_96 : memref<1x16x1024xf32, #tpu.memory_space<vmem>> -> memref<16x1024xf32, #tpu.memory_space<vmem>>
    %dma_wait3A_98 = arith.constant 0 : i32
    %dma_wait3A_99 = tpu.memref_slice %arg2[%dma_wait3A_85, %add3A_13, %dma_wait3A_98] : memref<4x2048x1024xf32, #tpu.memory_space<hbm>> -> memref<1x16x1024xf32, #tpu.memory_space<hbm>>
    %dma_wait3A_100 = tpu.memref_squeeze %dma_wait3A_99 : memref<1x16x1024xf32, #tpu.memory_space<hbm>> -> memref<16x1024xf32, #tpu.memory_space<hbm>>
    tpu.wait_dma2 semaphore(%arg9 : memref<!tpu.dma_semaphore, #tpu.memory_space<semaphore_mem>>) src(%dma_wait3A_100 : memref<16x1024xf32, #tpu.memory_space<hbm>>) dst(%dma_wait3A_97 : memref<16x1024xf32, #tpu.memory_space<vmem>>)
    %parallel_loop3A = arith.constant 0 : i32
    %parallel_loop3A_101 = arith.constant 1024 : i32
    %parallel_loop3A_102 = arith.constant 1 : i32
    scf.for %parallel_loop3A_1216 = %parallel_loop3A to %parallel_loop3A_101 step %parallel_loop3A_102  : i32 {
      %parallel_loop3A_1217 = arith.constant 64 : i32
      %parallel_loop3A_1218 = arith.divsi %parallel_loop3A_1216, %parallel_loop3A_1217 : i32
      %parallel_loop3A_1219 = arith.constant 0 : i32
      %parallel_loop3A_1220 = arith.cmpi sgt, %parallel_loop3A_1216, %parallel_loop3A_1219 : i32
      %parallel_loop3A_1221 = arith.extui %parallel_loop3A_1220 : i1 to i32
      %parallel_loop3A_1222 = arith.constant 0 : i32
      %parallel_loop3A_1223 = arith.cmpi slt, %parallel_loop3A_1216, %parallel_loop3A_1222 : i32
      %parallel_loop3A_1224 = arith.extui %parallel_loop3A_1223 : i1 to i32
      %parallel_loop3A_1225 = arith.subi %parallel_loop3A_1221, %parallel_loop3A_1224 : i32
      %parallel_loop3A_1226 = arith.constant 0 : i32
      %parallel_loop3A_1227 = arith.cmpi sgt, %parallel_loop3A_1217, %parallel_loop3A_1226 : i32
      %parallel_loop3A_1228 = arith.extui %parallel_loop3A_1227 : i1 to i32
      %parallel_loop3A_1229 = arith.constant 0 : i32
      %parallel_loop3A_1230 = arith.cmpi slt, %parallel_loop3A_1217, %parallel_loop3A_1229 : i32
      %parallel_loop3A_1231 = arith.extui %parallel_loop3A_1230 : i1 to i32
      %parallel_loop3A_1232 = arith.subi %parallel_loop3A_1228, %parallel_loop3A_1231 : i32
      %parallel_loop3A_1233 = arith.cmpi ne, %parallel_loop3A_1225, %parallel_loop3A_1232 : i32
      %parallel_loop3A_1234 = arith.remsi %parallel_loop3A_1216, %parallel_loop3A_1217 : i32
      %parallel_loop3A_1235 = arith.constant 0 : i32
      %parallel_loop3A_1236 = arith.cmpi ne, %parallel_loop3A_1234, %parallel_loop3A_1235 : i32
      %parallel_loop3A_1237 = arith.andi %parallel_loop3A_1233, %parallel_loop3A_1236 : i1
      %parallel_loop3A_1238 = arith.constant 1 : i32
      %parallel_loop3A_1239 = arith.subi %parallel_loop3A_1218, %parallel_loop3A_1238 : i32
      %parallel_loop3A_1240 = arith.select %parallel_loop3A_1237, %parallel_loop3A_1239, %parallel_loop3A_1218 : i32
      %parallel_loop3A_1241 = arith.constant 64 : i32
      %parallel_loop3A_1242 = arith.constant 0 : i32
      %parallel_loop3A_1243 = arith.cmpi eq, %parallel_loop3A_1241, %parallel_loop3A_1242 : i32
      %parallel_loop3A_1244 = arith.constant 1 : i32
      %parallel_loop3A_1245 = arith.select %parallel_loop3A_1243, %parallel_loop3A_1244, %parallel_loop3A_1241 : i32
      %parallel_loop3A_1246 = arith.remsi %parallel_loop3A_1216, %parallel_loop3A_1245 : i32
      %parallel_loop3A_1247 = arith.constant 0 : i32
      %parallel_loop3A_1248 = arith.cmpi ne, %parallel_loop3A_1246, %parallel_loop3A_1247 : i32
      %parallel_loop3A_1249 = arith.constant 0 : i32
      %parallel_loop3A_1250 = arith.cmpi slt, %parallel_loop3A_1246, %parallel_loop3A_1249 : i32
      %parallel_loop3A_1251 = arith.constant 0 : i32
      %parallel_loop3A_1252 = arith.cmpi slt, %parallel_loop3A_1245, %parallel_loop3A_1251 : i32
      %parallel_loop3A_1253 = arith.xori %parallel_loop3A_1250, %parallel_loop3A_1252 : i1
      %parallel_loop3A_1254 = arith.andi %parallel_loop3A_1253, %parallel_loop3A_1248 : i1
      %parallel_loop3A_1255 = arith.addi %parallel_loop3A_1246, %parallel_loop3A_1245 : i32
      %parallel_loop3A_1256 = arith.select %parallel_loop3A_1254, %parallel_loop3A_1255, %parallel_loop3A_1246 : i32
      %parallel_loop3A_1257 = arith.constant 16 : i32
      %parallel_loop3A_1258 = arith.muli %parallel_loop3A_1256, %parallel_loop3A_1257 : i32
      %parallel_loop3A_1259 = arith.constant 0 : i32
      %parallel_loop3A_1260 = arith.index_cast %parallel_loop3A_1259 : i32 to index
      %parallel_loop3A_1261 = arith.index_cast %parallel_loop3A_1240 : i32 to index
      %parallel_loop3A_1262 = arith.index_cast %parallel_loop3A_1258 : i32 to index
      %parallel_loop3A_1263 = tpu.vector_load %arg7[%parallel_loop3A_1260, %parallel_loop3A_1261, %parallel_loop3A_1262] {strides = array<i32>} : memref<2x16x1024xf32, #tpu.memory_space<vmem>>, vector<1x1x16xf32>,
      %parallel_loop3A_1264 = vector.shape_cast %parallel_loop3A_1263 : vector<1x1x16xf32> to vector<16xf32>
      %parallel_loop3A_1265 = arith.constant 0 : i32
      %parallel_loop3A_1266 = arith.index_cast %parallel_loop3A_1265 : i32 to index
      %parallel_loop3A_1267 = arith.index_cast %parallel_loop3A_1240 : i32 to index
      %parallel_loop3A_1268 = arith.index_cast %parallel_loop3A_1258 : i32 to index
      %parallel_loop3A_1269 = tpu.vector_load %arg8[%parallel_loop3A_1266, %parallel_loop3A_1267, %parallel_loop3A_1268] {strides = array<i32>} : memref<4x16x1024xf32, #tpu.memory_space<vmem>>, vector<1x1x16xf32>,
      %parallel_loop3A_1270 = vector.shape_cast %parallel_loop3A_1269 : vector<1x1x16xf32> to vector<16xf32>
      %parallel_loop3A_1271 = vector.shape_cast %parallel_loop3A_1264 : vector<16xf32> to vector<1x1x16xf32>
      tpu.vector_store %arg8[%parallel_loop3A_1266, %parallel_loop3A_1267, %parallel_loop3A_1268], %parallel_loop3A_1271 {add = true, strides = array<i32>} : memref<4x16x1024xf32, #tpu.memory_space<vmem>>, vector<1x1x16xf32>,
    } {sc.loop_unroll_factor = 8 : i64, sc.parallel_access}
    %add3A_103 = arith.constant 0 : i32
    %add3A_104 = arith.addi %mul3A_2, %add3A_103 : i32
    %dma_start3A_105 = arith.constant 0 : i32
    %dma_start3A_106 = arith.constant 0 : i32
    %dma_start3A_107 = arith.constant 0 : i32
    %dma_start3A_108 = arith.constant 0 : i32
    %dma_start3A_109 = tpu.memref_slice %arg8[%dma_start3A_105, %dma_start3A_107, %dma_start3A_108] : memref<4x16x1024xf32, #tpu.memory_space<vmem>> -> memref<1x16x1024xf32, #tpu.memory_space<vmem>>
    %dma_start3A_110 = tpu.memref_squeeze %dma_start3A_109 : memref<1x16x1024xf32, #tpu.memory_space<vmem>> -> memref<16x1024xf32, #tpu.memory_space<vmem>>
    %dma_start3A_111 = arith.constant 0 : i32
    %dma_start3A_112 = tpu.memref_slice %arg5[%dma_start3A_106, %add3A_104, %dma_start3A_111] : memref<4x2048x1024xf32, #tpu.memory_space<hbm>> -> memref<1x16x1024xf32, #tpu.memory_space<hbm>>
    %dma_start3A_113 = tpu.memref_squeeze %dma_start3A_112 : memref<1x16x1024xf32, #tpu.memory_space<hbm>> -> memref<16x1024xf32, #tpu.memory_space<hbm>>
    %dma_start3A_114 = arith.constant 0 : i32
    %dma_start3A_115 = tpu.memref_slice %arg5[%dma_start3A_106, %add3A_104, %dma_start3A_114] : memref<4x2048x1024xf32, #tpu.memory_space<hbm>> -> memref<1x16x1024xf32, #tpu.memory_space<hbm>>
    %dma_start3A_116 = tpu.memref_squeeze %dma_start3A_115 : memref<1x16x1024xf32, #tpu.memory_space<hbm>> -> memref<16x1024xf32, #tpu.memory_space<hbm>>
    %dma_start3A_117 = arith.constant 0 : i32
    %dma_start3A_118 = arith.constant 0 : i32
    %dma_start3A_119 = tpu.memref_slice %arg8[%dma_start3A_105, %dma_start3A_117, %dma_start3A_118] : memref<4x16x1024xf32, #tpu.memory_space<vmem>> -> memref<1x16x1024xf32, #tpu.memory_space<vmem>>
    %dma_start3A_120 = tpu.memref_squeeze %dma_start3A_119 : memref<1x16x1024xf32, #tpu.memory_space<vmem>> -> memref<16x1024xf32, #tpu.memory_space<vmem>>
    tpu.enqueue_dma source(%dma_start3A_120 : memref<16x1024xf32, #tpu.memory_space<vmem>>) target(%dma_start3A_116 : memref<16x1024xf32, #tpu.memory_space<hbm>>) target_semaphore(%arg13 : memref<!tpu.dma_semaphore, #tpu.memory_space<semaphore_mem>>)
    %add3A_121 = arith.constant 0 : i32
    %add3A_122 = arith.addi %mul3A_2, %add3A_121 : i32
    %dma_start3A_123 = arith.constant 3 : i32
    %dma_start3A_124 = arith.constant 3 : i32
    %dma_start3A_125 = arith.constant 0 : i32
    %dma_start3A_126 = arith.constant 0 : i32
    %dma_start3A_127 = tpu.memref_slice %arg8[%dma_start3A_124, %dma_start3A_125, %dma_start3A_126] : memref<4x16x1024xf32, #tpu.memory_space<vmem>> -> memref<1x16x1024xf32, #tpu.memory_space<vmem>>
    %dma_start3A_128 = tpu.memref_squeeze %dma_start3A_127 : memref<1x16x1024xf32, #tpu.memory_space<vmem>> -> memref<16x1024xf32, #tpu.memory_space<vmem>>
    %dma_start3A_129 = arith.constant 0 : i32
    %dma_start3A_130 = tpu.memref_slice %arg2[%dma_start3A_123, %add3A_122, %dma_start3A_129] : memref<4x2048x1024xf32, #tpu.memory_space<hbm>> -> memref<1x16x1024xf32, #tpu.memory_space<hbm>>
    %dma_start3A_131 = tpu.memref_squeeze %dma_start3A_130 : memref<1x16x1024xf32, #tpu.memory_space<hbm>> -> memref<16x1024xf32, #tpu.memory_space<hbm>>
    %dma_start3A_132 = arith.constant 0 : i32
    %dma_start3A_133 = arith.constant 0 : i32
    %dma_start3A_134 = tpu.memref_slice %arg8[%dma_start3A_124, %dma_start3A_132, %dma_start3A_133] : memref<4x16x1024xf32, #tpu.memory_space<vmem>> -> memref<1x16x1024xf32, #tpu.memory_space<vmem>>
    %dma_start3A_135 = tpu.memref_squeeze %dma_start3A_134 : memref<1x16x1024xf32, #tpu.memory_space<vmem>> -> memref<16x1024xf32, #tpu.memory_space<vmem>>
    %dma_start3A_136 = arith.constant 0 : i32
    %dma_start3A_137 = tpu.memref_slice %arg2[%dma_start3A_123, %add3A_122, %dma_start3A_136] : memref<4x2048x1024xf32, #tpu.memory_space<hbm>> -> memref<1x16x1024xf32, #tpu.memory_space<hbm>>
    %dma_start3A_138 = tpu.memref_squeeze %dma_start3A_137 : memref<1x16x1024xf32, #tpu.memory_space<hbm>> -> memref<16x1024xf32, #tpu.memory_space<hbm>>
    tpu.enqueue_dma source(%dma_start3A_138 : memref<16x1024xf32, #tpu.memory_space<hbm>>) target(%dma_start3A_135 : memref<16x1024xf32, #tpu.memory_space<vmem>>) target_semaphore(%arg12 : memref<!tpu.dma_semaphore, #tpu.memory_space<semaphore_mem>>)
    %dma_wait3A_139 = arith.constant 1 : i32
    %dma_wait3A_140 = arith.constant 1 : i32
    %dma_wait3A_141 = arith.constant 0 : i32
    %dma_wait3A_142 = arith.constant 0 : i32
    %dma_wait3A_143 = tpu.memref_slice %arg8[%dma_wait3A_140, %dma_wait3A_141, %dma_wait3A_142] : memref<4x16x1024xf32, #tpu.memory_space<vmem>> -> memref<1x16x1024xf32, #tpu.memory_space<vmem>>
    %dma_wait3A_144 = tpu.memref_squeeze %dma_wait3A_143 : memref<1x16x1024xf32, #tpu.memory_space<vmem>> -> memref<16x1024xf32, #tpu.memory_space<vmem>>
    %dma_wait3A_145 = arith.constant 0 : i32
    %dma_wait3A_146 = tpu.memref_slice %arg2[%dma_wait3A_139, %add3A_31, %dma_wait3A_145] : memref<4x2048x1024xf32, #tpu.memory_space<hbm>> -> memref<1x16x1024xf32, #tpu.memory_space<hbm>>
    %dma_wait3A_147 = tpu.memref_squeeze %dma_wait3A_146 : memref<1x16x1024xf32, #tpu.memory_space<hbm>> -> memref<16x1024xf32, #tpu.memory_space<hbm>>
    %dma_wait3A_148 = arith.constant 0 : i32
    %dma_wait3A_149 = arith.constant 0 : i32
    %dma_wait3A_150 = tpu.memref_slice %arg8[%dma_wait3A_140, %dma_wait3A_148, %dma_wait3A_149] : memref<4x16x1024xf32, #tpu.memory_space<vmem>> -> memref<1x16x1024xf32, #tpu.memory_space<vmem>>
    %dma_wait3A_151 = tpu.memref_squeeze %dma_wait3A_150 : memref<1x16x1024xf32, #tpu.memory_space<vmem>> -> memref<16x1024xf32, #tpu.memory_space<vmem>>
    %dma_wait3A_152 = arith.constant 0 : i32
    %dma_wait3A_153 = tpu.memref_slice %arg2[%dma_wait3A_139, %add3A_31, %dma_wait3A_152] : memref<4x2048x1024xf32, #tpu.memory_space<hbm>> -> memref<1x16x1024xf32, #tpu.memory_space<hbm>>
    %dma_wait3A_154 = tpu.memref_squeeze %dma_wait3A_153 : memref<1x16x1024xf32, #tpu.memory_space<hbm>> -> memref<16x1024xf32, #tpu.memory_space<hbm>>
    tpu.wait_dma2 semaphore(%arg10 : memref<!tpu.dma_semaphore, #tpu.memory_space<semaphore_mem>>) src(%dma_wait3A_154 : memref<16x1024xf32, #tpu.memory_space<hbm>>) dst(%dma_wait3A_151 : memref<16x1024xf32, #tpu.memory_space<vmem>>)
    %parallel_loop3A_155 = arith.constant 0 : i32
    %parallel_loop3A_156 = arith.constant 1024 : i32
    %parallel_loop3A_157 = arith.constant 1 : i32
    scf.for %parallel_loop3A_1216 = %parallel_loop3A_155 to %parallel_loop3A_156 step %parallel_loop3A_157  : i32 {
      %parallel_loop3A_1217 = arith.constant 64 : i32
      %parallel_loop3A_1218 = arith.divsi %parallel_loop3A_1216, %parallel_loop3A_1217 : i32
      %parallel_loop3A_1219 = arith.constant 0 : i32
      %parallel_loop3A_1220 = arith.cmpi sgt, %parallel_loop3A_1216, %parallel_loop3A_1219 : i32
      %parallel_loop3A_1221 = arith.extui %parallel_loop3A_1220 : i1 to i32
      %parallel_loop3A_1222 = arith.constant 0 : i32
      %parallel_loop3A_1223 = arith.cmpi slt, %parallel_loop3A_1216, %parallel_loop3A_1222 : i32
      %parallel_loop3A_1224 = arith.extui %parallel_loop3A_1223 : i1 to i32
      %parallel_loop3A_1225 = arith.subi %parallel_loop3A_1221, %parallel_loop3A_1224 : i32
      %parallel_loop3A_1226 = arith.constant 0 : i32
      %parallel_loop3A_1227 = arith.cmpi sgt, %parallel_loop3A_1217, %parallel_loop3A_1226 : i32
      %parallel_loop3A_1228 = arith.extui %parallel_loop3A_1227 : i1 to i32
      %parallel_loop3A_1229 = arith.constant 0 : i32
      %parallel_loop3A_1230 = arith.cmpi slt, %parallel_loop3A_1217, %parallel_loop3A_1229 : i32
      %parallel_loop3A_1231 = arith.extui %parallel_loop3A_1230 : i1 to i32
      %parallel_loop3A_1232 = arith.subi %parallel_loop3A_1228, %parallel_loop3A_1231 : i32
      %parallel_loop3A_1233 = arith.cmpi ne, %parallel_loop3A_1225, %parallel_loop3A_1232 : i32
      %parallel_loop3A_1234 = arith.remsi %parallel_loop3A_1216, %parallel_loop3A_1217 : i32
      %parallel_loop3A_1235 = arith.constant 0 : i32
      %parallel_loop3A_1236 = arith.cmpi ne, %parallel_loop3A_1234, %parallel_loop3A_1235 : i32
      %parallel_loop3A_1237 = arith.andi %parallel_loop3A_1233, %parallel_loop3A_1236 : i1
      %parallel_loop3A_1238 = arith.constant 1 : i32
      %parallel_loop3A_1239 = arith.subi %parallel_loop3A_1218, %parallel_loop3A_1238 : i32
      %parallel_loop3A_1240 = arith.select %parallel_loop3A_1237, %parallel_loop3A_1239, %parallel_loop3A_1218 : i32
      %parallel_loop3A_1241 = arith.constant 64 : i32
      %parallel_loop3A_1242 = arith.constant 0 : i32
      %parallel_loop3A_1243 = arith.cmpi eq, %parallel_loop3A_1241, %parallel_loop3A_1242 : i32
      %parallel_loop3A_1244 = arith.constant 1 : i32
      %parallel_loop3A_1245 = arith.select %parallel_loop3A_1243, %parallel_loop3A_1244, %parallel_loop3A_1241 : i32
      %parallel_loop3A_1246 = arith.remsi %parallel_loop3A_1216, %parallel_loop3A_1245 : i32
      %parallel_loop3A_1247 = arith.constant 0 : i32
      %parallel_loop3A_1248 = arith.cmpi ne, %parallel_loop3A_1246, %parallel_loop3A_1247 : i32
      %parallel_loop3A_1249 = arith.constant 0 : i32
      %parallel_loop3A_1250 = arith.cmpi slt, %parallel_loop3A_1246, %parallel_loop3A_1249 : i32
      %parallel_loop3A_1251 = arith.constant 0 : i32
      %parallel_loop3A_1252 = arith.cmpi slt, %parallel_loop3A_1245, %parallel_loop3A_1251 : i32
      %parallel_loop3A_1253 = arith.xori %parallel_loop3A_1250, %parallel_loop3A_1252 : i1
      %parallel_loop3A_1254 = arith.andi %parallel_loop3A_1253, %parallel_loop3A_1248 : i1
      %parallel_loop3A_1255 = arith.addi %parallel_loop3A_1246, %parallel_loop3A_1245 : i32
      %parallel_loop3A_1256 = arith.select %parallel_loop3A_1254, %parallel_loop3A_1255, %parallel_loop3A_1246 : i32
      %parallel_loop3A_1257 = arith.constant 16 : i32
      %parallel_loop3A_1258 = arith.muli %parallel_loop3A_1256, %parallel_loop3A_1257 : i32
      %parallel_loop3A_1259 = arith.constant 0 : i32
      %parallel_loop3A_1260 = arith.index_cast %parallel_loop3A_1259 : i32 to index
      %parallel_loop3A_1261 = arith.index_cast %parallel_loop3A_1240 : i32 to index
      %parallel_loop3A_1262 = arith.index_cast %parallel_loop3A_1258 : i32 to index
      %parallel_loop3A_1263 = tpu.vector_load %arg7[%parallel_loop3A_1260, %parallel_loop3A_1261, %parallel_loop3A_1262] {strides = array<i32>} : memref<2x16x1024xf32, #tpu.memory_space<vmem>>, vector<1x1x16xf32>,
      %parallel_loop3A_1264 = vector.shape_cast %parallel_loop3A_1263 : vector<1x1x16xf32> to vector<16xf32>
      %parallel_loop3A_1265 = arith.constant 1 : i32
      %parallel_loop3A_1266 = arith.index_cast %parallel_loop3A_1265 : i32 to index
      %parallel_loop3A_1267 = arith.index_cast %parallel_loop3A_1240 : i32 to index
      %parallel_loop3A_1268 = arith.index_cast %parallel_loop3A_1258 : i32 to index
      %parallel_loop3A_1269 = tpu.vector_load %arg8[%parallel_loop3A_1266, %parallel_loop3A_1267, %parallel_loop3A_1268] {strides = array<i32>} : memref<4x16x1024xf32, #tpu.memory_space<vmem>>, vector<1x1x16xf32>,
      %parallel_loop3A_1270 = vector.shape_cast %parallel_loop3A_1269 : vector<1x1x16xf32> to vector<16xf32>
      %parallel_loop3A_1271 = vector.shape_cast %parallel_loop3A_1264 : vector<16xf32> to vector<1x1x16xf32>
      tpu.vector_store %arg8[%parallel_loop3A_1266, %parallel_loop3A_1267, %parallel_loop3A_1268], %parallel_loop3A_1271 {add = true, strides = array<i32>} : memref<4x16x1024xf32, #tpu.memory_space<vmem>>, vector<1x1x16xf32>,
    } {sc.loop_unroll_factor = 8 : i64, sc.parallel_access}
    %add3A_158 = arith.constant 0 : i32
    %add3A_159 = arith.addi %mul3A_2, %add3A_158 : i32
    %dma_start3A_160 = arith.constant 1 : i32
    %dma_start3A_161 = arith.constant 1 : i32
    %dma_start3A_162 = arith.constant 0 : i32
    %dma_start3A_163 = arith.constant 0 : i32
    %dma_start3A_164 = tpu.memref_slice %arg8[%dma_start3A_160, %dma_start3A_162, %dma_start3A_163] : memref<4x16x1024xf32, #tpu.memory_space<vmem>> -> memref<1x16x1024xf32, #tpu.memory_space<vmem>>
    %dma_start3A_165 = tpu.memref_squeeze %dma_start3A_164 : memref<1x16x1024xf32, #tpu.memory_space<vmem>> -> memref<16x1024xf32, #tpu.memory_space<vmem>>
    %dma_start3A_166 = arith.constant 0 : i32
    %dma_start3A_167 = tpu.memref_slice %arg5[%dma_start3A_161, %add3A_159, %dma_start3A_166] : memref<4x2048x1024xf32, #tpu.memory_space<hbm>> -> memref<1x16x1024xf32, #tpu.memory_space<hbm>>
    %dma_start3A_168 = tpu.memref_squeeze %dma_start3A_167 : memref<1x16x1024xf32, #tpu.memory_space<hbm>> -> memref<16x1024xf32, #tpu.memory_space<hbm>>
    %dma_start3A_169 = arith.constant 0 : i32
    %dma_start3A_170 = tpu.memref_slice %arg5[%dma_start3A_161, %add3A_159, %dma_start3A_169] : memref<4x2048x1024xf32, #tpu.memory_space<hbm>> -> memref<1x16x1024xf32, #tpu.memory_space<hbm>>
    %dma_start3A_171 = tpu.memref_squeeze %dma_start3A_170 : memref<1x16x1024xf32, #tpu.memory_space<hbm>> -> memref<16x1024xf32, #tpu.memory_space<hbm>>
    %dma_start3A_172 = arith.constant 0 : i32
    %dma_start3A_173 = arith.constant 0 : i32
    %dma_start3A_174 = tpu.memref_slice %arg8[%dma_start3A_160, %dma_start3A_172, %dma_start3A_173] : memref<4x16x1024xf32, #tpu.memory_space<vmem>> -> memref<1x16x1024xf32, #tpu.memory_space<vmem>>
    %dma_start3A_175 = tpu.memref_squeeze %dma_start3A_174 : memref<1x16x1024xf32, #tpu.memory_space<vmem>> -> memref<16x1024xf32, #tpu.memory_space<vmem>>
    tpu.enqueue_dma source(%dma_start3A_175 : memref<16x1024xf32, #tpu.memory_space<vmem>>) target(%dma_start3A_171 : memref<16x1024xf32, #tpu.memory_space<hbm>>) target_semaphore(%arg14 : memref<!tpu.dma_semaphore, #tpu.memory_space<semaphore_mem>>)
    %dma_wait3A_176 = arith.constant 0 : i32
    %dma_wait3A_177 = arith.constant 0 : i32
    %dma_wait3A_178 = arith.constant 0 : i32
    %dma_wait3A_179 = arith.constant 0 : i32
    %dma_wait3A_180 = tpu.memref_slice %arg8[%dma_wait3A_176, %dma_wait3A_178, %dma_wait3A_179] : memref<4x16x1024xf32, #tpu.memory_space<vmem>> -> memref<1x16x1024xf32, #tpu.memory_space<vmem>>
    %dma_wait3A_181 = tpu.memref_squeeze %dma_wait3A_180 : memref<1x16x1024xf32, #tpu.memory_space<vmem>> -> memref<16x1024xf32, #tpu.memory_space<vmem>>
    %dma_wait3A_182 = arith.constant 0 : i32
    %dma_wait3A_183 = tpu.memref_slice %arg5[%dma_wait3A_177, %add3A_104, %dma_wait3A_182] : memref<4x2048x1024xf32, #tpu.memory_space<hbm>> -> memref<1x16x1024xf32, #tpu.memory_space<hbm>>
    %dma_wait3A_184 = tpu.memref_squeeze %dma_wait3A_183 : memref<1x16x1024xf32, #tpu.memory_space<hbm>> -> memref<16x1024xf32, #tpu.memory_space<hbm>>
    %dma_wait3A_185 = arith.constant 0 : i32
    %dma_wait3A_186 = tpu.memref_slice %arg5[%dma_wait3A_177, %add3A_104, %dma_wait3A_185] : memref<4x2048x1024xf32, #tpu.memory_space<hbm>> -> memref<1x16x1024xf32, #tpu.memory_space<hbm>>
    %dma_wait3A_187 = tpu.memref_squeeze %dma_wait3A_186 : memref<1x16x1024xf32, #tpu.memory_space<hbm>> -> memref<16x1024xf32, #tpu.memory_space<hbm>>
    %dma_wait3A_188 = arith.constant 0 : i32
    %dma_wait3A_189 = arith.constant 0 : i32
    %dma_wait3A_190 = tpu.memref_slice %arg8[%dma_wait3A_176, %dma_wait3A_188, %dma_wait3A_189] : memref<4x16x1024xf32, #tpu.memory_space<vmem>> -> memref<1x16x1024xf32, #tpu.memory_space<vmem>>
    %dma_wait3A_191 = tpu.memref_squeeze %dma_wait3A_190 : memref<1x16x1024xf32, #tpu.memory_space<vmem>> -> memref<16x1024xf32, #tpu.memory_space<vmem>>
    tpu.wait_dma2 semaphore(%arg13 : memref<!tpu.dma_semaphore, #tpu.memory_space<semaphore_mem>>) src(%dma_wait3A_191 : memref<16x1024xf32, #tpu.memory_space<vmem>>) dst(%dma_wait3A_187 : memref<16x1024xf32, #tpu.memory_space<hbm>>)
    %add3A_192 = arith.constant 16 : i32
    %add3A_193 = arith.addi %mul3A_2, %add3A_192 : i32
    %dma_start3A_194 = arith.constant 0 : i32
    %dma_start3A_195 = arith.constant 0 : i32
    %dma_start3A_196 = arith.constant 0 : i32
    %dma_start3A_197 = arith.constant 0 : i32
    %dma_start3A_198 = tpu.memref_slice %arg8[%dma_start3A_195, %dma_start3A_196, %dma_start3A_197] : memref<4x16x1024xf32, #tpu.memory_space<vmem>> -> memref<1x16x1024xf32, #tpu.memory_space<vmem>>
    %dma_start3A_199 = tpu.memref_squeeze %dma_start3A_198 : memref<1x16x1024xf32, #tpu.memory_space<vmem>> -> memref<16x1024xf32, #tpu.memory_space<vmem>>
    %dma_start3A_200 = arith.constant 0 : i32
    %dma_start3A_201 = tpu.memref_slice %arg2[%dma_start3A_194, %add3A_193, %dma_start3A_200] : memref<4x2048x1024xf32, #tpu.memory_space<hbm>> -> memref<1x16x1024xf32, #tpu.memory_space<hbm>>
    %dma_start3A_202 = tpu.memref_squeeze %dma_start3A_201 : memref<1x16x1024xf32, #tpu.memory_space<hbm>> -> memref<16x1024xf32, #tpu.memory_space<hbm>>
    %dma_start3A_203 = arith.constant 0 : i32
    %dma_start3A_204 = arith.constant 0 : i32
    %dma_start3A_205 = tpu.memref_slice %arg8[%dma_start3A_195, %dma_start3A_203, %dma_start3A_204] : memref<4x16x1024xf32, #tpu.memory_space<vmem>> -> memref<1x16x1024xf32, #tpu.memory_space<vmem>>
    %dma_start3A_206 = tpu.memref_squeeze %dma_start3A_205 : memref<1x16x1024xf32, #tpu.memory_space<vmem>> -> memref<16x1024xf32, #tpu.memory_space<vmem>>
    %dma_start3A_207 = arith.constant 0 : i32
    %dma_start3A_208 = tpu.memref_slice %arg2[%dma_start3A_194, %add3A_193, %dma_start3A_207] : memref<4x2048x1024xf32, #tpu.memory_space<hbm>> -> memref<1x16x1024xf32, #tpu.memory_space<hbm>>
    %dma_start3A_209 = tpu.memref_squeeze %dma_start3A_208 : memref<1x16x1024xf32, #tpu.memory_space<hbm>> -> memref<16x1024xf32, #tpu.memory_space<hbm>>
    tpu.enqueue_dma source(%dma_start3A_209 : memref<16x1024xf32, #tpu.memory_space<hbm>>) target(%dma_start3A_206 : memref<16x1024xf32, #tpu.memory_space<vmem>>) target_semaphore(%arg9 : memref<!tpu.dma_semaphore, #tpu.memory_space<semaphore_mem>>)
    %dma_wait3A_210 = arith.constant 2 : i32
    %dma_wait3A_211 = arith.constant 2 : i32
    %dma_wait3A_212 = arith.constant 0 : i32
    %dma_wait3A_213 = arith.constant 0 : i32
    %dma_wait3A_214 = tpu.memref_slice %arg8[%dma_wait3A_211, %dma_wait3A_212, %dma_wait3A_213] : memref<4x16x1024xf32, #tpu.memory_space<vmem>> -> memref<1x16x1024xf32, #tpu.memory_space<vmem>>
    %dma_wait3A_215 = tpu.memref_squeeze %dma_wait3A_214 : memref<1x16x1024xf32, #tpu.memory_space<vmem>> -> memref<16x1024xf32, #tpu.memory_space<vmem>>
    %dma_wait3A_216 = arith.constant 0 : i32
    %dma_wait3A_217 = tpu.memref_slice %arg2[%dma_wait3A_210, %add3A_49, %dma_wait3A_216] : memref<4x2048x1024xf32, #tpu.memory_space<hbm>> -> memref<1x16x1024xf32, #tpu.memory_space<hbm>>
    %dma_wait3A_218 = tpu.memref_squeeze %dma_wait3A_217 : memref<1x16x1024xf32, #tpu.memory_space<hbm>> -> memref<16x1024xf32, #tpu.memory_space<hbm>>
    %dma_wait3A_219 = arith.constant 0 : i32
    %dma_wait3A_220 = arith.constant 0 : i32
    %dma_wait3A_221 = tpu.memref_slice %arg8[%dma_wait3A_211, %dma_wait3A_219, %dma_wait3A_220] : memref<4x16x1024xf32, #tpu.memory_space<vmem>> -> memref<1x16x1024xf32, #tpu.memory_space<vmem>>
    %dma_wait3A_222 = tpu.memref_squeeze %dma_wait3A_221 : memref<1x16x1024xf32, #tpu.memory_space<vmem>> -> memref<16x1024xf32, #tpu.memory_space<vmem>>
    %dma_wait3A_223 = arith.constant 0 : i32
    %dma_wait3A_224 = tpu.memref_slice %arg2[%dma_wait3A_210, %add3A_49, %dma_wait3A_223] : memref<4x2048x1024xf32, #tpu.memory_space<hbm>> -> memref<1x16x1024xf32, #tpu.memory_space<hbm>>
    %dma_wait3A_225 = tpu.memref_squeeze %dma_wait3A_224 : memref<1x16x1024xf32, #tpu.memory_space<hbm>> -> memref<16x1024xf32, #tpu.memory_space<hbm>>
    tpu.wait_dma2 semaphore(%arg11 : memref<!tpu.dma_semaphore, #tpu.memory_space<semaphore_mem>>) src(%dma_wait3A_225 : memref<16x1024xf32, #tpu.memory_space<hbm>>) dst(%dma_wait3A_222 : memref<16x1024xf32, #tpu.memory_space<vmem>>)
    %parallel_loop3A_226 = arith.constant 0 : i32
    %parallel_loop3A_227 = arith.constant 1024 : i32
    %parallel_loop3A_228 = arith.constant 1 : i32
    scf.for %parallel_loop3A_1216 = %parallel_loop3A_226 to %parallel_loop3A_227 step %parallel_loop3A_228  : i32 {
      %parallel_loop3A_1217 = arith.constant 64 : i32
      %parallel_loop3A_1218 = arith.divsi %parallel_loop3A_1216, %parallel_loop3A_1217 : i32
      %parallel_loop3A_1219 = arith.constant 0 : i32
      %parallel_loop3A_1220 = arith.cmpi sgt, %parallel_loop3A_1216, %parallel_loop3A_1219 : i32
      %parallel_loop3A_1221 = arith.extui %parallel_loop3A_1220 : i1 to i32
      %parallel_loop3A_1222 = arith.constant 0 : i32
      %parallel_loop3A_1223 = arith.cmpi slt, %parallel_loop3A_1216, %parallel_loop3A_1222 : i32
      %parallel_loop3A_1224 = arith.extui %parallel_loop3A_1223 : i1 to i32
      %parallel_loop3A_1225 = arith.subi %parallel_loop3A_1221, %parallel_loop3A_1224 : i32
      %parallel_loop3A_1226 = arith.constant 0 : i32
      %parallel_loop3A_1227 = arith.cmpi sgt, %parallel_loop3A_1217, %parallel_loop3A_1226 : i32
      %parallel_loop3A_1228 = arith.extui %parallel_loop3A_1227 : i1 to i32
      %parallel_loop3A_1229 = arith.constant 0 : i32
      %parallel_loop3A_1230 = arith.cmpi slt, %parallel_loop3A_1217, %parallel_loop3A_1229 : i32
      %parallel_loop3A_1231 = arith.extui %parallel_loop3A_1230 : i1 to i32
      %parallel_loop3A_1232 = arith.subi %parallel_loop3A_1228, %parallel_loop3A_1231 : i32
      %parallel_loop3A_1233 = arith.cmpi ne, %parallel_loop3A_1225, %parallel_loop3A_1232 : i32
      %parallel_loop3A_1234 = arith.remsi %parallel_loop3A_1216, %parallel_loop3A_1217 : i32
      %parallel_loop3A_1235 = arith.constant 0 : i32
      %parallel_loop3A_1236 = arith.cmpi ne, %parallel_loop3A_1234, %parallel_loop3A_1235 : i32
      %parallel_loop3A_1237 = arith.andi %parallel_loop3A_1233, %parallel_loop3A_1236 : i1
      %parallel_loop3A_1238 = arith.constant 1 : i32
      %parallel_loop3A_1239 = arith.subi %parallel_loop3A_1218, %parallel_loop3A_1238 : i32
      %parallel_loop3A_1240 = arith.select %parallel_loop3A_1237, %parallel_loop3A_1239, %parallel_loop3A_1218 : i32
      %parallel_loop3A_1241 = arith.constant 64 : i32
      %parallel_loop3A_1242 = arith.constant 0 : i32
      %parallel_loop3A_1243 = arith.cmpi eq, %parallel_loop3A_1241, %parallel_loop3A_1242 : i32
      %parallel_loop3A_1244 = arith.constant 1 : i32
      %parallel_loop3A_1245 = arith.select %parallel_loop3A_1243, %parallel_loop3A_1244, %parallel_loop3A_1241 : i32
      %parallel_loop3A_1246 = arith.remsi %parallel_loop3A_1216, %parallel_loop3A_1245 : i32
      %parallel_loop3A_1247 = arith.constant 0 : i32
      %parallel_loop3A_1248 = arith.cmpi ne, %parallel_loop3A_1246, %parallel_loop3A_1247 : i32
      %parallel_loop3A_1249 = arith.constant 0 : i32
      %parallel_loop3A_1250 = arith.cmpi slt, %parallel_loop3A_1246, %parallel_loop3A_1249 : i32
      %parallel_loop3A_1251 = arith.constant 0 : i32
      %parallel_loop3A_1252 = arith.cmpi slt, %parallel_loop3A_1245, %parallel_loop3A_1251 : i32
      %parallel_loop3A_1253 = arith.xori %parallel_loop3A_1250, %parallel_loop3A_1252 : i1
      %parallel_loop3A_1254 = arith.andi %parallel_loop3A_1253, %parallel_loop3A_1248 : i1
      %parallel_loop3A_1255 = arith.addi %parallel_loop3A_1246, %parallel_loop3A_1245 : i32
      %parallel_loop3A_1256 = arith.select %parallel_loop3A_1254, %parallel_loop3A_1255, %parallel_loop3A_1246 : i32
      %parallel_loop3A_1257 = arith.constant 16 : i32
      %parallel_loop3A_1258 = arith.muli %parallel_loop3A_1256, %parallel_loop3A_1257 : i32
      %parallel_loop3A_1259 = arith.constant 0 : i32
      %parallel_loop3A_1260 = arith.index_cast %parallel_loop3A_1259 : i32 to index
      %parallel_loop3A_1261 = arith.index_cast %parallel_loop3A_1240 : i32 to index
      %parallel_loop3A_1262 = arith.index_cast %parallel_loop3A_1258 : i32 to index
      %parallel_loop3A_1263 = tpu.vector_load %arg7[%parallel_loop3A_1260, %parallel_loop3A_1261, %parallel_loop3A_1262] {strides = array<i32>} : memref<2x16x1024xf32, #tpu.memory_space<vmem>>, vector<1x1x16xf32>,
      %parallel_loop3A_1264 = vector.shape_cast %parallel_loop3A_1263 : vector<1x1x16xf32> to vector<16xf32>
      %parallel_loop3A_1265 = arith.constant 2 : i32
      %parallel_loop3A_1266 = arith.index_cast %parallel_loop3A_1265 : i32 to index
      %parallel_loop3A_1267 = arith.index_cast %parallel_loop3A_1240 : i32 to index
      %parallel_loop3A_1268 = arith.index_cast %parallel_loop3A_1258 : i32 to index
      %parallel_loop3A_1269 = tpu.vector_load %arg8[%parallel_loop3A_1266, %parallel_loop3A_1267, %parallel_loop3A_1268] {strides = array<i32>} : memref<4x16x1024xf32, #tpu.memory_space<vmem>>, vector<1x1x16xf32>,
      %parallel_loop3A_1270 = vector.shape_cast %parallel_loop3A_1269 : vector<1x1x16xf32> to vector<16xf32>
      %parallel_loop3A_1271 = vector.shape_cast %parallel_loop3A_1264 : vector<16xf32> to vector<1x1x16xf32>
      tpu.vector_store %arg8[%parallel_loop3A_1266, %parallel_loop3A_1267, %parallel_loop3A_1268], %parallel_loop3A_1271 {add = true, strides = array<i32>} : memref<4x16x1024xf32, #tpu.memory_space<vmem>>, vector<1x1x16xf32>,
    } {sc.loop_unroll_factor = 8 : i64, sc.parallel_access}
    %add3A_229 = arith.constant 0 : i32
    %add3A_230 = arith.addi %mul3A_2, %add3A_229 : i32
    %dma_start3A_231 = arith.constant 2 : i32
    %dma_start3A_232 = arith.constant 2 : i32
    %dma_start3A_233 = arith.constant 0 : i32
    %dma_start3A_234 = arith.constant 0 : i32
    %dma_start3A_235 = tpu.memref_slice %arg8[%dma_start3A_231, %dma_start3A_233, %dma_start3A_234] : memref<4x16x1024xf32, #tpu.memory_space<vmem>> -> memref<1x16x1024xf32, #tpu.memory_space<vmem>>
    %dma_start3A_236 = tpu.memref_squeeze %dma_start3A_235 : memref<1x16x1024xf32, #tpu.memory_space<vmem>> -> memref<16x1024xf32, #tpu.memory_space<vmem>>
    %dma_start3A_237 = arith.constant 0 : i32
    %dma_start3A_238 = tpu.memref_slice %arg5[%dma_start3A_232, %add3A_230, %dma_start3A_237] : memref<4x2048x1024xf32, #tpu.memory_space<hbm>> -> memref<1x16x1024xf32, #tpu.memory_space<hbm>>
    %dma_start3A_239 = tpu.memref_squeeze %dma_start3A_238 : memref<1x16x1024xf32, #tpu.memory_space<hbm>> -> memref<16x1024xf32, #tpu.memory_space<hbm>>
    %dma_start3A_240 = arith.constant 0 : i32
    %dma_start3A_241 = tpu.memref_slice %arg5[%dma_start3A_232, %add3A_230, %dma_start3A_240] : memref<4x2048x1024xf32, #tpu.memory_space<hbm>> -> memref<1x16x1024xf32, #tpu.memory_space<hbm>>
    %dma_start3A_242 = tpu.memref_squeeze %dma_start3A_241 : memref<1x16x1024xf32, #tpu.memory_space<hbm>> -> memref<16x1024xf32, #tpu.memory_space<hbm>>
    %dma_start3A_243 = arith.constant 0 : i32
    %dma_start3A_244 = arith.constant 0 : i32
    %dma_start3A_245 = tpu.memref_slice %arg8[%dma_start3A_231, %dma_start3A_243, %dma_start3A_244] : memref<4x16x1024xf32, #tpu.memory_space<vmem>> -> memref<1x16x1024xf32, #tpu.memory_space<vmem>>
    %dma_start3A_246 = tpu.memref_squeeze %dma_start3A_245 : memref<1x16x1024xf32, #tpu.memory_space<vmem>> -> memref<16x1024xf32, #tpu.memory_space<vmem>>
    tpu.enqueue_dma source(%dma_start3A_246 : memref<16x1024xf32, #tpu.memory_space<vmem>>) target(%dma_start3A_242 : memref<16x1024xf32, #tpu.memory_space<hbm>>) target_semaphore(%arg15 : memref<!tpu.dma_semaphore, #tpu.memory_space<semaphore_mem>>)
    %dma_wait3A_247 = arith.constant 1 : i32
    %dma_wait3A_248 = arith.constant 1 : i32
    %dma_wait3A_249 = arith.constant 0 : i32
    %dma_wait3A_250 = arith.constant 0 : i32
    %dma_wait3A_251 = tpu.memref_slice %arg8[%dma_wait3A_247, %dma_wait3A_249, %dma_wait3A_250] : memref<4x16x1024xf32, #tpu.memory_space<vmem>> -> memref<1x16x1024xf32, #tpu.memory_space<vmem>>
    %dma_wait3A_252 = tpu.memref_squeeze %dma_wait3A_251 : memref<1x16x1024xf32, #tpu.memory_space<vmem>> -> memref<16x1024xf32, #tpu.memory_space<vmem>>
    %dma_wait3A_253 = arith.constant 0 : i32
    %dma_wait3A_254 = tpu.memref_slice %arg5[%dma_wait3A_248, %add3A_159, %dma_wait3A_253] : memref<4x2048x1024xf32, #tpu.memory_space<hbm>> -> memref<1x16x1024xf32, #tpu.memory_space<hbm>>
    %dma_wait3A_255 = tpu.memref_squeeze %dma_wait3A_254 : memref<1x16x1024xf32, #tpu.memory_space<hbm>> -> memref<16x1024xf32, #tpu.memory_space<hbm>>
    %dma_wait3A_256 = arith.constant 0 : i32
    %dma_wait3A_257 = tpu.memref_slice %arg5[%dma_wait3A_248, %add3A_159, %dma_wait3A_256] : memref<4x2048x1024xf32, #tpu.memory_space<hbm>> -> memref<1x16x1024xf32, #tpu.memory_space<hbm>>
    %dma_wait3A_258 = tpu.memref_squeeze %dma_wait3A_257 : memref<1x16x1024xf32, #tpu.memory_space<hbm>> -> memref<16x1024xf32, #tpu.memory_space<hbm>>
    %dma_wait3A_259 = arith.constant 0 : i32
    %dma_wait3A_260 = arith.constant 0 : i32
    %dma_wait3A_261 = tpu.memref_slice %arg8[%dma_wait3A_247, %dma_wait3A_259, %dma_wait3A_260] : memref<4x16x1024xf32, #tpu.memory_space<vmem>> -> memref<1x16x1024xf32, #tpu.memory_space<vmem>>
    %dma_wait3A_262 = tpu.memref_squeeze %dma_wait3A_261 : memref<1x16x1024xf32, #tpu.memory_space<vmem>> -> memref<16x1024xf32, #tpu.memory_space<vmem>>
    tpu.wait_dma2 semaphore(%arg14 : memref<!tpu.dma_semaphore, #tpu.memory_space<semaphore_mem>>) src(%dma_wait3A_262 : memref<16x1024xf32, #tpu.memory_space<vmem>>) dst(%dma_wait3A_258 : memref<16x1024xf32, #tpu.memory_space<hbm>>)
    %add3A_263 = arith.constant 16 : i32
    %add3A_264 = arith.addi %mul3A_2, %add3A_263 : i32
    %dma_start3A_265 = arith.constant 1 : i32
    %dma_start3A_266 = arith.constant 1 : i32
    %dma_start3A_267 = arith.constant 0 : i32
    %dma_start3A_268 = arith.constant 0 : i32
    %dma_start3A_269 = tpu.memref_slice %arg8[%dma_start3A_266, %dma_start3A_267, %dma_start3A_268] : memref<4x16x1024xf32, #tpu.memory_space<vmem>> -> memref<1x16x1024xf32, #tpu.memory_space<vmem>>
    %dma_start3A_270 = tpu.memref_squeeze %dma_start3A_269 : memref<1x16x1024xf32, #tpu.memory_space<vmem>> -> memref<16x1024xf32, #tpu.memory_space<vmem>>
    %dma_start3A_271 = arith.constant 0 : i32
    %dma_start3A_272 = tpu.memref_slice %arg2[%dma_start3A_265, %add3A_264, %dma_start3A_271] : memref<4x2048x1024xf32, #tpu.memory_space<hbm>> -> memref<1x16x1024xf32, #tpu.memory_space<hbm>>
    %dma_start3A_273 = tpu.memref_squeeze %dma_start3A_272 : memref<1x16x1024xf32, #tpu.memory_space<hbm>> -> memref<16x1024xf32, #tpu.memory_space<hbm>>
    %dma_start3A_274 = arith.constant 0 : i32
    %dma_start3A_275 = arith.constant 0 : i32
    %dma_start3A_276 = tpu.memref_slice %arg8[%dma_start3A_266, %dma_start3A_274, %dma_start3A_275] : memref<4x16x1024xf32, #tpu.memory_space<vmem>> -> memref<1x16x1024xf32, #tpu.memory_space<vmem>>
    %dma_start3A_277 = tpu.memref_squeeze %dma_start3A_276 : memref<1x16x1024xf32, #tpu.memory_space<vmem>> -> memref<16x1024xf32, #tpu.memory_space<vmem>>
    %dma_start3A_278 = arith.constant 0 : i32
    %dma_start3A_279 = tpu.memref_slice %arg2[%dma_start3A_265, %add3A_264, %dma_start3A_278] : memref<4x2048x1024xf32, #tpu.memory_space<hbm>> -> memref<1x16x1024xf32, #tpu.memory_space<hbm>>
    %dma_start3A_280 = tpu.memref_squeeze %dma_start3A_279 : memref<1x16x1024xf32, #tpu.memory_space<hbm>> -> memref<16x1024xf32, #tpu.memory_space<hbm>>
    tpu.enqueue_dma source(%dma_start3A_280 : memref<16x1024xf32, #tpu.memory_space<hbm>>) target(%dma_start3A_277 : memref<16x1024xf32, #tpu.memory_space<vmem>>) target_semaphore(%arg10 : memref<!tpu.dma_semaphore, #tpu.memory_space<semaphore_mem>>)
    %dma_wait3A_281 = arith.constant 3 : i32
    %dma_wait3A_282 = arith.constant 3 : i32
    %dma_wait3A_283 = arith.constant 0 : i32
    %dma_wait3A_284 = arith.constant 0 : i32
    %dma_wait3A_285 = tpu.memref_slice %arg8[%dma_wait3A_282, %dma_wait3A_283, %dma_wait3A_284] : memref<4x16x1024xf32, #tpu.memory_space<vmem>> -> memref<1x16x1024xf32, #tpu.memory_space<vmem>>
    %dma_wait3A_286 = tpu.memref_squeeze %dma_wait3A_285 : memref<1x16x1024xf32, #tpu.memory_space<vmem>> -> memref<16x1024xf32, #tpu.memory_space<vmem>>
    %dma_wait3A_287 = arith.constant 0 : i32
    %dma_wait3A_288 = tpu.memref_slice %arg2[%dma_wait3A_281, %add3A_122, %dma_wait3A_287] : memref<4x2048x1024xf32, #tpu.memory_space<hbm>> -> memref<1x16x1024xf32, #tpu.memory_space<hbm>>
    %dma_wait3A_289 = tpu.memref_squeeze %dma_wait3A_288 : memref<1x16x1024xf32, #tpu.memory_space<hbm>> -> memref<16x1024xf32, #tpu.memory_space<hbm>>
    %dma_wait3A_290 = arith.constant 0 : i32
    %dma_wait3A_291 = arith.constant 0 : i32
    %dma_wait3A_292 = tpu.memref_slice %arg8[%dma_wait3A_282, %dma_wait3A_290, %dma_wait3A_291] : memref<4x16x1024xf32, #tpu.memory_space<vmem>> -> memref<1x16x1024xf32, #tpu.memory_space<vmem>>
    %dma_wait3A_293 = tpu.memref_squeeze %dma_wait3A_292 : memref<1x16x1024xf32, #tpu.memory_space<vmem>> -> memref<16x1024xf32, #tpu.memory_space<vmem>>
    %dma_wait3A_294 = arith.constant 0 : i32
    %dma_wait3A_295 = tpu.memref_slice %arg2[%dma_wait3A_281, %add3A_122, %dma_wait3A_294] : memref<4x2048x1024xf32, #tpu.memory_space<hbm>> -> memref<1x16x1024xf32, #tpu.memory_space<hbm>>
    %dma_wait3A_296 = tpu.memref_squeeze %dma_wait3A_295 : memref<1x16x1024xf32, #tpu.memory_space<hbm>> -> memref<16x1024xf32, #tpu.memory_space<hbm>>
    tpu.wait_dma2 semaphore(%arg12 : memref<!tpu.dma_semaphore, #tpu.memory_space<semaphore_mem>>) src(%dma_wait3A_296 : memref<16x1024xf32, #tpu.memory_space<hbm>>) dst(%dma_wait3A_293 : memref<16x1024xf32, #tpu.memory_space<vmem>>)
    %parallel_loop3A_297 = arith.constant 0 : i32
    %parallel_loop3A_298 = arith.constant 1024 : i32
    %parallel_loop3A_299 = arith.constant 1 : i32
    scf.for %parallel_loop3A_1216 = %parallel_loop3A_297 to %parallel_loop3A_298 step %parallel_loop3A_299  : i32 {
      %parallel_loop3A_1217 = arith.constant 64 : i32
      %parallel_loop3A_1218 = arith.divsi %parallel_loop3A_1216, %parallel_loop3A_1217 : i32
      %parallel_loop3A_1219 = arith.constant 0 : i32
      %parallel_loop3A_1220 = arith.cmpi sgt, %parallel_loop3A_1216, %parallel_loop3A_1219 : i32
      %parallel_loop3A_1221 = arith.extui %parallel_loop3A_1220 : i1 to i32
      %parallel_loop3A_1222 = arith.constant 0 : i32
      %parallel_loop3A_1223 = arith.cmpi slt, %parallel_loop3A_1216, %parallel_loop3A_1222 : i32
      %parallel_loop3A_1224 = arith.extui %parallel_loop3A_1223 : i1 to i32
      %parallel_loop3A_1225 = arith.subi %parallel_loop3A_1221, %parallel_loop3A_1224 : i32
      %parallel_loop3A_1226 = arith.constant 0 : i32
      %parallel_loop3A_1227 = arith.cmpi sgt, %parallel_loop3A_1217, %parallel_loop3A_1226 : i32
      %parallel_loop3A_1228 = arith.extui %parallel_loop3A_1227 : i1 to i32
      %parallel_loop3A_1229 = arith.constant 0 : i32
      %parallel_loop3A_1230 = arith.cmpi slt, %parallel_loop3A_1217, %parallel_loop3A_1229 : i32
      %parallel_loop3A_1231 = arith.extui %parallel_loop3A_1230 : i1 to i32
      %parallel_loop3A_1232 = arith.subi %parallel_loop3A_1228, %parallel_loop3A_1231 : i32
      %parallel_loop3A_1233 = arith.cmpi ne, %parallel_loop3A_1225, %parallel_loop3A_1232 : i32
      %parallel_loop3A_1234 = arith.remsi %parallel_loop3A_1216, %parallel_loop3A_1217 : i32
      %parallel_loop3A_1235 = arith.constant 0 : i32
      %parallel_loop3A_1236 = arith.cmpi ne, %parallel_loop3A_1234, %parallel_loop3A_1235 : i32
      %parallel_loop3A_1237 = arith.andi %parallel_loop3A_1233, %parallel_loop3A_1236 : i1
      %parallel_loop3A_1238 = arith.constant 1 : i32
      %parallel_loop3A_1239 = arith.subi %parallel_loop3A_1218, %parallel_loop3A_1238 : i32
      %parallel_loop3A_1240 = arith.select %parallel_loop3A_1237, %parallel_loop3A_1239, %parallel_loop3A_1218 : i32
      %parallel_loop3A_1241 = arith.constant 64 : i32
      %parallel_loop3A_1242 = arith.constant 0 : i32
      %parallel_loop3A_1243 = arith.cmpi eq, %parallel_loop3A_1241, %parallel_loop3A_1242 : i32
      %parallel_loop3A_1244 = arith.constant 1 : i32
      %parallel_loop3A_1245 = arith.select %parallel_loop3A_1243, %parallel_loop3A_1244, %parallel_loop3A_1241 : i32
      %parallel_loop3A_1246 = arith.remsi %parallel_loop3A_1216, %parallel_loop3A_1245 : i32
      %parallel_loop3A_1247 = arith.constant 0 : i32
      %parallel_loop3A_1248 = arith.cmpi ne, %parallel_loop3A_1246, %parallel_loop3A_1247 : i32
      %parallel_loop3A_1249 = arith.constant 0 : i32
      %parallel_loop3A_1250 = arith.cmpi slt, %parallel_loop3A_1246, %parallel_loop3A_1249 : i32
      %parallel_loop3A_1251 = arith.constant 0 : i32
      %parallel_loop3A_1252 = arith.cmpi slt, %parallel_loop3A_1245, %parallel_loop3A_1251 : i32
      %parallel_loop3A_1253 = arith.xori %parallel_loop3A_1250, %parallel_loop3A_1252 : i1
      %parallel_loop3A_1254 = arith.andi %parallel_loop3A_1253, %parallel_loop3A_1248 : i1
      %parallel_loop3A_1255 = arith.addi %parallel_loop3A_1246, %parallel_loop3A_1245 : i32
      %parallel_loop3A_1256 = arith.select %parallel_loop3A_1254, %parallel_loop3A_1255, %parallel_loop3A_1246 : i32
      %parallel_loop3A_1257 = arith.constant 16 : i32
      %parallel_loop3A_1258 = arith.muli %parallel_loop3A_1256, %parallel_loop3A_1257 : i32
      %parallel_loop3A_1259 = arith.constant 0 : i32
      %parallel_loop3A_1260 = arith.index_cast %parallel_loop3A_1259 : i32 to index
      %parallel_loop3A_1261 = arith.index_cast %parallel_loop3A_1240 : i32 to index
      %parallel_loop3A_1262 = arith.index_cast %parallel_loop3A_1258 : i32 to index
      %parallel_loop3A_1263 = tpu.vector_load %arg7[%parallel_loop3A_1260, %parallel_loop3A_1261, %parallel_loop3A_1262] {strides = array<i32>} : memref<2x16x1024xf32, #tpu.memory_space<vmem>>, vector<1x1x16xf32>,
      %parallel_loop3A_1264 = vector.shape_cast %parallel_loop3A_1263 : vector<1x1x16xf32> to vector<16xf32>
      %parallel_loop3A_1265 = arith.constant 3 : i32
      %parallel_loop3A_1266 = arith.index_cast %parallel_loop3A_1265 : i32 to index
      %parallel_loop3A_1267 = arith.index_cast %parallel_loop3A_1240 : i32 to index
      %parallel_loop3A_1268 = arith.index_cast %parallel_loop3A_1258 : i32 to index
      %parallel_loop3A_1269 = tpu.vector_load %arg8[%parallel_loop3A_1266, %parallel_loop3A_1267, %parallel_loop3A_1268] {strides = array<i32>} : memref<4x16x1024xf32, #tpu.memory_space<vmem>>, vector<1x1x16xf32>,
      %parallel_loop3A_1270 = vector.shape_cast %parallel_loop3A_1269 : vector<1x1x16xf32> to vector<16xf32>
      %parallel_loop3A_1271 = vector.shape_cast %parallel_loop3A_1264 : vector<16xf32> to vector<1x1x16xf32>
      tpu.vector_store %arg8[%parallel_loop3A_1266, %parallel_loop3A_1267, %parallel_loop3A_1268], %parallel_loop3A_1271 {add = true, strides = array<i32>} : memref<4x16x1024xf32, #tpu.memory_space<vmem>>, vector<1x1x16xf32>,
    } {sc.loop_unroll_factor = 8 : i64, sc.parallel_access}
    %add3A_300 = arith.constant 0 : i32
    %add3A_301 = arith.addi %mul3A_2, %add3A_300 : i32
    %dma_start3A_302 = arith.constant 3 : i32
    %dma_start3A_303 = arith.constant 3 : i32
    %dma_start3A_304 = arith.constant 0 : i32
    %dma_start3A_305 = arith.constant 0 : i32
    %dma_start3A_306 = tpu.memref_slice %arg8[%dma_start3A_302, %dma_start3A_304, %dma_start3A_305] : memref<4x16x1024xf32, #tpu.memory_space<vmem>> -> memref<1x16x1024xf32, #tpu.memory_space<vmem>>
    %dma_start3A_307 = tpu.memref_squeeze %dma_start3A_306 : memref<1x16x1024xf32, #tpu.memory_space<vmem>> -> memref<16x1024xf32, #tpu.memory_space<vmem>>
    %dma_start3A_308 = arith.constant 0 : i32
    %dma_start3A_309 = tpu.memref_slice %arg5[%dma_start3A_303, %add3A_301, %dma_start3A_308] : memref<4x2048x1024xf32, #tpu.memory_space<hbm>> -> memref<1x16x1024xf32, #tpu.memory_space<hbm>>
    %dma_start3A_310 = tpu.memref_squeeze %dma_start3A_309 : memref<1x16x1024xf32, #tpu.memory_space<hbm>> -> memref<16x1024xf32, #tpu.memory_space<hbm>>
    %dma_start3A_311 = arith.constant 0 : i32
    %dma_start3A_312 = tpu.memref_slice %arg5[%dma_start3A_303, %add3A_301, %dma_start3A_311] : memref<4x2048x1024xf32, #tpu.memory_space<hbm>> -> memref<1x16x1024xf32, #tpu.memory_space<hbm>>
    %dma_start3A_313 = tpu.memref_squeeze %dma_start3A_312 : memref<1x16x1024xf32, #tpu.memory_space<hbm>> -> memref<16x1024xf32, #tpu.memory_space<hbm>>
    %dma_start3A_314 = arith.constant 0 : i32
    %dma_start3A_315 = arith.constant 0 : i32
    %dma_start3A_316 = tpu.memref_slice %arg8[%dma_start3A_302, %dma_start3A_314, %dma_start3A_315] : memref<4x16x1024xf32, #tpu.memory_space<vmem>> -> memref<1x16x1024xf32, #tpu.memory_space<vmem>>
    %dma_start3A_317 = tpu.memref_squeeze %dma_start3A_316 : memref<1x16x1024xf32, #tpu.memory_space<vmem>> -> memref<16x1024xf32, #tpu.memory_space<vmem>>
    tpu.enqueue_dma source(%dma_start3A_317 : memref<16x1024xf32, #tpu.memory_space<vmem>>) target(%dma_start3A_313 : memref<16x1024xf32, #tpu.memory_space<hbm>>) target_semaphore(%arg16 : memref<!tpu.dma_semaphore, #tpu.memory_space<semaphore_mem>>)
    %dma_wait3A_318 = arith.constant 2 : i32
    %dma_wait3A_319 = arith.constant 2 : i32
    %dma_wait3A_320 = arith.constant 0 : i32
    %dma_wait3A_321 = arith.constant 0 : i32
    %dma_wait3A_322 = tpu.memref_slice %arg8[%dma_wait3A_318, %dma_wait3A_320, %dma_wait3A_321] : memref<4x16x1024xf32, #tpu.memory_space<vmem>> -> memref<1x16x1024xf32, #tpu.memory_space<vmem>>
    %dma_wait3A_323 = tpu.memref_squeeze %dma_wait3A_322 : memref<1x16x1024xf32, #tpu.memory_space<vmem>> -> memref<16x1024xf32, #tpu.memory_space<vmem>>
    %dma_wait3A_324 = arith.constant 0 : i32
    %dma_wait3A_325 = tpu.memref_slice %arg5[%dma_wait3A_319, %add3A_230, %dma_wait3A_324] : memref<4x2048x1024xf32, #tpu.memory_space<hbm>> -> memref<1x16x1024xf32, #tpu.memory_space<hbm>>
    %dma_wait3A_326 = tpu.memref_squeeze %dma_wait3A_325 : memref<1x16x1024xf32, #tpu.memory_space<hbm>> -> memref<16x1024xf32, #tpu.memory_space<hbm>>
    %dma_wait3A_327 = arith.constant 0 : i32
    %dma_wait3A_328 = tpu.memref_slice %arg5[%dma_wait3A_319, %add3A_230, %dma_wait3A_327] : memref<4x2048x1024xf32, #tpu.memory_space<hbm>> -> memref<1x16x1024xf32, #tpu.memory_space<hbm>>
    %dma_wait3A_329 = tpu.memref_squeeze %dma_wait3A_328 : memref<1x16x1024xf32, #tpu.memory_space<hbm>> -> memref<16x1024xf32, #tpu.memory_space<hbm>>
    %dma_wait3A_330 = arith.constant 0 : i32
    %dma_wait3A_331 = arith.constant 0 : i32
    %dma_wait3A_332 = tpu.memref_slice %arg8[%dma_wait3A_318, %dma_wait3A_330, %dma_wait3A_331] : memref<4x16x1024xf32, #tpu.memory_space<vmem>> -> memref<1x16x1024xf32, #tpu.memory_space<vmem>>
    %dma_wait3A_333 = tpu.memref_squeeze %dma_wait3A_332 : memref<1x16x1024xf32, #tpu.memory_space<vmem>> -> memref<16x1024xf32, #tpu.memory_space<vmem>>
    tpu.wait_dma2 semaphore(%arg15 : memref<!tpu.dma_semaphore, #tpu.memory_space<semaphore_mem>>) src(%dma_wait3A_333 : memref<16x1024xf32, #tpu.memory_space<vmem>>) dst(%dma_wait3A_329 : memref<16x1024xf32, #tpu.memory_space<hbm>>)
    %add3A_334 = arith.constant 16 : i32
    %add3A_335 = arith.addi %mul3A_2, %add3A_334 : i32
    %dma_start3A_336 = arith.constant 2 : i32
    %dma_start3A_337 = arith.constant 2 : i32
    %dma_start3A_338 = arith.constant 0 : i32
    %dma_start3A_339 = arith.constant 0 : i32
    %dma_start3A_340 = tpu.memref_slice %arg8[%dma_start3A_337, %dma_start3A_338, %dma_start3A_339] : memref<4x16x1024xf32, #tpu.memory_space<vmem>> -> memref<1x16x1024xf32, #tpu.memory_space<vmem>>
    %dma_start3A_341 = tpu.memref_squeeze %dma_start3A_340 : memref<1x16x1024xf32, #tpu.memory_space<vmem>> -> memref<16x1024xf32, #tpu.memory_space<vmem>>
    %dma_start3A_342 = arith.constant 0 : i32
    %dma_start3A_343 = tpu.memref_slice %arg2[%dma_start3A_336, %add3A_335, %dma_start3A_342] : memref<4x2048x1024xf32, #tpu.memory_space<hbm>> -> memref<1x16x1024xf32, #tpu.memory_space<hbm>>
    %dma_start3A_344 = tpu.memref_squeeze %dma_start3A_343 : memref<1x16x1024xf32, #tpu.memory_space<hbm>> -> memref<16x1024xf32, #tpu.memory_space<hbm>>
    %dma_start3A_345 = arith.constant 0 : i32
    %dma_start3A_346 = arith.constant 0 : i32
    %dma_start3A_347 = tpu.memref_slice %arg8[%dma_start3A_337, %dma_start3A_345, %dma_start3A_346] : memref<4x16x1024xf32, #tpu.memory_space<vmem>> -> memref<1x16x1024xf32, #tpu.memory_space<vmem>>
    %dma_start3A_348 = tpu.memref_squeeze %dma_start3A_347 : memref<1x16x1024xf32, #tpu.memory_space<vmem>> -> memref<16x1024xf32, #tpu.memory_space<vmem>>
    %dma_start3A_349 = arith.constant 0 : i32
    %dma_start3A_350 = tpu.memref_slice %arg2[%dma_start3A_336, %add3A_335, %dma_start3A_349] : memref<4x2048x1024xf32, #tpu.memory_space<hbm>> -> memref<1x16x1024xf32, #tpu.memory_space<hbm>>
    %dma_start3A_351 = tpu.memref_squeeze %dma_start3A_350 : memref<1x16x1024xf32, #tpu.memory_space<hbm>> -> memref<16x1024xf32, #tpu.memory_space<hbm>>
    tpu.enqueue_dma source(%dma_start3A_351 : memref<16x1024xf32, #tpu.memory_space<hbm>>) target(%dma_start3A_348 : memref<16x1024xf32, #tpu.memory_space<vmem>>) target_semaphore(%arg11 : memref<!tpu.dma_semaphore, #tpu.memory_space<semaphore_mem>>)
    %dma_start3A_352 = arith.constant 0 : i32
    %dma_start3A_353 = arith.constant 0 : i32
    %dma_start3A_354 = arith.constant 0 : i32
    %dma_start3A_355 = tpu.memref_slice %arg7[%dma_start3A_352, %dma_start3A_353, %dma_start3A_354] : memref<2x16x1024xf32, #tpu.memory_space<vmem>> -> memref<1x16x1024xf32, #tpu.memory_space<vmem>>
    %dma_start3A_356 = tpu.memref_squeeze %dma_start3A_355 : memref<1x16x1024xf32, #tpu.memory_space<vmem>> -> memref<16x1024xf32, #tpu.memory_space<vmem>>
    %dma_start3A_357 = arith.constant 32 : i32
    %dma_start3A_358 = tpu.memref_slice %arg6[%dma_start3A_357] : memref<64xi32, #tpu.memory_space<vmem>> -> memref<16xi32, #tpu.memory_space<vmem>>
    %dma_start3A_359 = arith.constant 0 : i32
    %dma_start3A_360 = arith.constant 0 : i32
    %dma_start3A_361 = tpu.memref_slice %arg3[%dma_start3A_359, %dma_start3A_360] : memref<2048x1024xf32, #tpu.memory_space<hbm>> -> memref<2048x1024xf32, #tpu.memory_space<hbm>>
    tpu.enqueue_indirect_dma source(%dma_start3A_361 : memref<2048x1024xf32, #tpu.memory_space<hbm>>) target(%dma_start3A_356 : memref<16x1024xf32, #tpu.memory_space<vmem>>) offsets(%dma_start3A_358 : memref<16xi32, #tpu.memory_space<vmem>>) semaphore(%arg17 : memref<!tpu.dma_semaphore, #tpu.memory_space<semaphore_mem>>)
    %dma_wait3A_362 = arith.constant 1 : i32
    %dma_wait3A_363 = arith.constant 0 : i32
    %dma_wait3A_364 = arith.constant 0 : i32
    %dma_wait3A_365 = tpu.memref_slice %arg7[%dma_wait3A_362, %dma_wait3A_363, %dma_wait3A_364] : memref<2x16x1024xf32, #tpu.memory_space<vmem>> -> memref<1x16x1024xf32, #tpu.memory_space<vmem>>
    %dma_wait3A_366 = tpu.memref_squeeze %dma_wait3A_365 : memref<1x16x1024xf32, #tpu.memory_space<vmem>> -> memref<16x1024xf32, #tpu.memory_space<vmem>>
    %dma_wait3A_367 = arith.constant 16 : i32
    %dma_wait3A_368 = tpu.memref_slice %arg6[%dma_wait3A_367] : memref<64xi32, #tpu.memory_space<vmem>> -> memref<16xi32, #tpu.memory_space<vmem>>
    %dma_wait3A_369 = arith.constant 0 : i32
    %dma_wait3A_370 = arith.constant 0 : i32
    %dma_wait3A_371 = tpu.memref_slice %arg3[%dma_wait3A_369, %dma_wait3A_370] : memref<2048x1024xf32, #tpu.memory_space<hbm>> -> memref<2048x1024xf32, #tpu.memory_space<hbm>>
    tpu.wait_indirect_dma semaphore(%arg18 : memref<!tpu.dma_semaphore, #tpu.memory_space<semaphore_mem>>) src(%dma_wait3A_371 : memref<2048x1024xf32, #tpu.memory_space<hbm>>) dst(%dma_wait3A_366 : memref<16x1024xf32, #tpu.memory_space<vmem>>)
    %dma_wait3A_372 = arith.constant 0 : i32
    %dma_wait3A_373 = arith.constant 0 : i32
    %dma_wait3A_374 = arith.constant 0 : i32
    %dma_wait3A_375 = arith.constant 0 : i32
    %dma_wait3A_376 = tpu.memref_slice %arg8[%dma_wait3A_373, %dma_wait3A_374, %dma_wait3A_375] : memref<4x16x1024xf32, #tpu.memory_space<vmem>> -> memref<1x16x1024xf32, #tpu.memory_space<vmem>>
    %dma_wait3A_377 = tpu.memref_squeeze %dma_wait3A_376 : memref<1x16x1024xf32, #tpu.memory_space<vmem>> -> memref<16x1024xf32, #tpu.memory_space<vmem>>
    %dma_wait3A_378 = arith.constant 0 : i32
    %dma_wait3A_379 = tpu.memref_slice %arg2[%dma_wait3A_372, %add3A_193, %dma_wait3A_378] : memref<4x2048x1024xf32, #tpu.memory_space<hbm>> -> memref<1x16x1024xf32, #tpu.memory_space<hbm>>
    %dma_wait3A_380 = tpu.memref_squeeze %dma_wait3A_379 : memref<1x16x1024xf32, #tpu.memory_space<hbm>> -> memref<16x1024xf32, #tpu.memory_space<hbm>>
    %dma_wait3A_381 = arith.constant 0 : i32
    %dma_wait3A_382 = arith.constant 0 : i32
    %dma_wait3A_383 = tpu.memref_slice %arg8[%dma_wait3A_373, %dma_wait3A_381, %dma_wait3A_382] : memref<4x16x1024xf32, #tpu.memory_space<vmem>> -> memref<1x16x1024xf32, #tpu.memory_space<vmem>>
    %dma_wait3A_384 = tpu.memref_squeeze %dma_wait3A_383 : memref<1x16x1024xf32, #tpu.memory_space<vmem>> -> memref<16x1024xf32, #tpu.memory_space<vmem>>
    %dma_wait3A_385 = arith.constant 0 : i32
    %dma_wait3A_386 = tpu.memref_slice %arg2[%dma_wait3A_372, %add3A_193, %dma_wait3A_385] : memref<4x2048x1024xf32, #tpu.memory_space<hbm>> -> memref<1x16x1024xf32, #tpu.memory_space<hbm>>
    %dma_wait3A_387 = tpu.memref_squeeze %dma_wait3A_386 : memref<1x16x1024xf32, #tpu.memory_space<hbm>> -> memref<16x1024xf32, #tpu.memory_space<hbm>>
    tpu.wait_dma2 semaphore(%arg9 : memref<!tpu.dma_semaphore, #tpu.memory_space<semaphore_mem>>) src(%dma_wait3A_387 : memref<16x1024xf32, #tpu.memory_space<hbm>>) dst(%dma_wait3A_384 : memref<16x1024xf32, #tpu.memory_space<vmem>>)
    %parallel_loop3A_388 = arith.constant 0 : i32
    %parallel_loop3A_389 = arith.constant 1024 : i32
    %parallel_loop3A_390 = arith.constant 1 : i32
    scf.for %parallel_loop3A_1216 = %parallel_loop3A_388 to %parallel_loop3A_389 step %parallel_loop3A_390  : i32 {
      %parallel_loop3A_1217 = arith.constant 64 : i32
      %parallel_loop3A_1218 = arith.divsi %parallel_loop3A_1216, %parallel_loop3A_1217 : i32
      %parallel_loop3A_1219 = arith.constant 0 : i32
      %parallel_loop3A_1220 = arith.cmpi sgt, %parallel_loop3A_1216, %parallel_loop3A_1219 : i32
      %parallel_loop3A_1221 = arith.extui %parallel_loop3A_1220 : i1 to i32
      %parallel_loop3A_1222 = arith.constant 0 : i32
      %parallel_loop3A_1223 = arith.cmpi slt, %parallel_loop3A_1216, %parallel_loop3A_1222 : i32
      %parallel_loop3A_1224 = arith.extui %parallel_loop3A_1223 : i1 to i32
      %parallel_loop3A_1225 = arith.subi %parallel_loop3A_1221, %parallel_loop3A_1224 : i32
      %parallel_loop3A_1226 = arith.constant 0 : i32
      %parallel_loop3A_1227 = arith.cmpi sgt, %parallel_loop3A_1217, %parallel_loop3A_1226 : i32
      %parallel_loop3A_1228 = arith.extui %parallel_loop3A_1227 : i1 to i32
      %parallel_loop3A_1229 = arith.constant 0 : i32
      %parallel_loop3A_1230 = arith.cmpi slt, %parallel_loop3A_1217, %parallel_loop3A_1229 : i32
      %parallel_loop3A_1231 = arith.extui %parallel_loop3A_1230 : i1 to i32
      %parallel_loop3A_1232 = arith.subi %parallel_loop3A_1228, %parallel_loop3A_1231 : i32
      %parallel_loop3A_1233 = arith.cmpi ne, %parallel_loop3A_1225, %parallel_loop3A_1232 : i32
      %parallel_loop3A_1234 = arith.remsi %parallel_loop3A_1216, %parallel_loop3A_1217 : i32
      %parallel_loop3A_1235 = arith.constant 0 : i32
      %parallel_loop3A_1236 = arith.cmpi ne, %parallel_loop3A_1234, %parallel_loop3A_1235 : i32
      %parallel_loop3A_1237 = arith.andi %parallel_loop3A_1233, %parallel_loop3A_1236 : i1
      %parallel_loop3A_1238 = arith.constant 1 : i32
      %parallel_loop3A_1239 = arith.subi %parallel_loop3A_1218, %parallel_loop3A_1238 : i32
      %parallel_loop3A_1240 = arith.select %parallel_loop3A_1237, %parallel_loop3A_1239, %parallel_loop3A_1218 : i32
      %parallel_loop3A_1241 = arith.constant 64 : i32
      %parallel_loop3A_1242 = arith.constant 0 : i32
      %parallel_loop3A_1243 = arith.cmpi eq, %parallel_loop3A_1241, %parallel_loop3A_1242 : i32
      %parallel_loop3A_1244 = arith.constant 1 : i32
      %parallel_loop3A_1245 = arith.select %parallel_loop3A_1243, %parallel_loop3A_1244, %parallel_loop3A_1241 : i32
      %parallel_loop3A_1246 = arith.remsi %parallel_loop3A_1216, %parallel_loop3A_1245 : i32
      %parallel_loop3A_1247 = arith.constant 0 : i32
      %parallel_loop3A_1248 = arith.cmpi ne, %parallel_loop3A_1246, %parallel_loop3A_1247 : i32
      %parallel_loop3A_1249 = arith.constant 0 : i32
      %parallel_loop3A_1250 = arith.cmpi slt, %parallel_loop3A_1246, %parallel_loop3A_1249 : i32
      %parallel_loop3A_1251 = arith.constant 0 : i32
      %parallel_loop3A_1252 = arith.cmpi slt, %parallel_loop3A_1245, %parallel_loop3A_1251 : i32
      %parallel_loop3A_1253 = arith.xori %parallel_loop3A_1250, %parallel_loop3A_1252 : i1
      %parallel_loop3A_1254 = arith.andi %parallel_loop3A_1253, %parallel_loop3A_1248 : i1
      %parallel_loop3A_1255 = arith.addi %parallel_loop3A_1246, %parallel_loop3A_1245 : i32
      %parallel_loop3A_1256 = arith.select %parallel_loop3A_1254, %parallel_loop3A_1255, %parallel_loop3A_1246 : i32
      %parallel_loop3A_1257 = arith.constant 16 : i32
      %parallel_loop3A_1258 = arith.muli %parallel_loop3A_1256, %parallel_loop3A_1257 : i32
      %parallel_loop3A_1259 = arith.constant 1 : i32
      %parallel_loop3A_1260 = arith.index_cast %parallel_loop3A_1259 : i32 to index
      %parallel_loop3A_1261 = arith.index_cast %parallel_loop3A_1240 : i32 to index
      %parallel_loop3A_1262 = arith.index_cast %parallel_loop3A_1258 : i32 to index
      %parallel_loop3A_1263 = tpu.vector_load %arg7[%parallel_loop3A_1260, %parallel_loop3A_1261, %parallel_loop3A_1262] {strides = array<i32>} : memref<2x16x1024xf32, #tpu.memory_space<vmem>>, vector<1x1x16xf32>,
      %parallel_loop3A_1264 = vector.shape_cast %parallel_loop3A_1263 : vector<1x1x16xf32> to vector<16xf32>
      %parallel_loop3A_1265 = arith.constant 0 : i32
      %parallel_loop3A_1266 = arith.index_cast %parallel_loop3A_1265 : i32 to index
      %parallel_loop3A_1267 = arith.index_cast %parallel_loop3A_1240 : i32 to index
      %parallel_loop3A_1268 = arith.index_cast %parallel_loop3A_1258 : i32 to index
      %parallel_loop3A_1269 = tpu.vector_load %arg8[%parallel_loop3A_1266, %parallel_loop3A_1267, %parallel_loop3A_1268] {strides = array<i32>} : memref<4x16x1024xf32, #tpu.memory_space<vmem>>, vector<1x1x16xf32>,
      %parallel_loop3A_1270 = vector.shape_cast %parallel_loop3A_1269 : vector<1x1x16xf32> to vector<16xf32>
      %parallel_loop3A_1271 = vector.shape_cast %parallel_loop3A_1264 : vector<16xf32> to vector<1x1x16xf32>
      tpu.vector_store %arg8[%parallel_loop3A_1266, %parallel_loop3A_1267, %parallel_loop3A_1268], %parallel_loop3A_1271 {add = true, strides = array<i32>} : memref<4x16x1024xf32, #tpu.memory_space<vmem>>, vector<1x1x16xf32>,
    } {sc.loop_unroll_factor = 8 : i64, sc.parallel_access}
    %add3A_391 = arith.constant 16 : i32
    %add3A_392 = arith.addi %mul3A_2, %add3A_391 : i32
    %dma_start3A_393 = arith.constant 0 : i32
    %dma_start3A_394 = arith.constant 0 : i32
    %dma_start3A_395 = arith.constant 0 : i32
    %dma_start3A_396 = arith.constant 0 : i32
    %dma_start3A_397 = tpu.memref_slice %arg8[%dma_start3A_393, %dma_start3A_395, %dma_start3A_396] : memref<4x16x1024xf32, #tpu.memory_space<vmem>> -> memref<1x16x1024xf32, #tpu.memory_space<vmem>>
    %dma_start3A_398 = tpu.memref_squeeze %dma_start3A_397 : memref<1x16x1024xf32, #tpu.memory_space<vmem>> -> memref<16x1024xf32, #tpu.memory_space<vmem>>
    %dma_start3A_399 = arith.constant 0 : i32
    %dma_start3A_400 = tpu.memref_slice %arg5[%dma_start3A_394, %add3A_392, %dma_start3A_399] : memref<4x2048x1024xf32, #tpu.memory_space<hbm>> -> memref<1x16x1024xf32, #tpu.memory_space<hbm>>
    %dma_start3A_401 = tpu.memref_squeeze %dma_start3A_400 : memref<1x16x1024xf32, #tpu.memory_space<hbm>> -> memref<16x1024xf32, #tpu.memory_space<hbm>>
    %dma_start3A_402 = arith.constant 0 : i32
    %dma_start3A_403 = tpu.memref_slice %arg5[%dma_start3A_394, %add3A_392, %dma_start3A_402] : memref<4x2048x1024xf32, #tpu.memory_space<hbm>> -> memref<1x16x1024xf32, #tpu.memory_space<hbm>>
    %dma_start3A_404 = tpu.memref_squeeze %dma_start3A_403 : memref<1x16x1024xf32, #tpu.memory_space<hbm>> -> memref<16x1024xf32, #tpu.memory_space<hbm>>
    %dma_start3A_405 = arith.constant 0 : i32
    %dma_start3A_406 = arith.constant 0 : i32
    %dma_start3A_407 = tpu.memref_slice %arg8[%dma_start3A_393, %dma_start3A_405, %dma_start3A_406] : memref<4x16x1024xf32, #tpu.memory_space<vmem>> -> memref<1x16x1024xf32, #tpu.memory_space<vmem>>
    %dma_start3A_408 = tpu.memref_squeeze %dma_start3A_407 : memref<1x16x1024xf32, #tpu.memory_space<vmem>> -> memref<16x1024xf32, #tpu.memory_space<vmem>>
    tpu.enqueue_dma source(%dma_start3A_408 : memref<16x1024xf32, #tpu.memory_space<vmem>>) target(%dma_start3A_404 : memref<16x1024xf32, #tpu.memory_space<hbm>>) target_semaphore(%arg13 : memref<!tpu.dma_semaphore, #tpu.memory_space<semaphore_mem>>)
    %dma_wait3A_409 = arith.constant 3 : i32
    %dma_wait3A_410 = arith.constant 3 : i32
    %dma_wait3A_411 = arith.constant 0 : i32
    %dma_wait3A_412 = arith.constant 0 : i32
    %dma_wait3A_413 = tpu.memref_slice %arg8[%dma_wait3A_409, %dma_wait3A_411, %dma_wait3A_412] : memref<4x16x1024xf32, #tpu.memory_space<vmem>> -> memref<1x16x1024xf32, #tpu.memory_space<vmem>>
    %dma_wait3A_414 = tpu.memref_squeeze %dma_wait3A_413 : memref<1x16x1024xf32, #tpu.memory_space<vmem>> -> memref<16x1024xf32, #tpu.memory_space<vmem>>
    %dma_wait3A_415 = arith.constant 0 : i32
    %dma_wait3A_416 = tpu.memref_slice %arg5[%dma_wait3A_410, %add3A_301, %dma_wait3A_415] : memref<4x2048x1024xf32, #tpu.memory_space<hbm>> -> memref<1x16x1024xf32, #tpu.memory_space<hbm>>
    %dma_wait3A_417 = tpu.memref_squeeze %dma_wait3A_416 : memref<1x16x1024xf32, #tpu.memory_space<hbm>> -> memref<16x1024xf32, #tpu.memory_space<hbm>>
    %dma_wait3A_418 = arith.constant 0 : i32
    %dma_wait3A_419 = tpu.memref_slice %arg5[%dma_wait3A_410, %add3A_301, %dma_wait3A_418] : memref<4x2048x1024xf32, #tpu.memory_space<hbm>> -> memref<1x16x1024xf32, #tpu.memory_space<hbm>>
    %dma_wait3A_420 = tpu.memref_squeeze %dma_wait3A_419 : memref<1x16x1024xf32, #tpu.memory_space<hbm>> -> memref<16x1024xf32, #tpu.memory_space<hbm>>
    %dma_wait3A_421 = arith.constant 0 : i32
    %dma_wait3A_422 = arith.constant 0 : i32
    %dma_wait3A_423 = tpu.memref_slice %arg8[%dma_wait3A_409, %dma_wait3A_421, %dma_wait3A_422] : memref<4x16x1024xf32, #tpu.memory_space<vmem>> -> memref<1x16x1024xf32, #tpu.memory_space<vmem>>
    %dma_wait3A_424 = tpu.memref_squeeze %dma_wait3A_423 : memref<1x16x1024xf32, #tpu.memory_space<vmem>> -> memref<16x1024xf32, #tpu.memory_space<vmem>>
    tpu.wait_dma2 semaphore(%arg16 : memref<!tpu.dma_semaphore, #tpu.memory_space<semaphore_mem>>) src(%dma_wait3A_424 : memref<16x1024xf32, #tpu.memory_space<vmem>>) dst(%dma_wait3A_420 : memref<16x1024xf32, #tpu.memory_space<hbm>>)
    %add3A_425 = arith.constant 16 : i32
    %add3A_426 = arith.addi %mul3A_2, %add3A_425 : i32
    %dma_start3A_427 = arith.constant 3 : i32
    %dma_start3A_428 = arith.constant 3 : i32
    %dma_start3A_429 = arith.constant 0 : i32
    %dma_start3A_430 = arith.constant 0 : i32
    %dma_start3A_431 = tpu.memref_slice %arg8[%dma_start3A_428, %dma_start3A_429, %dma_start3A_430] : memref<4x16x1024xf32, #tpu.memory_space<vmem>> -> memref<1x16x1024xf32, #tpu.memory_space<vmem>>
    %dma_start3A_432 = tpu.memref_squeeze %dma_start3A_431 : memref<1x16x1024xf32, #tpu.memory_space<vmem>> -> memref<16x1024xf32, #tpu.memory_space<vmem>>
    %dma_start3A_433 = arith.constant 0 : i32
    %dma_start3A_434 = tpu.memref_slice %arg2[%dma_start3A_427, %add3A_426, %dma_start3A_433] : memref<4x2048x1024xf32, #tpu.memory_space<hbm>> -> memref<1x16x1024xf32, #tpu.memory_space<hbm>>
    %dma_start3A_435 = tpu.memref_squeeze %dma_start3A_434 : memref<1x16x1024xf32, #tpu.memory_space<hbm>> -> memref<16x1024xf32, #tpu.memory_space<hbm>>
    %dma_start3A_436 = arith.constant 0 : i32
    %dma_start3A_437 = arith.constant 0 : i32
    %dma_start3A_438 = tpu.memref_slice %arg8[%dma_start3A_428, %dma_start3A_436, %dma_start3A_437] : memref<4x16x1024xf32, #tpu.memory_space<vmem>> -> memref<1x16x1024xf32, #tpu.memory_space<vmem>>
    %dma_start3A_439 = tpu.memref_squeeze %dma_start3A_438 : memref<1x16x1024xf32, #tpu.memory_space<vmem>> -> memref<16x1024xf32, #tpu.memory_space<vmem>>
    %dma_start3A_440 = arith.constant 0 : i32
    %dma_start3A_441 = tpu.memref_slice %arg2[%dma_start3A_427, %add3A_426, %dma_start3A_440] : memref<4x2048x1024xf32, #tpu.memory_space<hbm>> -> memref<1x16x1024xf32, #tpu.memory_space<hbm>>
    %dma_start3A_442 = tpu.memref_squeeze %dma_start3A_441 : memref<1x16x1024xf32, #tpu.memory_space<hbm>> -> memref<16x1024xf32, #tpu.memory_space<hbm>>
    tpu.enqueue_dma source(%dma_start3A_442 : memref<16x1024xf32, #tpu.memory_space<hbm>>) target(%dma_start3A_439 : memref<16x1024xf32, #tpu.memory_space<vmem>>) target_semaphore(%arg12 : memref<!tpu.dma_semaphore, #tpu.memory_space<semaphore_mem>>)
    %dma_wait3A_443 = arith.constant 1 : i32
    %dma_wait3A_444 = arith.constant 1 : i32
    %dma_wait3A_445 = arith.constant 0 : i32
    %dma_wait3A_446 = arith.constant 0 : i32
    %dma_wait3A_447 = tpu.memref_slice %arg8[%dma_wait3A_444, %dma_wait3A_445, %dma_wait3A_446] : memref<4x16x1024xf32, #tpu.memory_space<vmem>> -> memref<1x16x1024xf32, #tpu.memory_space<vmem>>
    %dma_wait3A_448 = tpu.memref_squeeze %dma_wait3A_447 : memref<1x16x1024xf32, #tpu.memory_space<vmem>> -> memref<16x1024xf32, #tpu.memory_space<vmem>>
    %dma_wait3A_449 = arith.constant 0 : i32
    %dma_wait3A_450 = tpu.memref_slice %arg2[%dma_wait3A_443, %add3A_264, %dma_wait3A_449] : memref<4x2048x1024xf32, #tpu.memory_space<hbm>> -> memref<1x16x1024xf32, #tpu.memory_space<hbm>>
    %dma_wait3A_451 = tpu.memref_squeeze %dma_wait3A_450 : memref<1x16x1024xf32, #tpu.memory_space<hbm>> -> memref<16x1024xf32, #tpu.memory_space<hbm>>
    %dma_wait3A_452 = arith.constant 0 : i32
    %dma_wait3A_453 = arith.constant 0 : i32
    %dma_wait3A_454 = tpu.memref_slice %arg8[%dma_wait3A_444, %dma_wait3A_452, %dma_wait3A_453] : memref<4x16x1024xf32, #tpu.memory_space<vmem>> -> memref<1x16x1024xf32, #tpu.memory_space<vmem>>
    %dma_wait3A_455 = tpu.memref_squeeze %dma_wait3A_454 : memref<1x16x1024xf32, #tpu.memory_space<vmem>> -> memref<16x1024xf32, #tpu.memory_space<vmem>>
    %dma_wait3A_456 = arith.constant 0 : i32
    %dma_wait3A_457 = tpu.memref_slice %arg2[%dma_wait3A_443, %add3A_264, %dma_wait3A_456] : memref<4x2048x1024xf32, #tpu.memory_space<hbm>> -> memref<1x16x1024xf32, #tpu.memory_space<hbm>>
    %dma_wait3A_458 = tpu.memref_squeeze %dma_wait3A_457 : memref<1x16x1024xf32, #tpu.memory_space<hbm>> -> memref<16x1024xf32, #tpu.memory_space<hbm>>
    tpu.wait_dma2 semaphore(%arg10 : memref<!tpu.dma_semaphore, #tpu.memory_space<semaphore_mem>>) src(%dma_wait3A_458 : memref<16x1024xf32, #tpu.memory_space<hbm>>) dst(%dma_wait3A_455 : memref<16x1024xf32, #tpu.memory_space<vmem>>)
    %parallel_loop3A_459 = arith.constant 0 : i32
    %parallel_loop3A_460 = arith.constant 1024 : i32
    %parallel_loop3A_461 = arith.constant 1 : i32
    scf.for %parallel_loop3A_1216 = %parallel_loop3A_459 to %parallel_loop3A_460 step %parallel_loop3A_461  : i32 {
      %parallel_loop3A_1217 = arith.constant 64 : i32
      %parallel_loop3A_1218 = arith.divsi %parallel_loop3A_1216, %parallel_loop3A_1217 : i32
      %parallel_loop3A_1219 = arith.constant 0 : i32
      %parallel_loop3A_1220 = arith.cmpi sgt, %parallel_loop3A_1216, %parallel_loop3A_1219 : i32
      %parallel_loop3A_1221 = arith.extui %parallel_loop3A_1220 : i1 to i32
      %parallel_loop3A_1222 = arith.constant 0 : i32
      %parallel_loop3A_1223 = arith.cmpi slt, %parallel_loop3A_1216, %parallel_loop3A_1222 : i32
      %parallel_loop3A_1224 = arith.extui %parallel_loop3A_1223 : i1 to i32
      %parallel_loop3A_1225 = arith.subi %parallel_loop3A_1221, %parallel_loop3A_1224 : i32
      %parallel_loop3A_1226 = arith.constant 0 : i32
      %parallel_loop3A_1227 = arith.cmpi sgt, %parallel_loop3A_1217, %parallel_loop3A_1226 : i32
      %parallel_loop3A_1228 = arith.extui %parallel_loop3A_1227 : i1 to i32
      %parallel_loop3A_1229 = arith.constant 0 : i32
      %parallel_loop3A_1230 = arith.cmpi slt, %parallel_loop3A_1217, %parallel_loop3A_1229 : i32
      %parallel_loop3A_1231 = arith.extui %parallel_loop3A_1230 : i1 to i32
      %parallel_loop3A_1232 = arith.subi %parallel_loop3A_1228, %parallel_loop3A_1231 : i32
      %parallel_loop3A_1233 = arith.cmpi ne, %parallel_loop3A_1225, %parallel_loop3A_1232 : i32
      %parallel_loop3A_1234 = arith.remsi %parallel_loop3A_1216, %parallel_loop3A_1217 : i32
      %parallel_loop3A_1235 = arith.constant 0 : i32
      %parallel_loop3A_1236 = arith.cmpi ne, %parallel_loop3A_1234, %parallel_loop3A_1235 : i32
      %parallel_loop3A_1237 = arith.andi %parallel_loop3A_1233, %parallel_loop3A_1236 : i1
      %parallel_loop3A_1238 = arith.constant 1 : i32
      %parallel_loop3A_1239 = arith.subi %parallel_loop3A_1218, %parallel_loop3A_1238 : i32
      %parallel_loop3A_1240 = arith.select %parallel_loop3A_1237, %parallel_loop3A_1239, %parallel_loop3A_1218 : i32
      %parallel_loop3A_1241 = arith.constant 64 : i32
      %parallel_loop3A_1242 = arith.constant 0 : i32
      %parallel_loop3A_1243 = arith.cmpi eq, %parallel_loop3A_1241, %parallel_loop3A_1242 : i32
      %parallel_loop3A_1244 = arith.constant 1 : i32
      %parallel_loop3A_1245 = arith.select %parallel_loop3A_1243, %parallel_loop3A_1244, %parallel_loop3A_1241 : i32
      %parallel_loop3A_1246 = arith.remsi %parallel_loop3A_1216, %parallel_loop3A_1245 : i32
      %parallel_loop3A_1247 = arith.constant 0 : i32
      %parallel_loop3A_1248 = arith.cmpi ne, %parallel_loop3A_1246, %parallel_loop3A_1247 : i32
      %parallel_loop3A_1249 = arith.constant 0 : i32
      %parallel_loop3A_1250 = arith.cmpi slt, %parallel_loop3A_1246, %parallel_loop3A_1249 : i32
      %parallel_loop3A_1251 = arith.constant 0 : i32
      %parallel_loop3A_1252 = arith.cmpi slt, %parallel_loop3A_1245, %parallel_loop3A_1251 : i32
      %parallel_loop3A_1253 = arith.xori %parallel_loop3A_1250, %parallel_loop3A_1252 : i1
      %parallel_loop3A_1254 = arith.andi %parallel_loop3A_1253, %parallel_loop3A_1248 : i1
      %parallel_loop3A_1255 = arith.addi %parallel_loop3A_1246, %parallel_loop3A_1245 : i32
      %parallel_loop3A_1256 = arith.select %parallel_loop3A_1254, %parallel_loop3A_1255, %parallel_loop3A_1246 : i32
      %parallel_loop3A_1257 = arith.constant 16 : i32
      %parallel_loop3A_1258 = arith.muli %parallel_loop3A_1256, %parallel_loop3A_1257 : i32
      %parallel_loop3A_1259 = arith.constant 1 : i32
      %parallel_loop3A_1260 = arith.index_cast %parallel_loop3A_1259 : i32 to index
      %parallel_loop3A_1261 = arith.index_cast %parallel_loop3A_1240 : i32 to index
      %parallel_loop3A_1262 = arith.index_cast %parallel_loop3A_1258 : i32 to index
      %parallel_loop3A_1263 = tpu.vector_load %arg7[%parallel_loop3A_1260, %parallel_loop3A_1261, %parallel_loop3A_1262] {strides = array<i32>} : memref<2x16x1024xf32, #tpu.memory_space<vmem>>, vector<1x1x16xf32>,
      %parallel_loop3A_1264 = vector.shape_cast %parallel_loop3A_1263 : vector<1x1x16xf32> to vector<16xf32>
      %parallel_loop3A_1265 = arith.constant 1 : i32
      %parallel_loop3A_1266 = arith.index_cast %parallel_loop3A_1265 : i32 to index
      %parallel_loop3A_1267 = arith.index_cast %parallel_loop3A_1240 : i32 to index
      %parallel_loop3A_1268 = arith.index_cast %parallel_loop3A_1258 : i32 to index
      %parallel_loop3A_1269 = tpu.vector_load %arg8[%parallel_loop3A_1266, %parallel_loop3A_1267, %parallel_loop3A_1268] {strides = array<i32>} : memref<4x16x1024xf32, #tpu.memory_space<vmem>>, vector<1x1x16xf32>,
      %parallel_loop3A_1270 = vector.shape_cast %parallel_loop3A_1269 : vector<1x1x16xf32> to vector<16xf32>
      %parallel_loop3A_1271 = vector.shape_cast %parallel_loop3A_1264 : vector<16xf32> to vector<1x1x16xf32>
      tpu.vector_store %arg8[%parallel_loop3A_1266, %parallel_loop3A_1267, %parallel_loop3A_1268], %parallel_loop3A_1271 {add = true, strides = array<i32>} : memref<4x16x1024xf32, #tpu.memory_space<vmem>>, vector<1x1x16xf32>,
    } {sc.loop_unroll_factor = 8 : i64, sc.parallel_access}
    %add3A_462 = arith.constant 16 : i32
    %add3A_463 = arith.addi %mul3A_2, %add3A_462 : i32
    %dma_start3A_464 = arith.constant 1 : i32
    %dma_start3A_465 = arith.constant 1 : i32
    %dma_start3A_466 = arith.constant 0 : i32
    %dma_start3A_467 = arith.constant 0 : i32
    %dma_start3A_468 = tpu.memref_slice %arg8[%dma_start3A_464, %dma_start3A_466, %dma_start3A_467] : memref<4x16x1024xf32, #tpu.memory_space<vmem>> -> memref<1x16x1024xf32, #tpu.memory_space<vmem>>
    %dma_start3A_469 = tpu.memref_squeeze %dma_start3A_468 : memref<1x16x1024xf32, #tpu.memory_space<vmem>> -> memref<16x1024xf32, #tpu.memory_space<vmem>>
    %dma_start3A_470 = arith.constant 0 : i32
    %dma_start3A_471 = tpu.memref_slice %arg5[%dma_start3A_465, %add3A_463, %dma_start3A_470] : memref<4x2048x1024xf32, #tpu.memory_space<hbm>> -> memref<1x16x1024xf32, #tpu.memory_space<hbm>>
    %dma_start3A_472 = tpu.memref_squeeze %dma_start3A_471 : memref<1x16x1024xf32, #tpu.memory_space<hbm>> -> memref<16x1024xf32, #tpu.memory_space<hbm>>
    %dma_start3A_473 = arith.constant 0 : i32
    %dma_start3A_474 = tpu.memref_slice %arg5[%dma_start3A_465, %add3A_463, %dma_start3A_473] : memref<4x2048x1024xf32, #tpu.memory_space<hbm>> -> memref<1x16x1024xf32, #tpu.memory_space<hbm>>
    %dma_start3A_475 = tpu.memref_squeeze %dma_start3A_474 : memref<1x16x1024xf32, #tpu.memory_space<hbm>> -> memref<16x1024xf32, #tpu.memory_space<hbm>>
    %dma_start3A_476 = arith.constant 0 : i32
    %dma_start3A_477 = arith.constant 0 : i32
    %dma_start3A_478 = tpu.memref_slice %arg8[%dma_start3A_464, %dma_start3A_476, %dma_start3A_477] : memref<4x16x1024xf32, #tpu.memory_space<vmem>> -> memref<1x16x1024xf32, #tpu.memory_space<vmem>>
    %dma_start3A_479 = tpu.memref_squeeze %dma_start3A_478 : memref<1x16x1024xf32, #tpu.memory_space<vmem>> -> memref<16x1024xf32, #tpu.memory_space<vmem>>
    tpu.enqueue_dma source(%dma_start3A_479 : memref<16x1024xf32, #tpu.memory_space<vmem>>) target(%dma_start3A_475 : memref<16x1024xf32, #tpu.memory_space<hbm>>) target_semaphore(%arg14 : memref<!tpu.dma_semaphore, #tpu.memory_space<semaphore_mem>>)
    %dma_wait3A_480 = arith.constant 0 : i32
    %dma_wait3A_481 = arith.constant 0 : i32
    %dma_wait3A_482 = arith.constant 0 : i32
    %dma_wait3A_483 = arith.constant 0 : i32
    %dma_wait3A_484 = tpu.memref_slice %arg8[%dma_wait3A_480, %dma_wait3A_482, %dma_wait3A_483] : memref<4x16x1024xf32, #tpu.memory_space<vmem>> -> memref<1x16x1024xf32, #tpu.memory_space<vmem>>
    %dma_wait3A_485 = tpu.memref_squeeze %dma_wait3A_484 : memref<1x16x1024xf32, #tpu.memory_space<vmem>> -> memref<16x1024xf32, #tpu.memory_space<vmem>>
    %dma_wait3A_486 = arith.constant 0 : i32
    %dma_wait3A_487 = tpu.memref_slice %arg5[%dma_wait3A_481, %add3A_392, %dma_wait3A_486] : memref<4x2048x1024xf32, #tpu.memory_space<hbm>> -> memref<1x16x1024xf32, #tpu.memory_space<hbm>>
    %dma_wait3A_488 = tpu.memref_squeeze %dma_wait3A_487 : memref<1x16x1024xf32, #tpu.memory_space<hbm>> -> memref<16x1024xf32, #tpu.memory_space<hbm>>
    %dma_wait3A_489 = arith.constant 0 : i32
    %dma_wait3A_490 = tpu.memref_slice %arg5[%dma_wait3A_481, %add3A_392, %dma_wait3A_489] : memref<4x2048x1024xf32, #tpu.memory_space<hbm>> -> memref<1x16x1024xf32, #tpu.memory_space<hbm>>
    %dma_wait3A_491 = tpu.memref_squeeze %dma_wait3A_490 : memref<1x16x1024xf32, #tpu.memory_space<hbm>> -> memref<16x1024xf32, #tpu.memory_space<hbm>>
    %dma_wait3A_492 = arith.constant 0 : i32
    %dma_wait3A_493 = arith.constant 0 : i32
    %dma_wait3A_494 = tpu.memref_slice %arg8[%dma_wait3A_480, %dma_wait3A_492, %dma_wait3A_493] : memref<4x16x1024xf32, #tpu.memory_space<vmem>> -> memref<1x16x1024xf32, #tpu.memory_space<vmem>>
    %dma_wait3A_495 = tpu.memref_squeeze %dma_wait3A_494 : memref<1x16x1024xf32, #tpu.memory_space<vmem>> -> memref<16x1024xf32, #tpu.memory_space<vmem>>
    tpu.wait_dma2 semaphore(%arg13 : memref<!tpu.dma_semaphore, #tpu.memory_space<semaphore_mem>>) src(%dma_wait3A_495 : memref<16x1024xf32, #tpu.memory_space<vmem>>) dst(%dma_wait3A_491 : memref<16x1024xf32, #tpu.memory_space<hbm>>)
    %add3A_496 = arith.constant 32 : i32
    %add3A_497 = arith.addi %mul3A_2, %add3A_496 : i32
    %dma_start3A_498 = arith.constant 0 : i32
    %dma_start3A_499 = arith.constant 0 : i32
    %dma_start3A_500 = arith.constant 0 : i32
    %dma_start3A_501 = arith.constant 0 : i32
    %dma_start3A_502 = tpu.memref_slice %arg8[%dma_start3A_499, %dma_start3A_500, %dma_start3A_501] : memref<4x16x1024xf32, #tpu.memory_space<vmem>> -> memref<1x16x1024xf32, #tpu.memory_space<vmem>>
    %dma_start3A_503 = tpu.memref_squeeze %dma_start3A_502 : memref<1x16x1024xf32, #tpu.memory_space<vmem>> -> memref<16x1024xf32, #tpu.memory_space<vmem>>
    %dma_start3A_504 = arith.constant 0 : i32
    %dma_start3A_505 = tpu.memref_slice %arg2[%dma_start3A_498, %add3A_497, %dma_start3A_504] : memref<4x2048x1024xf32, #tpu.memory_space<hbm>> -> memref<1x16x1024xf32, #tpu.memory_space<hbm>>
    %dma_start3A_506 = tpu.memref_squeeze %dma_start3A_505 : memref<1x16x1024xf32, #tpu.memory_space<hbm>> -> memref<16x1024xf32, #tpu.memory_space<hbm>>
    %dma_start3A_507 = arith.constant 0 : i32
    %dma_start3A_508 = arith.constant 0 : i32
    %dma_start3A_509 = tpu.memref_slice %arg8[%dma_start3A_499, %dma_start3A_507, %dma_start3A_508] : memref<4x16x1024xf32, #tpu.memory_space<vmem>> -> memref<1x16x1024xf32, #tpu.memory_space<vmem>>
    %dma_start3A_510 = tpu.memref_squeeze %dma_start3A_509 : memref<1x16x1024xf32, #tpu.memory_space<vmem>> -> memref<16x1024xf32, #tpu.memory_space<vmem>>
    %dma_start3A_511 = arith.constant 0 : i32
    %dma_start3A_512 = tpu.memref_slice %arg2[%dma_start3A_498, %add3A_497, %dma_start3A_511] : memref<4x2048x1024xf32, #tpu.memory_space<hbm>> -> memref<1x16x1024xf32, #tpu.memory_space<hbm>>
    %dma_start3A_513 = tpu.memref_squeeze %dma_start3A_512 : memref<1x16x1024xf32, #tpu.memory_space<hbm>> -> memref<16x1024xf32, #tpu.memory_space<hbm>>
    tpu.enqueue_dma source(%dma_start3A_513 : memref<16x1024xf32, #tpu.memory_space<hbm>>) target(%dma_start3A_510 : memref<16x1024xf32, #tpu.memory_space<vmem>>) target_semaphore(%arg9 : memref<!tpu.dma_semaphore, #tpu.memory_space<semaphore_mem>>)
    %dma_wait3A_514 = arith.constant 2 : i32
    %dma_wait3A_515 = arith.constant 2 : i32
    %dma_wait3A_516 = arith.constant 0 : i32
    %dma_wait3A_517 = arith.constant 0 : i32
    %dma_wait3A_518 = tpu.memref_slice %arg8[%dma_wait3A_515, %dma_wait3A_516, %dma_wait3A_517] : memref<4x16x1024xf32, #tpu.memory_space<vmem>> -> memref<1x16x1024xf32, #tpu.memory_space<vmem>>
    %dma_wait3A_519 = tpu.memref_squeeze %dma_wait3A_518 : memref<1x16x1024xf32, #tpu.memory_space<vmem>> -> memref<16x1024xf32, #tpu.memory_space<vmem>>
    %dma_wait3A_520 = arith.constant 0 : i32
    %dma_wait3A_521 = tpu.memref_slice %arg2[%dma_wait3A_514, %add3A_335, %dma_wait3A_520] : memref<4x2048x1024xf32, #tpu.memory_space<hbm>> -> memref<1x16x1024xf32, #tpu.memory_space<hbm>>
    %dma_wait3A_522 = tpu.memref_squeeze %dma_wait3A_521 : memref<1x16x1024xf32, #tpu.memory_space<hbm>> -> memref<16x1024xf32, #tpu.memory_space<hbm>>
    %dma_wait3A_523 = arith.constant 0 : i32
    %dma_wait3A_524 = arith.constant 0 : i32
    %dma_wait3A_525 = tpu.memref_slice %arg8[%dma_wait3A_515, %dma_wait3A_523, %dma_wait3A_524] : memref<4x16x1024xf32, #tpu.memory_space<vmem>> -> memref<1x16x1024xf32, #tpu.memory_space<vmem>>
    %dma_wait3A_526 = tpu.memref_squeeze %dma_wait3A_525 : memref<1x16x1024xf32, #tpu.memory_space<vmem>> -> memref<16x1024xf32, #tpu.memory_space<vmem>>
    %dma_wait3A_527 = arith.constant 0 : i32
    %dma_wait3A_528 = tpu.memref_slice %arg2[%dma_wait3A_514, %add3A_335, %dma_wait3A_527] : memref<4x2048x1024xf32, #tpu.memory_space<hbm>> -> memref<1x16x1024xf32, #tpu.memory_space<hbm>>
    %dma_wait3A_529 = tpu.memref_squeeze %dma_wait3A_528 : memref<1x16x1024xf32, #tpu.memory_space<hbm>> -> memref<16x1024xf32, #tpu.memory_space<hbm>>
    tpu.wait_dma2 semaphore(%arg11 : memref<!tpu.dma_semaphore, #tpu.memory_space<semaphore_mem>>) src(%dma_wait3A_529 : memref<16x1024xf32, #tpu.memory_space<hbm>>) dst(%dma_wait3A_526 : memref<16x1024xf32, #tpu.memory_space<vmem>>)
    %parallel_loop3A_530 = arith.constant 0 : i32
    %parallel_loop3A_531 = arith.constant 1024 : i32
    %parallel_loop3A_532 = arith.constant 1 : i32
    scf.for %parallel_loop3A_1216 = %parallel_loop3A_530 to %parallel_loop3A_531 step %parallel_loop3A_532  : i32 {
      %parallel_loop3A_1217 = arith.constant 64 : i32
      %parallel_loop3A_1218 = arith.divsi %parallel_loop3A_1216, %parallel_loop3A_1217 : i32
      %parallel_loop3A_1219 = arith.constant 0 : i32
      %parallel_loop3A_1220 = arith.cmpi sgt, %parallel_loop3A_1216, %parallel_loop3A_1219 : i32
      %parallel_loop3A_1221 = arith.extui %parallel_loop3A_1220 : i1 to i32
      %parallel_loop3A_1222 = arith.constant 0 : i32
      %parallel_loop3A_1223 = arith.cmpi slt, %parallel_loop3A_1216, %parallel_loop3A_1222 : i32
      %parallel_loop3A_1224 = arith.extui %parallel_loop3A_1223 : i1 to i32
      %parallel_loop3A_1225 = arith.subi %parallel_loop3A_1221, %parallel_loop3A_1224 : i32
      %parallel_loop3A_1226 = arith.constant 0 : i32
      %parallel_loop3A_1227 = arith.cmpi sgt, %parallel_loop3A_1217, %parallel_loop3A_1226 : i32
      %parallel_loop3A_1228 = arith.extui %parallel_loop3A_1227 : i1 to i32
      %parallel_loop3A_1229 = arith.constant 0 : i32
      %parallel_loop3A_1230 = arith.cmpi slt, %parallel_loop3A_1217, %parallel_loop3A_1229 : i32
      %parallel_loop3A_1231 = arith.extui %parallel_loop3A_1230 : i1 to i32
      %parallel_loop3A_1232 = arith.subi %parallel_loop3A_1228, %parallel_loop3A_1231 : i32
      %parallel_loop3A_1233 = arith.cmpi ne, %parallel_loop3A_1225, %parallel_loop3A_1232 : i32
      %parallel_loop3A_1234 = arith.remsi %parallel_loop3A_1216, %parallel_loop3A_1217 : i32
      %parallel_loop3A_1235 = arith.constant 0 : i32
      %parallel_loop3A_1236 = arith.cmpi ne, %parallel_loop3A_1234, %parallel_loop3A_1235 : i32
      %parallel_loop3A_1237 = arith.andi %parallel_loop3A_1233, %parallel_loop3A_1236 : i1
      %parallel_loop3A_1238 = arith.constant 1 : i32
      %parallel_loop3A_1239 = arith.subi %parallel_loop3A_1218, %parallel_loop3A_1238 : i32
      %parallel_loop3A_1240 = arith.select %parallel_loop3A_1237, %parallel_loop3A_1239, %parallel_loop3A_1218 : i32
      %parallel_loop3A_1241 = arith.constant 64 : i32
      %parallel_loop3A_1242 = arith.constant 0 : i32
      %parallel_loop3A_1243 = arith.cmpi eq, %parallel_loop3A_1241, %parallel_loop3A_1242 : i32
      %parallel_loop3A_1244 = arith.constant 1 : i32
      %parallel_loop3A_1245 = arith.select %parallel_loop3A_1243, %parallel_loop3A_1244, %parallel_loop3A_1241 : i32
      %parallel_loop3A_1246 = arith.remsi %parallel_loop3A_1216, %parallel_loop3A_1245 : i32
      %parallel_loop3A_1247 = arith.constant 0 : i32
      %parallel_loop3A_1248 = arith.cmpi ne, %parallel_loop3A_1246, %parallel_loop3A_1247 : i32
      %parallel_loop3A_1249 = arith.constant 0 : i32
      %parallel_loop3A_1250 = arith.cmpi slt, %parallel_loop3A_1246, %parallel_loop3A_1249 : i32
      %parallel_loop3A_1251 = arith.constant 0 : i32
      %parallel_loop3A_1252 = arith.cmpi slt, %parallel_loop3A_1245, %parallel_loop3A_1251 : i32
      %parallel_loop3A_1253 = arith.xori %parallel_loop3A_1250, %parallel_loop3A_1252 : i1
      %parallel_loop3A_1254 = arith.andi %parallel_loop3A_1253, %parallel_loop3A_1248 : i1
      %parallel_loop3A_1255 = arith.addi %parallel_loop3A_1246, %parallel_loop3A_1245 : i32
      %parallel_loop3A_1256 = arith.select %parallel_loop3A_1254, %parallel_loop3A_1255, %parallel_loop3A_1246 : i32
      %parallel_loop3A_1257 = arith.constant 16 : i32
      %parallel_loop3A_1258 = arith.muli %parallel_loop3A_1256, %parallel_loop3A_1257 : i32
      %parallel_loop3A_1259 = arith.constant 1 : i32
      %parallel_loop3A_1260 = arith.index_cast %parallel_loop3A_1259 : i32 to index
      %parallel_loop3A_1261 = arith.index_cast %parallel_loop3A_1240 : i32 to index
      %parallel_loop3A_1262 = arith.index_cast %parallel_loop3A_1258 : i32 to index
      %parallel_loop3A_1263 = tpu.vector_load %arg7[%parallel_loop3A_1260, %parallel_loop3A_1261, %parallel_loop3A_1262] {strides = array<i32>} : memref<2x16x1024xf32, #tpu.memory_space<vmem>>, vector<1x1x16xf32>,
      %parallel_loop3A_1264 = vector.shape_cast %parallel_loop3A_1263 : vector<1x1x16xf32> to vector<16xf32>
      %parallel_loop3A_1265 = arith.constant 2 : i32
      %parallel_loop3A_1266 = arith.index_cast %parallel_loop3A_1265 : i32 to index
      %parallel_loop3A_1267 = arith.index_cast %parallel_loop3A_1240 : i32 to index
      %parallel_loop3A_1268 = arith.index_cast %parallel_loop3A_1258 : i32 to index
      %parallel_loop3A_1269 = tpu.vector_load %arg8[%parallel_loop3A_1266, %parallel_loop3A_1267, %parallel_loop3A_1268] {strides = array<i32>} : memref<4x16x1024xf32, #tpu.memory_space<vmem>>, vector<1x1x16xf32>,
      %parallel_loop3A_1270 = vector.shape_cast %parallel_loop3A_1269 : vector<1x1x16xf32> to vector<16xf32>
      %parallel_loop3A_1271 = vector.shape_cast %parallel_loop3A_1264 : vector<16xf32> to vector<1x1x16xf32>
      tpu.vector_store %arg8[%parallel_loop3A_1266, %parallel_loop3A_1267, %parallel_loop3A_1268], %parallel_loop3A_1271 {add = true, strides = array<i32>} : memref<4x16x1024xf32, #tpu.memory_space<vmem>>, vector<1x1x16xf32>,
    } {sc.loop_unroll_factor = 8 : i64, sc.parallel_access}
    %add3A_533 = arith.constant 16 : i32
    %add3A_534 = arith.addi %mul3A_2, %add3A_533 : i32
    %dma_start3A_535 = arith.constant 2 : i32
    %dma_start3A_536 = arith.constant 2 : i32
    %dma_start3A_537 = arith.constant 0 : i32
    %dma_start3A_538 = arith.constant 0 : i32
    %dma_start3A_539 = tpu.memref_slice %arg8[%dma_start3A_535, %dma_start3A_537, %dma_start3A_538] : memref<4x16x1024xf32, #tpu.memory_space<vmem>> -> memref<1x16x1024xf32, #tpu.memory_space<vmem>>
    %dma_start3A_540 = tpu.memref_squeeze %dma_start3A_539 : memref<1x16x1024xf32, #tpu.memory_space<vmem>> -> memref<16x1024xf32, #tpu.memory_space<vmem>>
    %dma_start3A_541 = arith.constant 0 : i32
    %dma_start3A_542 = tpu.memref_slice %arg5[%dma_start3A_536, %add3A_534, %dma_start3A_541] : memref<4x2048x1024xf32, #tpu.memory_space<hbm>> -> memref<1x16x1024xf32, #tpu.memory_space<hbm>>
    %dma_start3A_543 = tpu.memref_squeeze %dma_start3A_542 : memref<1x16x1024xf32, #tpu.memory_space<hbm>> -> memref<16x1024xf32, #tpu.memory_space<hbm>>
    %dma_start3A_544 = arith.constant 0 : i32
    %dma_start3A_545 = tpu.memref_slice %arg5[%dma_start3A_536, %add3A_534, %dma_start3A_544] : memref<4x2048x1024xf32, #tpu.memory_space<hbm>> -> memref<1x16x1024xf32, #tpu.memory_space<hbm>>
    %dma_start3A_546 = tpu.memref_squeeze %dma_start3A_545 : memref<1x16x1024xf32, #tpu.memory_space<hbm>> -> memref<16x1024xf32, #tpu.memory_space<hbm>>
    %dma_start3A_547 = arith.constant 0 : i32
    %dma_start3A_548 = arith.constant 0 : i32
    %dma_start3A_549 = tpu.memref_slice %arg8[%dma_start3A_535, %dma_start3A_547, %dma_start3A_548] : memref<4x16x1024xf32, #tpu.memory_space<vmem>> -> memref<1x16x1024xf32, #tpu.memory_space<vmem>>
    %dma_start3A_550 = tpu.memref_squeeze %dma_start3A_549 : memref<1x16x1024xf32, #tpu.memory_space<vmem>> -> memref<16x1024xf32, #tpu.memory_space<vmem>>
    tpu.enqueue_dma source(%dma_start3A_550 : memref<16x1024xf32, #tpu.memory_space<vmem>>) target(%dma_start3A_546 : memref<16x1024xf32, #tpu.memory_space<hbm>>) target_semaphore(%arg15 : memref<!tpu.dma_semaphore, #tpu.memory_space<semaphore_mem>>)
    %dma_wait3A_551 = arith.constant 1 : i32
    %dma_wait3A_552 = arith.constant 1 : i32
    %dma_wait3A_553 = arith.constant 0 : i32
    %dma_wait3A_554 = arith.constant 0 : i32
    %dma_wait3A_555 = tpu.memref_slice %arg8[%dma_wait3A_551, %dma_wait3A_553, %dma_wait3A_554] : memref<4x16x1024xf32, #tpu.memory_space<vmem>> -> memref<1x16x1024xf32, #tpu.memory_space<vmem>>
    %dma_wait3A_556 = tpu.memref_squeeze %dma_wait3A_555 : memref<1x16x1024xf32, #tpu.memory_space<vmem>> -> memref<16x1024xf32, #tpu.memory_space<vmem>>
    %dma_wait3A_557 = arith.constant 0 : i32
    %dma_wait3A_558 = tpu.memref_slice %arg5[%dma_wait3A_552, %add3A_463, %dma_wait3A_557] : memref<4x2048x1024xf32, #tpu.memory_space<hbm>> -> memref<1x16x1024xf32, #tpu.memory_space<hbm>>
    %dma_wait3A_559 = tpu.memref_squeeze %dma_wait3A_558 : memref<1x16x1024xf32, #tpu.memory_space<hbm>> -> memref<16x1024xf32, #tpu.memory_space<hbm>>
    %dma_wait3A_560 = arith.constant 0 : i32
    %dma_wait3A_561 = tpu.memref_slice %arg5[%dma_wait3A_552, %add3A_463, %dma_wait3A_560] : memref<4x2048x1024xf32, #tpu.memory_space<hbm>> -> memref<1x16x1024xf32, #tpu.memory_space<hbm>>
    %dma_wait3A_562 = tpu.memref_squeeze %dma_wait3A_561 : memref<1x16x1024xf32, #tpu.memory_space<hbm>> -> memref<16x1024xf32, #tpu.memory_space<hbm>>
    %dma_wait3A_563 = arith.constant 0 : i32
    %dma_wait3A_564 = arith.constant 0 : i32
    %dma_wait3A_565 = tpu.memref_slice %arg8[%dma_wait3A_551, %dma_wait3A_563, %dma_wait3A_564] : memref<4x16x1024xf32, #tpu.memory_space<vmem>> -> memref<1x16x1024xf32, #tpu.memory_space<vmem>>
    %dma_wait3A_566 = tpu.memref_squeeze %dma_wait3A_565 : memref<1x16x1024xf32, #tpu.memory_space<vmem>> -> memref<16x1024xf32, #tpu.memory_space<vmem>>
    tpu.wait_dma2 semaphore(%arg14 : memref<!tpu.dma_semaphore, #tpu.memory_space<semaphore_mem>>) src(%dma_wait3A_566 : memref<16x1024xf32, #tpu.memory_space<vmem>>) dst(%dma_wait3A_562 : memref<16x1024xf32, #tpu.memory_space<hbm>>)
    %add3A_567 = arith.constant 32 : i32
    %add3A_568 = arith.addi %mul3A_2, %add3A_567 : i32
    %dma_start3A_569 = arith.constant 1 : i32
    %dma_start3A_570 = arith.constant 1 : i32
    %dma_start3A_571 = arith.constant 0 : i32
    %dma_start3A_572 = arith.constant 0 : i32
    %dma_start3A_573 = tpu.memref_slice %arg8[%dma_start3A_570, %dma_start3A_571, %dma_start3A_572] : memref<4x16x1024xf32, #tpu.memory_space<vmem>> -> memref<1x16x1024xf32, #tpu.memory_space<vmem>>
    %dma_start3A_574 = tpu.memref_squeeze %dma_start3A_573 : memref<1x16x1024xf32, #tpu.memory_space<vmem>> -> memref<16x1024xf32, #tpu.memory_space<vmem>>
    %dma_start3A_575 = arith.constant 0 : i32
    %dma_start3A_576 = tpu.memref_slice %arg2[%dma_start3A_569, %add3A_568, %dma_start3A_575] : memref<4x2048x1024xf32, #tpu.memory_space<hbm>> -> memref<1x16x1024xf32, #tpu.memory_space<hbm>>
    %dma_start3A_577 = tpu.memref_squeeze %dma_start3A_576 : memref<1x16x1024xf32, #tpu.memory_space<hbm>> -> memref<16x1024xf32, #tpu.memory_space<hbm>>
    %dma_start3A_578 = arith.constant 0 : i32
    %dma_start3A_579 = arith.constant 0 : i32
    %dma_start3A_580 = tpu.memref_slice %arg8[%dma_start3A_570, %dma_start3A_578, %dma_start3A_579] : memref<4x16x1024xf32, #tpu.memory_space<vmem>> -> memref<1x16x1024xf32, #tpu.memory_space<vmem>>
    %dma_start3A_581 = tpu.memref_squeeze %dma_start3A_580 : memref<1x16x1024xf32, #tpu.memory_space<vmem>> -> memref<16x1024xf32, #tpu.memory_space<vmem>>
    %dma_start3A_582 = arith.constant 0 : i32
    %dma_start3A_583 = tpu.memref_slice %arg2[%dma_start3A_569, %add3A_568, %dma_start3A_582] : memref<4x2048x1024xf32, #tpu.memory_space<hbm>> -> memref<1x16x1024xf32, #tpu.memory_space<hbm>>
    %dma_start3A_584 = tpu.memref_squeeze %dma_start3A_583 : memref<1x16x1024xf32, #tpu.memory_space<hbm>> -> memref<16x1024xf32, #tpu.memory_space<hbm>>
    tpu.enqueue_dma source(%dma_start3A_584 : memref<16x1024xf32, #tpu.memory_space<hbm>>) target(%dma_start3A_581 : memref<16x1024xf32, #tpu.memory_space<vmem>>) target_semaphore(%arg10 : memref<!tpu.dma_semaphore, #tpu.memory_space<semaphore_mem>>)
    %dma_wait3A_585 = arith.constant 3 : i32
    %dma_wait3A_586 = arith.constant 3 : i32
    %dma_wait3A_587 = arith.constant 0 : i32
    %dma_wait3A_588 = arith.constant 0 : i32
    %dma_wait3A_589 = tpu.memref_slice %arg8[%dma_wait3A_586, %dma_wait3A_587, %dma_wait3A_588] : memref<4x16x1024xf32, #tpu.memory_space<vmem>> -> memref<1x16x1024xf32, #tpu.memory_space<vmem>>
    %dma_wait3A_590 = tpu.memref_squeeze %dma_wait3A_589 : memref<1x16x1024xf32, #tpu.memory_space<vmem>> -> memref<16x1024xf32, #tpu.memory_space<vmem>>
    %dma_wait3A_591 = arith.constant 0 : i32
    %dma_wait3A_592 = tpu.memref_slice %arg2[%dma_wait3A_585, %add3A_426, %dma_wait3A_591] : memref<4x2048x1024xf32, #tpu.memory_space<hbm>> -> memref<1x16x1024xf32, #tpu.memory_space<hbm>>
    %dma_wait3A_593 = tpu.memref_squeeze %dma_wait3A_592 : memref<1x16x1024xf32, #tpu.memory_space<hbm>> -> memref<16x1024xf32, #tpu.memory_space<hbm>>
    %dma_wait3A_594 = arith.constant 0 : i32
    %dma_wait3A_595 = arith.constant 0 : i32
    %dma_wait3A_596 = tpu.memref_slice %arg8[%dma_wait3A_586, %dma_wait3A_594, %dma_wait3A_595] : memref<4x16x1024xf32, #tpu.memory_space<vmem>> -> memref<1x16x1024xf32, #tpu.memory_space<vmem>>
    %dma_wait3A_597 = tpu.memref_squeeze %dma_wait3A_596 : memref<1x16x1024xf32, #tpu.memory_space<vmem>> -> memref<16x1024xf32, #tpu.memory_space<vmem>>
    %dma_wait3A_598 = arith.constant 0 : i32
    %dma_wait3A_599 = tpu.memref_slice %arg2[%dma_wait3A_585, %add3A_426, %dma_wait3A_598] : memref<4x2048x1024xf32, #tpu.memory_space<hbm>> -> memref<1x16x1024xf32, #tpu.memory_space<hbm>>
    %dma_wait3A_600 = tpu.memref_squeeze %dma_wait3A_599 : memref<1x16x1024xf32, #tpu.memory_space<hbm>> -> memref<16x1024xf32, #tpu.memory_space<hbm>>
    tpu.wait_dma2 semaphore(%arg12 : memref<!tpu.dma_semaphore, #tpu.memory_space<semaphore_mem>>) src(%dma_wait3A_600 : memref<16x1024xf32, #tpu.memory_space<hbm>>) dst(%dma_wait3A_597 : memref<16x1024xf32, #tpu.memory_space<vmem>>)
    %parallel_loop3A_601 = arith.constant 0 : i32
    %parallel_loop3A_602 = arith.constant 1024 : i32
    %parallel_loop3A_603 = arith.constant 1 : i32
    scf.for %parallel_loop3A_1216 = %parallel_loop3A_601 to %parallel_loop3A_602 step %parallel_loop3A_603  : i32 {
      %parallel_loop3A_1217 = arith.constant 64 : i32
      %parallel_loop3A_1218 = arith.divsi %parallel_loop3A_1216, %parallel_loop3A_1217 : i32
      %parallel_loop3A_1219 = arith.constant 0 : i32
      %parallel_loop3A_1220 = arith.cmpi sgt, %parallel_loop3A_1216, %parallel_loop3A_1219 : i32
      %parallel_loop3A_1221 = arith.extui %parallel_loop3A_1220 : i1 to i32
      %parallel_loop3A_1222 = arith.constant 0 : i32
      %parallel_loop3A_1223 = arith.cmpi slt, %parallel_loop3A_1216, %parallel_loop3A_1222 : i32
      %parallel_loop3A_1224 = arith.extui %parallel_loop3A_1223 : i1 to i32
      %parallel_loop3A_1225 = arith.subi %parallel_loop3A_1221, %parallel_loop3A_1224 : i32
      %parallel_loop3A_1226 = arith.constant 0 : i32
      %parallel_loop3A_1227 = arith.cmpi sgt, %parallel_loop3A_1217, %parallel_loop3A_1226 : i32
      %parallel_loop3A_1228 = arith.extui %parallel_loop3A_1227 : i1 to i32
      %parallel_loop3A_1229 = arith.constant 0 : i32
      %parallel_loop3A_1230 = arith.cmpi slt, %parallel_loop3A_1217, %parallel_loop3A_1229 : i32
      %parallel_loop3A_1231 = arith.extui %parallel_loop3A_1230 : i1 to i32
      %parallel_loop3A_1232 = arith.subi %parallel_loop3A_1228, %parallel_loop3A_1231 : i32
      %parallel_loop3A_1233 = arith.cmpi ne, %parallel_loop3A_1225, %parallel_loop3A_1232 : i32
      %parallel_loop3A_1234 = arith.remsi %parallel_loop3A_1216, %parallel_loop3A_1217 : i32
      %parallel_loop3A_1235 = arith.constant 0 : i32
      %parallel_loop3A_1236 = arith.cmpi ne, %parallel_loop3A_1234, %parallel_loop3A_1235 : i32
      %parallel_loop3A_1237 = arith.andi %parallel_loop3A_1233, %parallel_loop3A_1236 : i1
      %parallel_loop3A_1238 = arith.constant 1 : i32
      %parallel_loop3A_1239 = arith.subi %parallel_loop3A_1218, %parallel_loop3A_1238 : i32
      %parallel_loop3A_1240 = arith.select %parallel_loop3A_1237, %parallel_loop3A_1239, %parallel_loop3A_1218 : i32
      %parallel_loop3A_1241 = arith.constant 64 : i32
      %parallel_loop3A_1242 = arith.constant 0 : i32
      %parallel_loop3A_1243 = arith.cmpi eq, %parallel_loop3A_1241, %parallel_loop3A_1242 : i32
      %parallel_loop3A_1244 = arith.constant 1 : i32
      %parallel_loop3A_1245 = arith.select %parallel_loop3A_1243, %parallel_loop3A_1244, %parallel_loop3A_1241 : i32
      %parallel_loop3A_1246 = arith.remsi %parallel_loop3A_1216, %parallel_loop3A_1245 : i32
      %parallel_loop3A_1247 = arith.constant 0 : i32
      %parallel_loop3A_1248 = arith.cmpi ne, %parallel_loop3A_1246, %parallel_loop3A_1247 : i32
      %parallel_loop3A_1249 = arith.constant 0 : i32
      %parallel_loop3A_1250 = arith.cmpi slt, %parallel_loop3A_1246, %parallel_loop3A_1249 : i32
      %parallel_loop3A_1251 = arith.constant 0 : i32
      %parallel_loop3A_1252 = arith.cmpi slt, %parallel_loop3A_1245, %parallel_loop3A_1251 : i32
      %parallel_loop3A_1253 = arith.xori %parallel_loop3A_1250, %parallel_loop3A_1252 : i1
      %parallel_loop3A_1254 = arith.andi %parallel_loop3A_1253, %parallel_loop3A_1248 : i1
      %parallel_loop3A_1255 = arith.addi %parallel_loop3A_1246, %parallel_loop3A_1245 : i32
      %parallel_loop3A_1256 = arith.select %parallel_loop3A_1254, %parallel_loop3A_1255, %parallel_loop3A_1246 : i32
      %parallel_loop3A_1257 = arith.constant 16 : i32
      %parallel_loop3A_1258 = arith.muli %parallel_loop3A_1256, %parallel_loop3A_1257 : i32
      %parallel_loop3A_1259 = arith.constant 1 : i32
      %parallel_loop3A_1260 = arith.index_cast %parallel_loop3A_1259 : i32 to index
      %parallel_loop3A_1261 = arith.index_cast %parallel_loop3A_1240 : i32 to index
      %parallel_loop3A_1262 = arith.index_cast %parallel_loop3A_1258 : i32 to index
      %parallel_loop3A_1263 = tpu.vector_load %arg7[%parallel_loop3A_1260, %parallel_loop3A_1261, %parallel_loop3A_1262] {strides = array<i32>} : memref<2x16x1024xf32, #tpu.memory_space<vmem>>, vector<1x1x16xf32>,
      %parallel_loop3A_1264 = vector.shape_cast %parallel_loop3A_1263 : vector<1x1x16xf32> to vector<16xf32>
      %parallel_loop3A_1265 = arith.constant 3 : i32
      %parallel_loop3A_1266 = arith.index_cast %parallel_loop3A_1265 : i32 to index
      %parallel_loop3A_1267 = arith.index_cast %parallel_loop3A_1240 : i32 to index
      %parallel_loop3A_1268 = arith.index_cast %parallel_loop3A_1258 : i32 to index
      %parallel_loop3A_1269 = tpu.vector_load %arg8[%parallel_loop3A_1266, %parallel_loop3A_1267, %parallel_loop3A_1268] {strides = array<i32>} : memref<4x16x1024xf32, #tpu.memory_space<vmem>>, vector<1x1x16xf32>,
      %parallel_loop3A_1270 = vector.shape_cast %parallel_loop3A_1269 : vector<1x1x16xf32> to vector<16xf32>
      %parallel_loop3A_1271 = vector.shape_cast %parallel_loop3A_1264 : vector<16xf32> to vector<1x1x16xf32>
      tpu.vector_store %arg8[%parallel_loop3A_1266, %parallel_loop3A_1267, %parallel_loop3A_1268], %parallel_loop3A_1271 {add = true, strides = array<i32>} : memref<4x16x1024xf32, #tpu.memory_space<vmem>>, vector<1x1x16xf32>,
    } {sc.loop_unroll_factor = 8 : i64, sc.parallel_access}
    %add3A_604 = arith.constant 16 : i32
    %add3A_605 = arith.addi %mul3A_2, %add3A_604 : i32
    %dma_start3A_606 = arith.constant 3 : i32
    %dma_start3A_607 = arith.constant 3 : i32
    %dma_start3A_608 = arith.constant 0 : i32
    %dma_start3A_609 = arith.constant 0 : i32
    %dma_start3A_610 = tpu.memref_slice %arg8[%dma_start3A_606, %dma_start3A_608, %dma_start3A_609] : memref<4x16x1024xf32, #tpu.memory_space<vmem>> -> memref<1x16x1024xf32, #tpu.memory_space<vmem>>
    %dma_start3A_611 = tpu.memref_squeeze %dma_start3A_610 : memref<1x16x1024xf32, #tpu.memory_space<vmem>> -> memref<16x1024xf32, #tpu.memory_space<vmem>>
    %dma_start3A_612 = arith.constant 0 : i32
    %dma_start3A_613 = tpu.memref_slice %arg5[%dma_start3A_607, %add3A_605, %dma_start3A_612] : memref<4x2048x1024xf32, #tpu.memory_space<hbm>> -> memref<1x16x1024xf32, #tpu.memory_space<hbm>>
    %dma_start3A_614 = tpu.memref_squeeze %dma_start3A_613 : memref<1x16x1024xf32, #tpu.memory_space<hbm>> -> memref<16x1024xf32, #tpu.memory_space<hbm>>
    %dma_start3A_615 = arith.constant 0 : i32
    %dma_start3A_616 = tpu.memref_slice %arg5[%dma_start3A_607, %add3A_605, %dma_start3A_615] : memref<4x2048x1024xf32, #tpu.memory_space<hbm>> -> memref<1x16x1024xf32, #tpu.memory_space<hbm>>
    %dma_start3A_617 = tpu.memref_squeeze %dma_start3A_616 : memref<1x16x1024xf32, #tpu.memory_space<hbm>> -> memref<16x1024xf32, #tpu.memory_space<hbm>>
    %dma_start3A_618 = arith.constant 0 : i32
    %dma_start3A_619 = arith.constant 0 : i32
    %dma_start3A_620 = tpu.memref_slice %arg8[%dma_start3A_606, %dma_start3A_618, %dma_start3A_619] : memref<4x16x1024xf32, #tpu.memory_space<vmem>> -> memref<1x16x1024xf32, #tpu.memory_space<vmem>>
    %dma_start3A_621 = tpu.memref_squeeze %dma_start3A_620 : memref<1x16x1024xf32, #tpu.memory_space<vmem>> -> memref<16x1024xf32, #tpu.memory_space<vmem>>
    tpu.enqueue_dma source(%dma_start3A_621 : memref<16x1024xf32, #tpu.memory_space<vmem>>) target(%dma_start3A_617 : memref<16x1024xf32, #tpu.memory_space<hbm>>) target_semaphore(%arg16 : memref<!tpu.dma_semaphore, #tpu.memory_space<semaphore_mem>>)
    %dma_wait3A_622 = arith.constant 2 : i32
    %dma_wait3A_623 = arith.constant 2 : i32
    %dma_wait3A_624 = arith.constant 0 : i32
    %dma_wait3A_625 = arith.constant 0 : i32
    %dma_wait3A_626 = tpu.memref_slice %arg8[%dma_wait3A_622, %dma_wait3A_624, %dma_wait3A_625] : memref<4x16x1024xf32, #tpu.memory_space<vmem>> -> memref<1x16x1024xf32, #tpu.memory_space<vmem>>
    %dma_wait3A_627 = tpu.memref_squeeze %dma_wait3A_626 : memref<1x16x1024xf32, #tpu.memory_space<vmem>> -> memref<16x1024xf32, #tpu.memory_space<vmem>>
    %dma_wait3A_628 = arith.constant 0 : i32
    %dma_wait3A_629 = tpu.memref_slice %arg5[%dma_wait3A_623, %add3A_534, %dma_wait3A_628] : memref<4x2048x1024xf32, #tpu.memory_space<hbm>> -> memref<1x16x1024xf32, #tpu.memory_space<hbm>>
    %dma_wait3A_630 = tpu.memref_squeeze %dma_wait3A_629 : memref<1x16x1024xf32, #tpu.memory_space<hbm>> -> memref<16x1024xf32, #tpu.memory_space<hbm>>
    %dma_wait3A_631 = arith.constant 0 : i32
    %dma_wait3A_632 = tpu.memref_slice %arg5[%dma_wait3A_623, %add3A_534, %dma_wait3A_631] : memref<4x2048x1024xf32, #tpu.memory_space<hbm>> -> memref<1x16x1024xf32, #tpu.memory_space<hbm>>
    %dma_wait3A_633 = tpu.memref_squeeze %dma_wait3A_632 : memref<1x16x1024xf32, #tpu.memory_space<hbm>> -> memref<16x1024xf32, #tpu.memory_space<hbm>>
    %dma_wait3A_634 = arith.constant 0 : i32
    %dma_wait3A_635 = arith.constant 0 : i32
    %dma_wait3A_636 = tpu.memref_slice %arg8[%dma_wait3A_622, %dma_wait3A_634, %dma_wait3A_635] : memref<4x16x1024xf32, #tpu.memory_space<vmem>> -> memref<1x16x1024xf32, #tpu.memory_space<vmem>>
    %dma_wait3A_637 = tpu.memref_squeeze %dma_wait3A_636 : memref<1x16x1024xf32, #tpu.memory_space<vmem>> -> memref<16x1024xf32, #tpu.memory_space<vmem>>
    tpu.wait_dma2 semaphore(%arg15 : memref<!tpu.dma_semaphore, #tpu.memory_space<semaphore_mem>>) src(%dma_wait3A_637 : memref<16x1024xf32, #tpu.memory_space<vmem>>) dst(%dma_wait3A_633 : memref<16x1024xf32, #tpu.memory_space<hbm>>)
    %add3A_638 = arith.constant 32 : i32
    %add3A_639 = arith.addi %mul3A_2, %add3A_638 : i32
    %dma_start3A_640 = arith.constant 2 : i32
    %dma_start3A_641 = arith.constant 2 : i32
    %dma_start3A_642 = arith.constant 0 : i32
    %dma_start3A_643 = arith.constant 0 : i32
    %dma_start3A_644 = tpu.memref_slice %arg8[%dma_start3A_641, %dma_start3A_642, %dma_start3A_643] : memref<4x16x1024xf32, #tpu.memory_space<vmem>> -> memref<1x16x1024xf32, #tpu.memory_space<vmem>>
    %dma_start3A_645 = tpu.memref_squeeze %dma_start3A_644 : memref<1x16x1024xf32, #tpu.memory_space<vmem>> -> memref<16x1024xf32, #tpu.memory_space<vmem>>
    %dma_start3A_646 = arith.constant 0 : i32
    %dma_start3A_647 = tpu.memref_slice %arg2[%dma_start3A_640, %add3A_639, %dma_start3A_646] : memref<4x2048x1024xf32, #tpu.memory_space<hbm>> -> memref<1x16x1024xf32, #tpu.memory_space<hbm>>
    %dma_start3A_648 = tpu.memref_squeeze %dma_start3A_647 : memref<1x16x1024xf32, #tpu.memory_space<hbm>> -> memref<16x1024xf32, #tpu.memory_space<hbm>>
    %dma_start3A_649 = arith.constant 0 : i32
    %dma_start3A_650 = arith.constant 0 : i32
    %dma_start3A_651 = tpu.memref_slice %arg8[%dma_start3A_641, %dma_start3A_649, %dma_start3A_650] : memref<4x16x1024xf32, #tpu.memory_space<vmem>> -> memref<1x16x1024xf32, #tpu.memory_space<vmem>>
    %dma_start3A_652 = tpu.memref_squeeze %dma_start3A_651 : memref<1x16x1024xf32, #tpu.memory_space<vmem>> -> memref<16x1024xf32, #tpu.memory_space<vmem>>
    %dma_start3A_653 = arith.constant 0 : i32
    %dma_start3A_654 = tpu.memref_slice %arg2[%dma_start3A_640, %add3A_639, %dma_start3A_653] : memref<4x2048x1024xf32, #tpu.memory_space<hbm>> -> memref<1x16x1024xf32, #tpu.memory_space<hbm>>
    %dma_start3A_655 = tpu.memref_squeeze %dma_start3A_654 : memref<1x16x1024xf32, #tpu.memory_space<hbm>> -> memref<16x1024xf32, #tpu.memory_space<hbm>>
    tpu.enqueue_dma source(%dma_start3A_655 : memref<16x1024xf32, #tpu.memory_space<hbm>>) target(%dma_start3A_652 : memref<16x1024xf32, #tpu.memory_space<vmem>>) target_semaphore(%arg11 : memref<!tpu.dma_semaphore, #tpu.memory_space<semaphore_mem>>)
    %dma_start3A_656 = arith.constant 1 : i32
    %dma_start3A_657 = arith.constant 0 : i32
    %dma_start3A_658 = arith.constant 0 : i32
    %dma_start3A_659 = tpu.memref_slice %arg7[%dma_start3A_656, %dma_start3A_657, %dma_start3A_658] : memref<2x16x1024xf32, #tpu.memory_space<vmem>> -> memref<1x16x1024xf32, #tpu.memory_space<vmem>>
    %dma_start3A_660 = tpu.memref_squeeze %dma_start3A_659 : memref<1x16x1024xf32, #tpu.memory_space<vmem>> -> memref<16x1024xf32, #tpu.memory_space<vmem>>
    %dma_start3A_661 = arith.constant 48 : i32
    %dma_start3A_662 = tpu.memref_slice %arg6[%dma_start3A_661] : memref<64xi32, #tpu.memory_space<vmem>> -> memref<16xi32, #tpu.memory_space<vmem>>
    %dma_start3A_663 = arith.constant 0 : i32
    %dma_start3A_664 = arith.constant 0 : i32
    %dma_start3A_665 = tpu.memref_slice %arg3[%dma_start3A_663, %dma_start3A_664] : memref<2048x1024xf32, #tpu.memory_space<hbm>> -> memref<2048x1024xf32, #tpu.memory_space<hbm>>
    tpu.enqueue_indirect_dma source(%dma_start3A_665 : memref<2048x1024xf32, #tpu.memory_space<hbm>>) target(%dma_start3A_660 : memref<16x1024xf32, #tpu.memory_space<vmem>>) offsets(%dma_start3A_662 : memref<16xi32, #tpu.memory_space<vmem>>) semaphore(%arg18 : memref<!tpu.dma_semaphore, #tpu.memory_space<semaphore_mem>>)
    %dma_wait3A_666 = arith.constant 0 : i32
    %dma_wait3A_667 = arith.constant 0 : i32
    %dma_wait3A_668 = arith.constant 0 : i32
    %dma_wait3A_669 = tpu.memref_slice %arg7[%dma_wait3A_666, %dma_wait3A_667, %dma_wait3A_668] : memref<2x16x1024xf32, #tpu.memory_space<vmem>> -> memref<1x16x1024xf32, #tpu.memory_space<vmem>>
    %dma_wait3A_670 = tpu.memref_squeeze %dma_wait3A_669 : memref<1x16x1024xf32, #tpu.memory_space<vmem>> -> memref<16x1024xf32, #tpu.memory_space<vmem>>
    %dma_wait3A_671 = arith.constant 32 : i32
    %dma_wait3A_672 = tpu.memref_slice %arg6[%dma_wait3A_671] : memref<64xi32, #tpu.memory_space<vmem>> -> memref<16xi32, #tpu.memory_space<vmem>>
    %dma_wait3A_673 = arith.constant 0 : i32
    %dma_wait3A_674 = arith.constant 0 : i32
    %dma_wait3A_675 = tpu.memref_slice %arg3[%dma_wait3A_673, %dma_wait3A_674] : memref<2048x1024xf32, #tpu.memory_space<hbm>> -> memref<2048x1024xf32, #tpu.memory_space<hbm>>
    tpu.wait_indirect_dma semaphore(%arg17 : memref<!tpu.dma_semaphore, #tpu.memory_space<semaphore_mem>>) src(%dma_wait3A_675 : memref<2048x1024xf32, #tpu.memory_space<hbm>>) dst(%dma_wait3A_670 : memref<16x1024xf32, #tpu.memory_space<vmem>>)
    %dma_wait3A_676 = arith.constant 0 : i32
    %dma_wait3A_677 = arith.constant 0 : i32
    %dma_wait3A_678 = arith.constant 0 : i32
    %dma_wait3A_679 = arith.constant 0 : i32
    %dma_wait3A_680 = tpu.memref_slice %arg8[%dma_wait3A_677, %dma_wait3A_678, %dma_wait3A_679] : memref<4x16x1024xf32, #tpu.memory_space<vmem>> -> memref<1x16x1024xf32, #tpu.memory_space<vmem>>
    %dma_wait3A_681 = tpu.memref_squeeze %dma_wait3A_680 : memref<1x16x1024xf32, #tpu.memory_space<vmem>> -> memref<16x1024xf32, #tpu.memory_space<vmem>>
    %dma_wait3A_682 = arith.constant 0 : i32
    %dma_wait3A_683 = tpu.memref_slice %arg2[%dma_wait3A_676, %add3A_497, %dma_wait3A_682] : memref<4x2048x1024xf32, #tpu.memory_space<hbm>> -> memref<1x16x1024xf32, #tpu.memory_space<hbm>>
    %dma_wait3A_684 = tpu.memref_squeeze %dma_wait3A_683 : memref<1x16x1024xf32, #tpu.memory_space<hbm>> -> memref<16x1024xf32, #tpu.memory_space<hbm>>
    %dma_wait3A_685 = arith.constant 0 : i32
    %dma_wait3A_686 = arith.constant 0 : i32
    %dma_wait3A_687 = tpu.memref_slice %arg8[%dma_wait3A_677, %dma_wait3A_685, %dma_wait3A_686] : memref<4x16x1024xf32, #tpu.memory_space<vmem>> -> memref<1x16x1024xf32, #tpu.memory_space<vmem>>
    %dma_wait3A_688 = tpu.memref_squeeze %dma_wait3A_687 : memref<1x16x1024xf32, #tpu.memory_space<vmem>> -> memref<16x1024xf32, #tpu.memory_space<vmem>>
    %dma_wait3A_689 = arith.constant 0 : i32
    %dma_wait3A_690 = tpu.memref_slice %arg2[%dma_wait3A_676, %add3A_497, %dma_wait3A_689] : memref<4x2048x1024xf32, #tpu.memory_space<hbm>> -> memref<1x16x1024xf32, #tpu.memory_space<hbm>>
    %dma_wait3A_691 = tpu.memref_squeeze %dma_wait3A_690 : memref<1x16x1024xf32, #tpu.memory_space<hbm>> -> memref<16x1024xf32, #tpu.memory_space<hbm>>
    tpu.wait_dma2 semaphore(%arg9 : memref<!tpu.dma_semaphore, #tpu.memory_space<semaphore_mem>>) src(%dma_wait3A_691 : memref<16x1024xf32, #tpu.memory_space<hbm>>) dst(%dma_wait3A_688 : memref<16x1024xf32, #tpu.memory_space<vmem>>)
    %parallel_loop3A_692 = arith.constant 0 : i32
    %parallel_loop3A_693 = arith.constant 1024 : i32
    %parallel_loop3A_694 = arith.constant 1 : i32
    scf.for %parallel_loop3A_1216 = %parallel_loop3A_692 to %parallel_loop3A_693 step %parallel_loop3A_694  : i32 {
      %parallel_loop3A_1217 = arith.constant 64 : i32
      %parallel_loop3A_1218 = arith.divsi %parallel_loop3A_1216, %parallel_loop3A_1217 : i32
      %parallel_loop3A_1219 = arith.constant 0 : i32
      %parallel_loop3A_1220 = arith.cmpi sgt, %parallel_loop3A_1216, %parallel_loop3A_1219 : i32
      %parallel_loop3A_1221 = arith.extui %parallel_loop3A_1220 : i1 to i32
      %parallel_loop3A_1222 = arith.constant 0 : i32
      %parallel_loop3A_1223 = arith.cmpi slt, %parallel_loop3A_1216, %parallel_loop3A_1222 : i32
      %parallel_loop3A_1224 = arith.extui %parallel_loop3A_1223 : i1 to i32
      %parallel_loop3A_1225 = arith.subi %parallel_loop3A_1221, %parallel_loop3A_1224 : i32
      %parallel_loop3A_1226 = arith.constant 0 : i32
      %parallel_loop3A_1227 = arith.cmpi sgt, %parallel_loop3A_1217, %parallel_loop3A_1226 : i32
      %parallel_loop3A_1228 = arith.extui %parallel_loop3A_1227 : i1 to i32
      %parallel_loop3A_1229 = arith.constant 0 : i32
      %parallel_loop3A_1230 = arith.cmpi slt, %parallel_loop3A_1217, %parallel_loop3A_1229 : i32
      %parallel_loop3A_1231 = arith.extui %parallel_loop3A_1230 : i1 to i32
      %parallel_loop3A_1232 = arith.subi %parallel_loop3A_1228, %parallel_loop3A_1231 : i32
      %parallel_loop3A_1233 = arith.cmpi ne, %parallel_loop3A_1225, %parallel_loop3A_1232 : i32
      %parallel_loop3A_1234 = arith.remsi %parallel_loop3A_1216, %parallel_loop3A_1217 : i32
      %parallel_loop3A_1235 = arith.constant 0 : i32
      %parallel_loop3A_1236 = arith.cmpi ne, %parallel_loop3A_1234, %parallel_loop3A_1235 : i32
      %parallel_loop3A_1237 = arith.andi %parallel_loop3A_1233, %parallel_loop3A_1236 : i1
      %parallel_loop3A_1238 = arith.constant 1 : i32
      %parallel_loop3A_1239 = arith.subi %parallel_loop3A_1218, %parallel_loop3A_1238 : i32
      %parallel_loop3A_1240 = arith.select %parallel_loop3A_1237, %parallel_loop3A_1239, %parallel_loop3A_1218 : i32
      %parallel_loop3A_1241 = arith.constant 64 : i32
      %parallel_loop3A_1242 = arith.constant 0 : i32
      %parallel_loop3A_1243 = arith.cmpi eq, %parallel_loop3A_1241, %parallel_loop3A_1242 : i32
      %parallel_loop3A_1244 = arith.constant 1 : i32
      %parallel_loop3A_1245 = arith.select %parallel_loop3A_1243, %parallel_loop3A_1244, %parallel_loop3A_1241 : i32
      %parallel_loop3A_1246 = arith.remsi %parallel_loop3A_1216, %parallel_loop3A_1245 : i32
      %parallel_loop3A_1247 = arith.constant 0 : i32
      %parallel_loop3A_1248 = arith.cmpi ne, %parallel_loop3A_1246, %parallel_loop3A_1247 : i32
      %parallel_loop3A_1249 = arith.constant 0 : i32
      %parallel_loop3A_1250 = arith.cmpi slt, %parallel_loop3A_1246, %parallel_loop3A_1249 : i32
      %parallel_loop3A_1251 = arith.constant 0 : i32
      %parallel_loop3A_1252 = arith.cmpi slt, %parallel_loop3A_1245, %parallel_loop3A_1251 : i32
      %parallel_loop3A_1253 = arith.xori %parallel_loop3A_1250, %parallel_loop3A_1252 : i1
      %parallel_loop3A_1254 = arith.andi %parallel_loop3A_1253, %parallel_loop3A_1248 : i1
      %parallel_loop3A_1255 = arith.addi %parallel_loop3A_1246, %parallel_loop3A_1245 : i32
      %parallel_loop3A_1256 = arith.select %parallel_loop3A_1254, %parallel_loop3A_1255, %parallel_loop3A_1246 : i32
      %parallel_loop3A_1257 = arith.constant 16 : i32
      %parallel_loop3A_1258 = arith.muli %parallel_loop3A_1256, %parallel_loop3A_1257 : i32
      %parallel_loop3A_1259 = arith.constant 0 : i32
      %parallel_loop3A_1260 = arith.index_cast %parallel_loop3A_1259 : i32 to index
      %parallel_loop3A_1261 = arith.index_cast %parallel_loop3A_1240 : i32 to index
      %parallel_loop3A_1262 = arith.index_cast %parallel_loop3A_1258 : i32 to index
      %parallel_loop3A_1263 = tpu.vector_load %arg7[%parallel_loop3A_1260, %parallel_loop3A_1261, %parallel_loop3A_1262] {strides = array<i32>} : memref<2x16x1024xf32, #tpu.memory_space<vmem>>, vector<1x1x16xf32>,
      %parallel_loop3A_1264 = vector.shape_cast %parallel_loop3A_1263 : vector<1x1x16xf32> to vector<16xf32>
      %parallel_loop3A_1265 = arith.constant 0 : i32
      %parallel_loop3A_1266 = arith.index_cast %parallel_loop3A_1265 : i32 to index
      %parallel_loop3A_1267 = arith.index_cast %parallel_loop3A_1240 : i32 to index
      %parallel_loop3A_1268 = arith.index_cast %parallel_loop3A_1258 : i32 to index
      %parallel_loop3A_1269 = tpu.vector_load %arg8[%parallel_loop3A_1266, %parallel_loop3A_1267, %parallel_loop3A_1268] {strides = array<i32>} : memref<4x16x1024xf32, #tpu.memory_space<vmem>>, vector<1x1x16xf32>,
      %parallel_loop3A_1270 = vector.shape_cast %parallel_loop3A_1269 : vector<1x1x16xf32> to vector<16xf32>
      %parallel_loop3A_1271 = vector.shape_cast %parallel_loop3A_1264 : vector<16xf32> to vector<1x1x16xf32>
      tpu.vector_store %arg8[%parallel_loop3A_1266, %parallel_loop3A_1267, %parallel_loop3A_1268], %parallel_loop3A_1271 {add = true, strides = array<i32>} : memref<4x16x1024xf32, #tpu.memory_space<vmem>>, vector<1x1x16xf32>,
    } {sc.loop_unroll_factor = 8 : i64, sc.parallel_access}
    %add3A_695 = arith.constant 32 : i32
    %add3A_696 = arith.addi %mul3A_2, %add3A_695 : i32
    %dma_start3A_697 = arith.constant 0 : i32
    %dma_start3A_698 = arith.constant 0 : i32
    %dma_start3A_699 = arith.constant 0 : i32
    %dma_start3A_700 = arith.constant 0 : i32
    %dma_start3A_701 = tpu.memref_slice %arg8[%dma_start3A_697, %dma_start3A_699, %dma_start3A_700] : memref<4x16x1024xf32, #tpu.memory_space<vmem>> -> memref<1x16x1024xf32, #tpu.memory_space<vmem>>
    %dma_start3A_702 = tpu.memref_squeeze %dma_start3A_701 : memref<1x16x1024xf32, #tpu.memory_space<vmem>> -> memref<16x1024xf32, #tpu.memory_space<vmem>>
    %dma_start3A_703 = arith.constant 0 : i32
    %dma_start3A_704 = tpu.memref_slice %arg5[%dma_start3A_698, %add3A_696, %dma_start3A_703] : memref<4x2048x1024xf32, #tpu.memory_space<hbm>> -> memref<1x16x1024xf32, #tpu.memory_space<hbm>>
    %dma_start3A_705 = tpu.memref_squeeze %dma_start3A_704 : memref<1x16x1024xf32, #tpu.memory_space<hbm>> -> memref<16x1024xf32, #tpu.memory_space<hbm>>
    %dma_start3A_706 = arith.constant 0 : i32
    %dma_start3A_707 = tpu.memref_slice %arg5[%dma_start3A_698, %add3A_696, %dma_start3A_706] : memref<4x2048x1024xf32, #tpu.memory_space<hbm>> -> memref<1x16x1024xf32, #tpu.memory_space<hbm>>
    %dma_start3A_708 = tpu.memref_squeeze %dma_start3A_707 : memref<1x16x1024xf32, #tpu.memory_space<hbm>> -> memref<16x1024xf32, #tpu.memory_space<hbm>>
    %dma_start3A_709 = arith.constant 0 : i32
    %dma_start3A_710 = arith.constant 0 : i32
    %dma_start3A_711 = tpu.memref_slice %arg8[%dma_start3A_697, %dma_start3A_709, %dma_start3A_710] : memref<4x16x1024xf32, #tpu.memory_space<vmem>> -> memref<1x16x1024xf32, #tpu.memory_space<vmem>>
    %dma_start3A_712 = tpu.memref_squeeze %dma_start3A_711 : memref<1x16x1024xf32, #tpu.memory_space<vmem>> -> memref<16x1024xf32, #tpu.memory_space<vmem>>
    tpu.enqueue_dma source(%dma_start3A_712 : memref<16x1024xf32, #tpu.memory_space<vmem>>) target(%dma_start3A_708 : memref<16x1024xf32, #tpu.memory_space<hbm>>) target_semaphore(%arg13 : memref<!tpu.dma_semaphore, #tpu.memory_space<semaphore_mem>>)
    %dma_wait3A_713 = arith.constant 3 : i32
    %dma_wait3A_714 = arith.constant 3 : i32
    %dma_wait3A_715 = arith.constant 0 : i32
    %dma_wait3A_716 = arith.constant 0 : i32
    %dma_wait3A_717 = tpu.memref_slice %arg8[%dma_wait3A_713, %dma_wait3A_715, %dma_wait3A_716] : memref<4x16x1024xf32, #tpu.memory_space<vmem>> -> memref<1x16x1024xf32, #tpu.memory_space<vmem>>
    %dma_wait3A_718 = tpu.memref_squeeze %dma_wait3A_717 : memref<1x16x1024xf32, #tpu.memory_space<vmem>> -> memref<16x1024xf32, #tpu.memory_space<vmem>>
    %dma_wait3A_719 = arith.constant 0 : i32
    %dma_wait3A_720 = tpu.memref_slice %arg5[%dma_wait3A_714, %add3A_605, %dma_wait3A_719] : memref<4x2048x1024xf32, #tpu.memory_space<hbm>> -> memref<1x16x1024xf32, #tpu.memory_space<hbm>>
    %dma_wait3A_721 = tpu.memref_squeeze %dma_wait3A_720 : memref<1x16x1024xf32, #tpu.memory_space<hbm>> -> memref<16x1024xf32, #tpu.memory_space<hbm>>
    %dma_wait3A_722 = arith.constant 0 : i32
    %dma_wait3A_723 = tpu.memref_slice %arg5[%dma_wait3A_714, %add3A_605, %dma_wait3A_722] : memref<4x2048x1024xf32, #tpu.memory_space<hbm>> -> memref<1x16x1024xf32, #tpu.memory_space<hbm>>
    %dma_wait3A_724 = tpu.memref_squeeze %dma_wait3A_723 : memref<1x16x1024xf32, #tpu.memory_space<hbm>> -> memref<16x1024xf32, #tpu.memory_space<hbm>>
    %dma_wait3A_725 = arith.constant 0 : i32
    %dma_wait3A_726 = arith.constant 0 : i32
    %dma_wait3A_727 = tpu.memref_slice %arg8[%dma_wait3A_713, %dma_wait3A_725, %dma_wait3A_726] : memref<4x16x1024xf32, #tpu.memory_space<vmem>> -> memref<1x16x1024xf32, #tpu.memory_space<vmem>>
    %dma_wait3A_728 = tpu.memref_squeeze %dma_wait3A_727 : memref<1x16x1024xf32, #tpu.memory_space<vmem>> -> memref<16x1024xf32, #tpu.memory_space<vmem>>
    tpu.wait_dma2 semaphore(%arg16 : memref<!tpu.dma_semaphore, #tpu.memory_space<semaphore_mem>>) src(%dma_wait3A_728 : memref<16x1024xf32, #tpu.memory_space<vmem>>) dst(%dma_wait3A_724 : memref<16x1024xf32, #tpu.memory_space<hbm>>)
    %add3A_729 = arith.constant 32 : i32
    %add3A_730 = arith.addi %mul3A_2, %add3A_729 : i32
    %dma_start3A_731 = arith.constant 3 : i32
    %dma_start3A_732 = arith.constant 3 : i32
    %dma_start3A_733 = arith.constant 0 : i32
    %dma_start3A_734 = arith.constant 0 : i32
    %dma_start3A_735 = tpu.memref_slice %arg8[%dma_start3A_732, %dma_start3A_733, %dma_start3A_734] : memref<4x16x1024xf32, #tpu.memory_space<vmem>> -> memref<1x16x1024xf32, #tpu.memory_space<vmem>>
    %dma_start3A_736 = tpu.memref_squeeze %dma_start3A_735 : memref<1x16x1024xf32, #tpu.memory_space<vmem>> -> memref<16x1024xf32, #tpu.memory_space<vmem>>
    %dma_start3A_737 = arith.constant 0 : i32
    %dma_start3A_738 = tpu.memref_slice %arg2[%dma_start3A_731, %add3A_730, %dma_start3A_737] : memref<4x2048x1024xf32, #tpu.memory_space<hbm>> -> memref<1x16x1024xf32, #tpu.memory_space<hbm>>
    %dma_start3A_739 = tpu.memref_squeeze %dma_start3A_738 : memref<1x16x1024xf32, #tpu.memory_space<hbm>> -> memref<16x1024xf32, #tpu.memory_space<hbm>>
    %dma_start3A_740 = arith.constant 0 : i32
    %dma_start3A_741 = arith.constant 0 : i32
    %dma_start3A_742 = tpu.memref_slice %arg8[%dma_start3A_732, %dma_start3A_740, %dma_start3A_741] : memref<4x16x1024xf32, #tpu.memory_space<vmem>> -> memref<1x16x1024xf32, #tpu.memory_space<vmem>>
    %dma_start3A_743 = tpu.memref_squeeze %dma_start3A_742 : memref<1x16x1024xf32, #tpu.memory_space<vmem>> -> memref<16x1024xf32, #tpu.memory_space<vmem>>
    %dma_start3A_744 = arith.constant 0 : i32
    %dma_start3A_745 = tpu.memref_slice %arg2[%dma_start3A_731, %add3A_730, %dma_start3A_744] : memref<4x2048x1024xf32, #tpu.memory_space<hbm>> -> memref<1x16x1024xf32, #tpu.memory_space<hbm>>
    %dma_start3A_746 = tpu.memref_squeeze %dma_start3A_745 : memref<1x16x1024xf32, #tpu.memory_space<hbm>> -> memref<16x1024xf32, #tpu.memory_space<hbm>>
    tpu.enqueue_dma source(%dma_start3A_746 : memref<16x1024xf32, #tpu.memory_space<hbm>>) target(%dma_start3A_743 : memref<16x1024xf32, #tpu.memory_space<vmem>>) target_semaphore(%arg12 : memref<!tpu.dma_semaphore, #tpu.memory_space<semaphore_mem>>)
    %dma_wait3A_747 = arith.constant 1 : i32
    %dma_wait3A_748 = arith.constant 1 : i32
    %dma_wait3A_749 = arith.constant 0 : i32
    %dma_wait3A_750 = arith.constant 0 : i32
    %dma_wait3A_751 = tpu.memref_slice %arg8[%dma_wait3A_748, %dma_wait3A_749, %dma_wait3A_750] : memref<4x16x1024xf32, #tpu.memory_space<vmem>> -> memref<1x16x1024xf32, #tpu.memory_space<vmem>>
    %dma_wait3A_752 = tpu.memref_squeeze %dma_wait3A_751 : memref<1x16x1024xf32, #tpu.memory_space<vmem>> -> memref<16x1024xf32, #tpu.memory_space<vmem>>
    %dma_wait3A_753 = arith.constant 0 : i32
    %dma_wait3A_754 = tpu.memref_slice %arg2[%dma_wait3A_747, %add3A_568, %dma_wait3A_753] : memref<4x2048x1024xf32, #tpu.memory_space<hbm>> -> memref<1x16x1024xf32, #tpu.memory_space<hbm>>
    %dma_wait3A_755 = tpu.memref_squeeze %dma_wait3A_754 : memref<1x16x1024xf32, #tpu.memory_space<hbm>> -> memref<16x1024xf32, #tpu.memory_space<hbm>>
    %dma_wait3A_756 = arith.constant 0 : i32
    %dma_wait3A_757 = arith.constant 0 : i32
    %dma_wait3A_758 = tpu.memref_slice %arg8[%dma_wait3A_748, %dma_wait3A_756, %dma_wait3A_757] : memref<4x16x1024xf32, #tpu.memory_space<vmem>> -> memref<1x16x1024xf32, #tpu.memory_space<vmem>>
    %dma_wait3A_759 = tpu.memref_squeeze %dma_wait3A_758 : memref<1x16x1024xf32, #tpu.memory_space<vmem>> -> memref<16x1024xf32, #tpu.memory_space<vmem>>
    %dma_wait3A_760 = arith.constant 0 : i32
    %dma_wait3A_761 = tpu.memref_slice %arg2[%dma_wait3A_747, %add3A_568, %dma_wait3A_760] : memref<4x2048x1024xf32, #tpu.memory_space<hbm>> -> memref<1x16x1024xf32, #tpu.memory_space<hbm>>
    %dma_wait3A_762 = tpu.memref_squeeze %dma_wait3A_761 : memref<1x16x1024xf32, #tpu.memory_space<hbm>> -> memref<16x1024xf32, #tpu.memory_space<hbm>>
    tpu.wait_dma2 semaphore(%arg10 : memref<!tpu.dma_semaphore, #tpu.memory_space<semaphore_mem>>) src(%dma_wait3A_762 : memref<16x1024xf32, #tpu.memory_space<hbm>>) dst(%dma_wait3A_759 : memref<16x1024xf32, #tpu.memory_space<vmem>>)
    %parallel_loop3A_763 = arith.constant 0 : i32
    %parallel_loop3A_764 = arith.constant 1024 : i32
    %parallel_loop3A_765 = arith.constant 1 : i32
    scf.for %parallel_loop3A_1216 = %parallel_loop3A_763 to %parallel_loop3A_764 step %parallel_loop3A_765  : i32 {
      %parallel_loop3A_1217 = arith.constant 64 : i32
      %parallel_loop3A_1218 = arith.divsi %parallel_loop3A_1216, %parallel_loop3A_1217 : i32
      %parallel_loop3A_1219 = arith.constant 0 : i32
      %parallel_loop3A_1220 = arith.cmpi sgt, %parallel_loop3A_1216, %parallel_loop3A_1219 : i32
      %parallel_loop3A_1221 = arith.extui %parallel_loop3A_1220 : i1 to i32
      %parallel_loop3A_1222 = arith.constant 0 : i32
      %parallel_loop3A_1223 = arith.cmpi slt, %parallel_loop3A_1216, %parallel_loop3A_1222 : i32
      %parallel_loop3A_1224 = arith.extui %parallel_loop3A_1223 : i1 to i32
      %parallel_loop3A_1225 = arith.subi %parallel_loop3A_1221, %parallel_loop3A_1224 : i32
      %parallel_loop3A_1226 = arith.constant 0 : i32
      %parallel_loop3A_1227 = arith.cmpi sgt, %parallel_loop3A_1217, %parallel_loop3A_1226 : i32
      %parallel_loop3A_1228 = arith.extui %parallel_loop3A_1227 : i1 to i32
      %parallel_loop3A_1229 = arith.constant 0 : i32
      %parallel_loop3A_1230 = arith.cmpi slt, %parallel_loop3A_1217, %parallel_loop3A_1229 : i32
      %parallel_loop3A_1231 = arith.extui %parallel_loop3A_1230 : i1 to i32
      %parallel_loop3A_1232 = arith.subi %parallel_loop3A_1228, %parallel_loop3A_1231 : i32
      %parallel_loop3A_1233 = arith.cmpi ne, %parallel_loop3A_1225, %parallel_loop3A_1232 : i32
      %parallel_loop3A_1234 = arith.remsi %parallel_loop3A_1216, %parallel_loop3A_1217 : i32
      %parallel_loop3A_1235 = arith.constant 0 : i32
      %parallel_loop3A_1236 = arith.cmpi ne, %parallel_loop3A_1234, %parallel_loop3A_1235 : i32
      %parallel_loop3A_1237 = arith.andi %parallel_loop3A_1233, %parallel_loop3A_1236 : i1
      %parallel_loop3A_1238 = arith.constant 1 : i32
      %parallel_loop3A_1239 = arith.subi %parallel_loop3A_1218, %parallel_loop3A_1238 : i32
      %parallel_loop3A_1240 = arith.select %parallel_loop3A_1237, %parallel_loop3A_1239, %parallel_loop3A_1218 : i32
      %parallel_loop3A_1241 = arith.constant 64 : i32
      %parallel_loop3A_1242 = arith.constant 0 : i32
      %parallel_loop3A_1243 = arith.cmpi eq, %parallel_loop3A_1241, %parallel_loop3A_1242 : i32
      %parallel_loop3A_1244 = arith.constant 1 : i32
      %parallel_loop3A_1245 = arith.select %parallel_loop3A_1243, %parallel_loop3A_1244, %parallel_loop3A_1241 : i32
      %parallel_loop3A_1246 = arith.remsi %parallel_loop3A_1216, %parallel_loop3A_1245 : i32
      %parallel_loop3A_1247 = arith.constant 0 : i32
      %parallel_loop3A_1248 = arith.cmpi ne, %parallel_loop3A_1246, %parallel_loop3A_1247 : i32
      %parallel_loop3A_1249 = arith.constant 0 : i32
      %parallel_loop3A_1250 = arith.cmpi slt, %parallel_loop3A_1246, %parallel_loop3A_1249 : i32
      %parallel_loop3A_1251 = arith.constant 0 : i32
      %parallel_loop3A_1252 = arith.cmpi slt, %parallel_loop3A_1245, %parallel_loop3A_1251 : i32
      %parallel_loop3A_1253 = arith.xori %parallel_loop3A_1250, %parallel_loop3A_1252 : i1
      %parallel_loop3A_1254 = arith.andi %parallel_loop3A_1253, %parallel_loop3A_1248 : i1
      %parallel_loop3A_1255 = arith.addi %parallel_loop3A_1246, %parallel_loop3A_1245 : i32
      %parallel_loop3A_1256 = arith.select %parallel_loop3A_1254, %parallel_loop3A_1255, %parallel_loop3A_1246 : i32
      %parallel_loop3A_1257 = arith.constant 16 : i32
      %parallel_loop3A_1258 = arith.muli %parallel_loop3A_1256, %parallel_loop3A_1257 : i32
      %parallel_loop3A_1259 = arith.constant 0 : i32
      %parallel_loop3A_1260 = arith.index_cast %parallel_loop3A_1259 : i32 to index
      %parallel_loop3A_1261 = arith.index_cast %parallel_loop3A_1240 : i32 to index
      %parallel_loop3A_1262 = arith.index_cast %parallel_loop3A_1258 : i32 to index
      %parallel_loop3A_1263 = tpu.vector_load %arg7[%parallel_loop3A_1260, %parallel_loop3A_1261, %parallel_loop3A_1262] {strides = array<i32>} : memref<2x16x1024xf32, #tpu.memory_space<vmem>>, vector<1x1x16xf32>,
      %parallel_loop3A_1264 = vector.shape_cast %parallel_loop3A_1263 : vector<1x1x16xf32> to vector<16xf32>
      %parallel_loop3A_1265 = arith.constant 1 : i32
      %parallel_loop3A_1266 = arith.index_cast %parallel_loop3A_1265 : i32 to index
      %parallel_loop3A_1267 = arith.index_cast %parallel_loop3A_1240 : i32 to index
      %parallel_loop3A_1268 = arith.index_cast %parallel_loop3A_1258 : i32 to index
      %parallel_loop3A_1269 = tpu.vector_load %arg8[%parallel_loop3A_1266, %parallel_loop3A_1267, %parallel_loop3A_1268] {strides = array<i32>} : memref<4x16x1024xf32, #tpu.memory_space<vmem>>, vector<1x1x16xf32>,
      %parallel_loop3A_1270 = vector.shape_cast %parallel_loop3A_1269 : vector<1x1x16xf32> to vector<16xf32>
      %parallel_loop3A_1271 = vector.shape_cast %parallel_loop3A_1264 : vector<16xf32> to vector<1x1x16xf32>
      tpu.vector_store %arg8[%parallel_loop3A_1266, %parallel_loop3A_1267, %parallel_loop3A_1268], %parallel_loop3A_1271 {add = true, strides = array<i32>} : memref<4x16x1024xf32, #tpu.memory_space<vmem>>, vector<1x1x16xf32>,
    } {sc.loop_unroll_factor = 8 : i64, sc.parallel_access}
    %add3A_766 = arith.constant 32 : i32
    %add3A_767 = arith.addi %mul3A_2, %add3A_766 : i32
    %dma_start3A_768 = arith.constant 1 : i32
    %dma_start3A_769 = arith.constant 1 : i32
    %dma_start3A_770 = arith.constant 0 : i32
    %dma_start3A_771 = arith.constant 0 : i32
    %dma_start3A_772 = tpu.memref_slice %arg8[%dma_start3A_768, %dma_start3A_770, %dma_start3A_771] : memref<4x16x1024xf32, #tpu.memory_space<vmem>> -> memref<1x16x1024xf32, #tpu.memory_space<vmem>>
    %dma_start3A_773 = tpu.memref_squeeze %dma_start3A_772 : memref<1x16x1024xf32, #tpu.memory_space<vmem>> -> memref<16x1024xf32, #tpu.memory_space<vmem>>
    %dma_start3A_774 = arith.constant 0 : i32
    %dma_start3A_775 = tpu.memref_slice %arg5[%dma_start3A_769, %add3A_767, %dma_start3A_774] : memref<4x2048x1024xf32, #tpu.memory_space<hbm>> -> memref<1x16x1024xf32, #tpu.memory_space<hbm>>
    %dma_start3A_776 = tpu.memref_squeeze %dma_start3A_775 : memref<1x16x1024xf32, #tpu.memory_space<hbm>> -> memref<16x1024xf32, #tpu.memory_space<hbm>>
    %dma_start3A_777 = arith.constant 0 : i32
    %dma_start3A_778 = tpu.memref_slice %arg5[%dma_start3A_769, %add3A_767, %dma_start3A_777] : memref<4x2048x1024xf32, #tpu.memory_space<hbm>> -> memref<1x16x1024xf32, #tpu.memory_space<hbm>>
    %dma_start3A_779 = tpu.memref_squeeze %dma_start3A_778 : memref<1x16x1024xf32, #tpu.memory_space<hbm>> -> memref<16x1024xf32, #tpu.memory_space<hbm>>
    %dma_start3A_780 = arith.constant 0 : i32
    %dma_start3A_781 = arith.constant 0 : i32
    %dma_start3A_782 = tpu.memref_slice %arg8[%dma_start3A_768, %dma_start3A_780, %dma_start3A_781] : memref<4x16x1024xf32, #tpu.memory_space<vmem>> -> memref<1x16x1024xf32, #tpu.memory_space<vmem>>
    %dma_start3A_783 = tpu.memref_squeeze %dma_start3A_782 : memref<1x16x1024xf32, #tpu.memory_space<vmem>> -> memref<16x1024xf32, #tpu.memory_space<vmem>>
    tpu.enqueue_dma source(%dma_start3A_783 : memref<16x1024xf32, #tpu.memory_space<vmem>>) target(%dma_start3A_779 : memref<16x1024xf32, #tpu.memory_space<hbm>>) target_semaphore(%arg14 : memref<!tpu.dma_semaphore, #tpu.memory_space<semaphore_mem>>)
    %dma_wait3A_784 = arith.constant 0 : i32
    %dma_wait3A_785 = arith.constant 0 : i32
    %dma_wait3A_786 = arith.constant 0 : i32
    %dma_wait3A_787 = arith.constant 0 : i32
    %dma_wait3A_788 = tpu.memref_slice %arg8[%dma_wait3A_784, %dma_wait3A_786, %dma_wait3A_787] : memref<4x16x1024xf32, #tpu.memory_space<vmem>> -> memref<1x16x1024xf32, #tpu.memory_space<vmem>>
    %dma_wait3A_789 = tpu.memref_squeeze %dma_wait3A_788 : memref<1x16x1024xf32, #tpu.memory_space<vmem>> -> memref<16x1024xf32, #tpu.memory_space<vmem>>
    %dma_wait3A_790 = arith.constant 0 : i32
    %dma_wait3A_791 = tpu.memref_slice %arg5[%dma_wait3A_785, %add3A_696, %dma_wait3A_790] : memref<4x2048x1024xf32, #tpu.memory_space<hbm>> -> memref<1x16x1024xf32, #tpu.memory_space<hbm>>
    %dma_wait3A_792 = tpu.memref_squeeze %dma_wait3A_791 : memref<1x16x1024xf32, #tpu.memory_space<hbm>> -> memref<16x1024xf32, #tpu.memory_space<hbm>>
    %dma_wait3A_793 = arith.constant 0 : i32
    %dma_wait3A_794 = tpu.memref_slice %arg5[%dma_wait3A_785, %add3A_696, %dma_wait3A_793] : memref<4x2048x1024xf32, #tpu.memory_space<hbm>> -> memref<1x16x1024xf32, #tpu.memory_space<hbm>>
    %dma_wait3A_795 = tpu.memref_squeeze %dma_wait3A_794 : memref<1x16x1024xf32, #tpu.memory_space<hbm>> -> memref<16x1024xf32, #tpu.memory_space<hbm>>
    %dma_wait3A_796 = arith.constant 0 : i32
    %dma_wait3A_797 = arith.constant 0 : i32
    %dma_wait3A_798 = tpu.memref_slice %arg8[%dma_wait3A_784, %dma_wait3A_796, %dma_wait3A_797] : memref<4x16x1024xf32, #tpu.memory_space<vmem>> -> memref<1x16x1024xf32, #tpu.memory_space<vmem>>
    %dma_wait3A_799 = tpu.memref_squeeze %dma_wait3A_798 : memref<1x16x1024xf32, #tpu.memory_space<vmem>> -> memref<16x1024xf32, #tpu.memory_space<vmem>>
    tpu.wait_dma2 semaphore(%arg13 : memref<!tpu.dma_semaphore, #tpu.memory_space<semaphore_mem>>) src(%dma_wait3A_799 : memref<16x1024xf32, #tpu.memory_space<vmem>>) dst(%dma_wait3A_795 : memref<16x1024xf32, #tpu.memory_space<hbm>>)
    %add3A_800 = arith.constant 48 : i32
    %add3A_801 = arith.addi %mul3A_2, %add3A_800 : i32
    %dma_start3A_802 = arith.constant 0 : i32
    %dma_start3A_803 = arith.constant 0 : i32
    %dma_start3A_804 = arith.constant 0 : i32
    %dma_start3A_805 = arith.constant 0 : i32
    %dma_start3A_806 = tpu.memref_slice %arg8[%dma_start3A_803, %dma_start3A_804, %dma_start3A_805] : memref<4x16x1024xf32, #tpu.memory_space<vmem>> -> memref<1x16x1024xf32, #tpu.memory_space<vmem>>
    %dma_start3A_807 = tpu.memref_squeeze %dma_start3A_806 : memref<1x16x1024xf32, #tpu.memory_space<vmem>> -> memref<16x1024xf32, #tpu.memory_space<vmem>>
    %dma_start3A_808 = arith.constant 0 : i32
    %dma_start3A_809 = tpu.memref_slice %arg2[%dma_start3A_802, %add3A_801, %dma_start3A_808] : memref<4x2048x1024xf32, #tpu.memory_space<hbm>> -> memref<1x16x1024xf32, #tpu.memory_space<hbm>>
    %dma_start3A_810 = tpu.memref_squeeze %dma_start3A_809 : memref<1x16x1024xf32, #tpu.memory_space<hbm>> -> memref<16x1024xf32, #tpu.memory_space<hbm>>
    %dma_start3A_811 = arith.constant 0 : i32
    %dma_start3A_812 = arith.constant 0 : i32
    %dma_start3A_813 = tpu.memref_slice %arg8[%dma_start3A_803, %dma_start3A_811, %dma_start3A_812] : memref<4x16x1024xf32, #tpu.memory_space<vmem>> -> memref<1x16x1024xf32, #tpu.memory_space<vmem>>
    %dma_start3A_814 = tpu.memref_squeeze %dma_start3A_813 : memref<1x16x1024xf32, #tpu.memory_space<vmem>> -> memref<16x1024xf32, #tpu.memory_space<vmem>>
    %dma_start3A_815 = arith.constant 0 : i32
    %dma_start3A_816 = tpu.memref_slice %arg2[%dma_start3A_802, %add3A_801, %dma_start3A_815] : memref<4x2048x1024xf32, #tpu.memory_space<hbm>> -> memref<1x16x1024xf32, #tpu.memory_space<hbm>>
    %dma_start3A_817 = tpu.memref_squeeze %dma_start3A_816 : memref<1x16x1024xf32, #tpu.memory_space<hbm>> -> memref<16x1024xf32, #tpu.memory_space<hbm>>
    tpu.enqueue_dma source(%dma_start3A_817 : memref<16x1024xf32, #tpu.memory_space<hbm>>) target(%dma_start3A_814 : memref<16x1024xf32, #tpu.memory_space<vmem>>) target_semaphore(%arg9 : memref<!tpu.dma_semaphore, #tpu.memory_space<semaphore_mem>>)
    %dma_wait3A_818 = arith.constant 2 : i32
    %dma_wait3A_819 = arith.constant 2 : i32
    %dma_wait3A_820 = arith.constant 0 : i32
    %dma_wait3A_821 = arith.constant 0 : i32
    %dma_wait3A_822 = tpu.memref_slice %arg8[%dma_wait3A_819, %dma_wait3A_820, %dma_wait3A_821] : memref<4x16x1024xf32, #tpu.memory_space<vmem>> -> memref<1x16x1024xf32, #tpu.memory_space<vmem>>
    %dma_wait3A_823 = tpu.memref_squeeze %dma_wait3A_822 : memref<1x16x1024xf32, #tpu.memory_space<vmem>> -> memref<16x1024xf32, #tpu.memory_space<vmem>>
    %dma_wait3A_824 = arith.constant 0 : i32
    %dma_wait3A_825 = tpu.memref_slice %arg2[%dma_wait3A_818, %add3A_639, %dma_wait3A_824] : memref<4x2048x1024xf32, #tpu.memory_space<hbm>> -> memref<1x16x1024xf32, #tpu.memory_space<hbm>>
    %dma_wait3A_826 = tpu.memref_squeeze %dma_wait3A_825 : memref<1x16x1024xf32, #tpu.memory_space<hbm>> -> memref<16x1024xf32, #tpu.memory_space<hbm>>
    %dma_wait3A_827 = arith.constant 0 : i32
    %dma_wait3A_828 = arith.constant 0 : i32
    %dma_wait3A_829 = tpu.memref_slice %arg8[%dma_wait3A_819, %dma_wait3A_827, %dma_wait3A_828] : memref<4x16x1024xf32, #tpu.memory_space<vmem>> -> memref<1x16x1024xf32, #tpu.memory_space<vmem>>
    %dma_wait3A_830 = tpu.memref_squeeze %dma_wait3A_829 : memref<1x16x1024xf32, #tpu.memory_space<vmem>> -> memref<16x1024xf32, #tpu.memory_space<vmem>>
    %dma_wait3A_831 = arith.constant 0 : i32
    %dma_wait3A_832 = tpu.memref_slice %arg2[%dma_wait3A_818, %add3A_639, %dma_wait3A_831] : memref<4x2048x1024xf32, #tpu.memory_space<hbm>> -> memref<1x16x1024xf32, #tpu.memory_space<hbm>>
    %dma_wait3A_833 = tpu.memref_squeeze %dma_wait3A_832 : memref<1x16x1024xf32, #tpu.memory_space<hbm>> -> memref<16x1024xf32, #tpu.memory_space<hbm>>
    tpu.wait_dma2 semaphore(%arg11 : memref<!tpu.dma_semaphore, #tpu.memory_space<semaphore_mem>>) src(%dma_wait3A_833 : memref<16x1024xf32, #tpu.memory_space<hbm>>) dst(%dma_wait3A_830 : memref<16x1024xf32, #tpu.memory_space<vmem>>)
    %parallel_loop3A_834 = arith.constant 0 : i32
    %parallel_loop3A_835 = arith.constant 1024 : i32
    %parallel_loop3A_836 = arith.constant 1 : i32
    scf.for %parallel_loop3A_1216 = %parallel_loop3A_834 to %parallel_loop3A_835 step %parallel_loop3A_836  : i32 {
      %parallel_loop3A_1217 = arith.constant 64 : i32
      %parallel_loop3A_1218 = arith.divsi %parallel_loop3A_1216, %parallel_loop3A_1217 : i32
      %parallel_loop3A_1219 = arith.constant 0 : i32
      %parallel_loop3A_1220 = arith.cmpi sgt, %parallel_loop3A_1216, %parallel_loop3A_1219 : i32
      %parallel_loop3A_1221 = arith.extui %parallel_loop3A_1220 : i1 to i32
      %parallel_loop3A_1222 = arith.constant 0 : i32
      %parallel_loop3A_1223 = arith.cmpi slt, %parallel_loop3A_1216, %parallel_loop3A_1222 : i32
      %parallel_loop3A_1224 = arith.extui %parallel_loop3A_1223 : i1 to i32
      %parallel_loop3A_1225 = arith.subi %parallel_loop3A_1221, %parallel_loop3A_1224 : i32
      %parallel_loop3A_1226 = arith.constant 0 : i32
      %parallel_loop3A_1227 = arith.cmpi sgt, %parallel_loop3A_1217, %parallel_loop3A_1226 : i32
      %parallel_loop3A_1228 = arith.extui %parallel_loop3A_1227 : i1 to i32
      %parallel_loop3A_1229 = arith.constant 0 : i32
      %parallel_loop3A_1230 = arith.cmpi slt, %parallel_loop3A_1217, %parallel_loop3A_1229 : i32
      %parallel_loop3A_1231 = arith.extui %parallel_loop3A_1230 : i1 to i32
      %parallel_loop3A_1232 = arith.subi %parallel_loop3A_1228, %parallel_loop3A_1231 : i32
      %parallel_loop3A_1233 = arith.cmpi ne, %parallel_loop3A_1225, %parallel_loop3A_1232 : i32
      %parallel_loop3A_1234 = arith.remsi %parallel_loop3A_1216, %parallel_loop3A_1217 : i32
      %parallel_loop3A_1235 = arith.constant 0 : i32
      %parallel_loop3A_1236 = arith.cmpi ne, %parallel_loop3A_1234, %parallel_loop3A_1235 : i32
      %parallel_loop3A_1237 = arith.andi %parallel_loop3A_1233, %parallel_loop3A_1236 : i1
      %parallel_loop3A_1238 = arith.constant 1 : i32
      %parallel_loop3A_1239 = arith.subi %parallel_loop3A_1218, %parallel_loop3A_1238 : i32
      %parallel_loop3A_1240 = arith.select %parallel_loop3A_1237, %parallel_loop3A_1239, %parallel_loop3A_1218 : i32
      %parallel_loop3A_1241 = arith.constant 64 : i32
      %parallel_loop3A_1242 = arith.constant 0 : i32
      %parallel_loop3A_1243 = arith.cmpi eq, %parallel_loop3A_1241, %parallel_loop3A_1242 : i32
      %parallel_loop3A_1244 = arith.constant 1 : i32
      %parallel_loop3A_1245 = arith.select %parallel_loop3A_1243, %parallel_loop3A_1244, %parallel_loop3A_1241 : i32
      %parallel_loop3A_1246 = arith.remsi %parallel_loop3A_1216, %parallel_loop3A_1245 : i32
      %parallel_loop3A_1247 = arith.constant 0 : i32
      %parallel_loop3A_1248 = arith.cmpi ne, %parallel_loop3A_1246, %parallel_loop3A_1247 : i32
      %parallel_loop3A_1249 = arith.constant 0 : i32
      %parallel_loop3A_1250 = arith.cmpi slt, %parallel_loop3A_1246, %parallel_loop3A_1249 : i32
      %parallel_loop3A_1251 = arith.constant 0 : i32
      %parallel_loop3A_1252 = arith.cmpi slt, %parallel_loop3A_1245, %parallel_loop3A_1251 : i32
      %parallel_loop3A_1253 = arith.xori %parallel_loop3A_1250, %parallel_loop3A_1252 : i1
      %parallel_loop3A_1254 = arith.andi %parallel_loop3A_1253, %parallel_loop3A_1248 : i1
      %parallel_loop3A_1255 = arith.addi %parallel_loop3A_1246, %parallel_loop3A_1245 : i32
      %parallel_loop3A_1256 = arith.select %parallel_loop3A_1254, %parallel_loop3A_1255, %parallel_loop3A_1246 : i32
      %parallel_loop3A_1257 = arith.constant 16 : i32
      %parallel_loop3A_1258 = arith.muli %parallel_loop3A_1256, %parallel_loop3A_1257 : i32
      %parallel_loop3A_1259 = arith.constant 0 : i32
      %parallel_loop3A_1260 = arith.index_cast %parallel_loop3A_1259 : i32 to index
      %parallel_loop3A_1261 = arith.index_cast %parallel_loop3A_1240 : i32 to index
      %parallel_loop3A_1262 = arith.index_cast %parallel_loop3A_1258 : i32 to index
      %parallel_loop3A_1263 = tpu.vector_load %arg7[%parallel_loop3A_1260, %parallel_loop3A_1261, %parallel_loop3A_1262] {strides = array<i32>} : memref<2x16x1024xf32, #tpu.memory_space<vmem>>, vector<1x1x16xf32>,
      %parallel_loop3A_1264 = vector.shape_cast %parallel_loop3A_1263 : vector<1x1x16xf32> to vector<16xf32>
      %parallel_loop3A_1265 = arith.constant 2 : i32
      %parallel_loop3A_1266 = arith.index_cast %parallel_loop3A_1265 : i32 to index
      %parallel_loop3A_1267 = arith.index_cast %parallel_loop3A_1240 : i32 to index
      %parallel_loop3A_1268 = arith.index_cast %parallel_loop3A_1258 : i32 to index
      %parallel_loop3A_1269 = tpu.vector_load %arg8[%parallel_loop3A_1266, %parallel_loop3A_1267, %parallel_loop3A_1268] {strides = array<i32>} : memref<4x16x1024xf32, #tpu.memory_space<vmem>>, vector<1x1x16xf32>,
      %parallel_loop3A_1270 = vector.shape_cast %parallel_loop3A_1269 : vector<1x1x16xf32> to vector<16xf32>
      %parallel_loop3A_1271 = vector.shape_cast %parallel_loop3A_1264 : vector<16xf32> to vector<1x1x16xf32>
      tpu.vector_store %arg8[%parallel_loop3A_1266, %parallel_loop3A_1267, %parallel_loop3A_1268], %parallel_loop3A_1271 {add = true, strides = array<i32>} : memref<4x16x1024xf32, #tpu.memory_space<vmem>>, vector<1x1x16xf32>,
    } {sc.loop_unroll_factor = 8 : i64, sc.parallel_access}
    %add3A_837 = arith.constant 32 : i32
    %add3A_838 = arith.addi %mul3A_2, %add3A_837 : i32
    %dma_start3A_839 = arith.constant 2 : i32
    %dma_start3A_840 = arith.constant 2 : i32
    %dma_start3A_841 = arith.constant 0 : i32
    %dma_start3A_842 = arith.constant 0 : i32
    %dma_start3A_843 = tpu.memref_slice %arg8[%dma_start3A_839, %dma_start3A_841, %dma_start3A_842] : memref<4x16x1024xf32, #tpu.memory_space<vmem>> -> memref<1x16x1024xf32, #tpu.memory_space<vmem>>
    %dma_start3A_844 = tpu.memref_squeeze %dma_start3A_843 : memref<1x16x1024xf32, #tpu.memory_space<vmem>> -> memref<16x1024xf32, #tpu.memory_space<vmem>>
    %dma_start3A_845 = arith.constant 0 : i32
    %dma_start3A_846 = tpu.memref_slice %arg5[%dma_start3A_840, %add3A_838, %dma_start3A_845] : memref<4x2048x1024xf32, #tpu.memory_space<hbm>> -> memref<1x16x1024xf32, #tpu.memory_space<hbm>>
    %dma_start3A_847 = tpu.memref_squeeze %dma_start3A_846 : memref<1x16x1024xf32, #tpu.memory_space<hbm>> -> memref<16x1024xf32, #tpu.memory_space<hbm>>
    %dma_start3A_848 = arith.constant 0 : i32
    %dma_start3A_849 = tpu.memref_slice %arg5[%dma_start3A_840, %add3A_838, %dma_start3A_848] : memref<4x2048x1024xf32, #tpu.memory_space<hbm>> -> memref<1x16x1024xf32, #tpu.memory_space<hbm>>
    %dma_start3A_850 = tpu.memref_squeeze %dma_start3A_849 : memref<1x16x1024xf32, #tpu.memory_space<hbm>> -> memref<16x1024xf32, #tpu.memory_space<hbm>>
    %dma_start3A_851 = arith.constant 0 : i32
    %dma_start3A_852 = arith.constant 0 : i32
    %dma_start3A_853 = tpu.memref_slice %arg8[%dma_start3A_839, %dma_start3A_851, %dma_start3A_852] : memref<4x16x1024xf32, #tpu.memory_space<vmem>> -> memref<1x16x1024xf32, #tpu.memory_space<vmem>>
    %dma_start3A_854 = tpu.memref_squeeze %dma_start3A_853 : memref<1x16x1024xf32, #tpu.memory_space<vmem>> -> memref<16x1024xf32, #tpu.memory_space<vmem>>
    tpu.enqueue_dma source(%dma_start3A_854 : memref<16x1024xf32, #tpu.memory_space<vmem>>) target(%dma_start3A_850 : memref<16x1024xf32, #tpu.memory_space<hbm>>) target_semaphore(%arg15 : memref<!tpu.dma_semaphore, #tpu.memory_space<semaphore_mem>>)
    %dma_wait3A_855 = arith.constant 1 : i32
    %dma_wait3A_856 = arith.constant 1 : i32
    %dma_wait3A_857 = arith.constant 0 : i32
    %dma_wait3A_858 = arith.constant 0 : i32
    %dma_wait3A_859 = tpu.memref_slice %arg8[%dma_wait3A_855, %dma_wait3A_857, %dma_wait3A_858] : memref<4x16x1024xf32, #tpu.memory_space<vmem>> -> memref<1x16x1024xf32, #tpu.memory_space<vmem>>
    %dma_wait3A_860 = tpu.memref_squeeze %dma_wait3A_859 : memref<1x16x1024xf32, #tpu.memory_space<vmem>> -> memref<16x1024xf32, #tpu.memory_space<vmem>>
    %dma_wait3A_861 = arith.constant 0 : i32
    %dma_wait3A_862 = tpu.memref_slice %arg5[%dma_wait3A_856, %add3A_767, %dma_wait3A_861] : memref<4x2048x1024xf32, #tpu.memory_space<hbm>> -> memref<1x16x1024xf32, #tpu.memory_space<hbm>>
    %dma_wait3A_863 = tpu.memref_squeeze %dma_wait3A_862 : memref<1x16x1024xf32, #tpu.memory_space<hbm>> -> memref<16x1024xf32, #tpu.memory_space<hbm>>
    %dma_wait3A_864 = arith.constant 0 : i32
    %dma_wait3A_865 = tpu.memref_slice %arg5[%dma_wait3A_856, %add3A_767, %dma_wait3A_864] : memref<4x2048x1024xf32, #tpu.memory_space<hbm>> -> memref<1x16x1024xf32, #tpu.memory_space<hbm>>
    %dma_wait3A_866 = tpu.memref_squeeze %dma_wait3A_865 : memref<1x16x1024xf32, #tpu.memory_space<hbm>> -> memref<16x1024xf32, #tpu.memory_space<hbm>>
    %dma_wait3A_867 = arith.constant 0 : i32
    %dma_wait3A_868 = arith.constant 0 : i32
    %dma_wait3A_869 = tpu.memref_slice %arg8[%dma_wait3A_855, %dma_wait3A_867, %dma_wait3A_868] : memref<4x16x1024xf32, #tpu.memory_space<vmem>> -> memref<1x16x1024xf32, #tpu.memory_space<vmem>>
    %dma_wait3A_870 = tpu.memref_squeeze %dma_wait3A_869 : memref<1x16x1024xf32, #tpu.memory_space<vmem>> -> memref<16x1024xf32, #tpu.memory_space<vmem>>
    tpu.wait_dma2 semaphore(%arg14 : memref<!tpu.dma_semaphore, #tpu.memory_space<semaphore_mem>>) src(%dma_wait3A_870 : memref<16x1024xf32, #tpu.memory_space<vmem>>) dst(%dma_wait3A_866 : memref<16x1024xf32, #tpu.memory_space<hbm>>)
    %add3A_871 = arith.constant 48 : i32
    %add3A_872 = arith.addi %mul3A_2, %add3A_871 : i32
    %dma_start3A_873 = arith.constant 1 : i32
    %dma_start3A_874 = arith.constant 1 : i32
    %dma_start3A_875 = arith.constant 0 : i32
    %dma_start3A_876 = arith.constant 0 : i32
    %dma_start3A_877 = tpu.memref_slice %arg8[%dma_start3A_874, %dma_start3A_875, %dma_start3A_876] : memref<4x16x1024xf32, #tpu.memory_space<vmem>> -> memref<1x16x1024xf32, #tpu.memory_space<vmem>>
    %dma_start3A_878 = tpu.memref_squeeze %dma_start3A_877 : memref<1x16x1024xf32, #tpu.memory_space<vmem>> -> memref<16x1024xf32, #tpu.memory_space<vmem>>
    %dma_start3A_879 = arith.constant 0 : i32
    %dma_start3A_880 = tpu.memref_slice %arg2[%dma_start3A_873, %add3A_872, %dma_start3A_879] : memref<4x2048x1024xf32, #tpu.memory_space<hbm>> -> memref<1x16x1024xf32, #tpu.memory_space<hbm>>
    %dma_start3A_881 = tpu.memref_squeeze %dma_start3A_880 : memref<1x16x1024xf32, #tpu.memory_space<hbm>> -> memref<16x1024xf32, #tpu.memory_space<hbm>>
    %dma_start3A_882 = arith.constant 0 : i32
    %dma_start3A_883 = arith.constant 0 : i32
    %dma_start3A_884 = tpu.memref_slice %arg8[%dma_start3A_874, %dma_start3A_882, %dma_start3A_883] : memref<4x16x1024xf32, #tpu.memory_space<vmem>> -> memref<1x16x1024xf32, #tpu.memory_space<vmem>>
    %dma_start3A_885 = tpu.memref_squeeze %dma_start3A_884 : memref<1x16x1024xf32, #tpu.memory_space<vmem>> -> memref<16x1024xf32, #tpu.memory_space<vmem>>
    %dma_start3A_886 = arith.constant 0 : i32
    %dma_start3A_887 = tpu.memref_slice %arg2[%dma_start3A_873, %add3A_872, %dma_start3A_886] : memref<4x2048x1024xf32, #tpu.memory_space<hbm>> -> memref<1x16x1024xf32, #tpu.memory_space<hbm>>
    %dma_start3A_888 = tpu.memref_squeeze %dma_start3A_887 : memref<1x16x1024xf32, #tpu.memory_space<hbm>> -> memref<16x1024xf32, #tpu.memory_space<hbm>>
    tpu.enqueue_dma source(%dma_start3A_888 : memref<16x1024xf32, #tpu.memory_space<hbm>>) target(%dma_start3A_885 : memref<16x1024xf32, #tpu.memory_space<vmem>>) target_semaphore(%arg10 : memref<!tpu.dma_semaphore, #tpu.memory_space<semaphore_mem>>)
    %dma_wait3A_889 = arith.constant 3 : i32
    %dma_wait3A_890 = arith.constant 3 : i32
    %dma_wait3A_891 = arith.constant 0 : i32
    %dma_wait3A_892 = arith.constant 0 : i32
    %dma_wait3A_893 = tpu.memref_slice %arg8[%dma_wait3A_890, %dma_wait3A_891, %dma_wait3A_892] : memref<4x16x1024xf32, #tpu.memory_space<vmem>> -> memref<1x16x1024xf32, #tpu.memory_space<vmem>>
    %dma_wait3A_894 = tpu.memref_squeeze %dma_wait3A_893 : memref<1x16x1024xf32, #tpu.memory_space<vmem>> -> memref<16x1024xf32, #tpu.memory_space<vmem>>
    %dma_wait3A_895 = arith.constant 0 : i32
    %dma_wait3A_896 = tpu.memref_slice %arg2[%dma_wait3A_889, %add3A_730, %dma_wait3A_895] : memref<4x2048x1024xf32, #tpu.memory_space<hbm>> -> memref<1x16x1024xf32, #tpu.memory_space<hbm>>
    %dma_wait3A_897 = tpu.memref_squeeze %dma_wait3A_896 : memref<1x16x1024xf32, #tpu.memory_space<hbm>> -> memref<16x1024xf32, #tpu.memory_space<hbm>>
    %dma_wait3A_898 = arith.constant 0 : i32
    %dma_wait3A_899 = arith.constant 0 : i32
    %dma_wait3A_900 = tpu.memref_slice %arg8[%dma_wait3A_890, %dma_wait3A_898, %dma_wait3A_899] : memref<4x16x1024xf32, #tpu.memory_space<vmem>> -> memref<1x16x1024xf32, #tpu.memory_space<vmem>>
    %dma_wait3A_901 = tpu.memref_squeeze %dma_wait3A_900 : memref<1x16x1024xf32, #tpu.memory_space<vmem>> -> memref<16x1024xf32, #tpu.memory_space<vmem>>
    %dma_wait3A_902 = arith.constant 0 : i32
    %dma_wait3A_903 = tpu.memref_slice %arg2[%dma_wait3A_889, %add3A_730, %dma_wait3A_902] : memref<4x2048x1024xf32, #tpu.memory_space<hbm>> -> memref<1x16x1024xf32, #tpu.memory_space<hbm>>
    %dma_wait3A_904 = tpu.memref_squeeze %dma_wait3A_903 : memref<1x16x1024xf32, #tpu.memory_space<hbm>> -> memref<16x1024xf32, #tpu.memory_space<hbm>>
    tpu.wait_dma2 semaphore(%arg12 : memref<!tpu.dma_semaphore, #tpu.memory_space<semaphore_mem>>) src(%dma_wait3A_904 : memref<16x1024xf32, #tpu.memory_space<hbm>>) dst(%dma_wait3A_901 : memref<16x1024xf32, #tpu.memory_space<vmem>>)
    %parallel_loop3A_905 = arith.constant 0 : i32
    %parallel_loop3A_906 = arith.constant 1024 : i32
    %parallel_loop3A_907 = arith.constant 1 : i32
    scf.for %parallel_loop3A_1216 = %parallel_loop3A_905 to %parallel_loop3A_906 step %parallel_loop3A_907  : i32 {
      %parallel_loop3A_1217 = arith.constant 64 : i32
      %parallel_loop3A_1218 = arith.divsi %parallel_loop3A_1216, %parallel_loop3A_1217 : i32
      %parallel_loop3A_1219 = arith.constant 0 : i32
      %parallel_loop3A_1220 = arith.cmpi sgt, %parallel_loop3A_1216, %parallel_loop3A_1219 : i32
      %parallel_loop3A_1221 = arith.extui %parallel_loop3A_1220 : i1 to i32
      %parallel_loop3A_1222 = arith.constant 0 : i32
      %parallel_loop3A_1223 = arith.cmpi slt, %parallel_loop3A_1216, %parallel_loop3A_1222 : i32
      %parallel_loop3A_1224 = arith.extui %parallel_loop3A_1223 : i1 to i32
      %parallel_loop3A_1225 = arith.subi %parallel_loop3A_1221, %parallel_loop3A_1224 : i32
      %parallel_loop3A_1226 = arith.constant 0 : i32
      %parallel_loop3A_1227 = arith.cmpi sgt, %parallel_loop3A_1217, %parallel_loop3A_1226 : i32
      %parallel_loop3A_1228 = arith.extui %parallel_loop3A_1227 : i1 to i32
      %parallel_loop3A_1229 = arith.constant 0 : i32
      %parallel_loop3A_1230 = arith.cmpi slt, %parallel_loop3A_1217, %parallel_loop3A_1229 : i32
      %parallel_loop3A_1231 = arith.extui %parallel_loop3A_1230 : i1 to i32
      %parallel_loop3A_1232 = arith.subi %parallel_loop3A_1228, %parallel_loop3A_1231 : i32
      %parallel_loop3A_1233 = arith.cmpi ne, %parallel_loop3A_1225, %parallel_loop3A_1232 : i32
      %parallel_loop3A_1234 = arith.remsi %parallel_loop3A_1216, %parallel_loop3A_1217 : i32
      %parallel_loop3A_1235 = arith.constant 0 : i32
      %parallel_loop3A_1236 = arith.cmpi ne, %parallel_loop3A_1234, %parallel_loop3A_1235 : i32
      %parallel_loop3A_1237 = arith.andi %parallel_loop3A_1233, %parallel_loop3A_1236 : i1
      %parallel_loop3A_1238 = arith.constant 1 : i32
      %parallel_loop3A_1239 = arith.subi %parallel_loop3A_1218, %parallel_loop3A_1238 : i32
      %parallel_loop3A_1240 = arith.select %parallel_loop3A_1237, %parallel_loop3A_1239, %parallel_loop3A_1218 : i32
      %parallel_loop3A_1241 = arith.constant 64 : i32
      %parallel_loop3A_1242 = arith.constant 0 : i32
      %parallel_loop3A_1243 = arith.cmpi eq, %parallel_loop3A_1241, %parallel_loop3A_1242 : i32
      %parallel_loop3A_1244 = arith.constant 1 : i32
      %parallel_loop3A_1245 = arith.select %parallel_loop3A_1243, %parallel_loop3A_1244, %parallel_loop3A_1241 : i32
      %parallel_loop3A_1246 = arith.remsi %parallel_loop3A_1216, %parallel_loop3A_1245 : i32
      %parallel_loop3A_1247 = arith.constant 0 : i32
      %parallel_loop3A_1248 = arith.cmpi ne, %parallel_loop3A_1246, %parallel_loop3A_1247 : i32
      %parallel_loop3A_1249 = arith.constant 0 : i32
      %parallel_loop3A_1250 = arith.cmpi slt, %parallel_loop3A_1246, %parallel_loop3A_1249 : i32
      %parallel_loop3A_1251 = arith.constant 0 : i32
      %parallel_loop3A_1252 = arith.cmpi slt, %parallel_loop3A_1245, %parallel_loop3A_1251 : i32
      %parallel_loop3A_1253 = arith.xori %parallel_loop3A_1250, %parallel_loop3A_1252 : i1
      %parallel_loop3A_1254 = arith.andi %parallel_loop3A_1253, %parallel_loop3A_1248 : i1
      %parallel_loop3A_1255 = arith.addi %parallel_loop3A_1246, %parallel_loop3A_1245 : i32
      %parallel_loop3A_1256 = arith.select %parallel_loop3A_1254, %parallel_loop3A_1255, %parallel_loop3A_1246 : i32
      %parallel_loop3A_1257 = arith.constant 16 : i32
      %parallel_loop3A_1258 = arith.muli %parallel_loop3A_1256, %parallel_loop3A_1257 : i32
      %parallel_loop3A_1259 = arith.constant 0 : i32
      %parallel_loop3A_1260 = arith.index_cast %parallel_loop3A_1259 : i32 to index
      %parallel_loop3A_1261 = arith.index_cast %parallel_loop3A_1240 : i32 to index
      %parallel_loop3A_1262 = arith.index_cast %parallel_loop3A_1258 : i32 to index
      %parallel_loop3A_1263 = tpu.vector_load %arg7[%parallel_loop3A_1260, %parallel_loop3A_1261, %parallel_loop3A_1262] {strides = array<i32>} : memref<2x16x1024xf32, #tpu.memory_space<vmem>>, vector<1x1x16xf32>,
      %parallel_loop3A_1264 = vector.shape_cast %parallel_loop3A_1263 : vector<1x1x16xf32> to vector<16xf32>
      %parallel_loop3A_1265 = arith.constant 3 : i32
      %parallel_loop3A_1266 = arith.index_cast %parallel_loop3A_1265 : i32 to index
      %parallel_loop3A_1267 = arith.index_cast %parallel_loop3A_1240 : i32 to index
      %parallel_loop3A_1268 = arith.index_cast %parallel_loop3A_1258 : i32 to index
      %parallel_loop3A_1269 = tpu.vector_load %arg8[%parallel_loop3A_1266, %parallel_loop3A_1267, %parallel_loop3A_1268] {strides = array<i32>} : memref<4x16x1024xf32, #tpu.memory_space<vmem>>, vector<1x1x16xf32>,
      %parallel_loop3A_1270 = vector.shape_cast %parallel_loop3A_1269 : vector<1x1x16xf32> to vector<16xf32>
      %parallel_loop3A_1271 = vector.shape_cast %parallel_loop3A_1264 : vector<16xf32> to vector<1x1x16xf32>
      tpu.vector_store %arg8[%parallel_loop3A_1266, %parallel_loop3A_1267, %parallel_loop3A_1268], %parallel_loop3A_1271 {add = true, strides = array<i32>} : memref<4x16x1024xf32, #tpu.memory_space<vmem>>, vector<1x1x16xf32>,
    } {sc.loop_unroll_factor = 8 : i64, sc.parallel_access}
    %add3A_908 = arith.constant 32 : i32
    %add3A_909 = arith.addi %mul3A_2, %add3A_908 : i32
    %dma_start3A_910 = arith.constant 3 : i32
    %dma_start3A_911 = arith.constant 3 : i32
    %dma_start3A_912 = arith.constant 0 : i32
    %dma_start3A_913 = arith.constant 0 : i32
    %dma_start3A_914 = tpu.memref_slice %arg8[%dma_start3A_910, %dma_start3A_912, %dma_start3A_913] : memref<4x16x1024xf32, #tpu.memory_space<vmem>> -> memref<1x16x1024xf32, #tpu.memory_space<vmem>>
    %dma_start3A_915 = tpu.memref_squeeze %dma_start3A_914 : memref<1x16x1024xf32, #tpu.memory_space<vmem>> -> memref<16x1024xf32, #tpu.memory_space<vmem>>
    %dma_start3A_916 = arith.constant 0 : i32
    %dma_start3A_917 = tpu.memref_slice %arg5[%dma_start3A_911, %add3A_909, %dma_start3A_916] : memref<4x2048x1024xf32, #tpu.memory_space<hbm>> -> memref<1x16x1024xf32, #tpu.memory_space<hbm>>
    %dma_start3A_918 = tpu.memref_squeeze %dma_start3A_917 : memref<1x16x1024xf32, #tpu.memory_space<hbm>> -> memref<16x1024xf32, #tpu.memory_space<hbm>>
    %dma_start3A_919 = arith.constant 0 : i32
    %dma_start3A_920 = tpu.memref_slice %arg5[%dma_start3A_911, %add3A_909, %dma_start3A_919] : memref<4x2048x1024xf32, #tpu.memory_space<hbm>> -> memref<1x16x1024xf32, #tpu.memory_space<hbm>>
    %dma_start3A_921 = tpu.memref_squeeze %dma_start3A_920 : memref<1x16x1024xf32, #tpu.memory_space<hbm>> -> memref<16x1024xf32, #tpu.memory_space<hbm>>
    %dma_start3A_922 = arith.constant 0 : i32
    %dma_start3A_923 = arith.constant 0 : i32
    %dma_start3A_924 = tpu.memref_slice %arg8[%dma_start3A_910, %dma_start3A_922, %dma_start3A_923] : memref<4x16x1024xf32, #tpu.memory_space<vmem>> -> memref<1x16x1024xf32, #tpu.memory_space<vmem>>
    %dma_start3A_925 = tpu.memref_squeeze %dma_start3A_924 : memref<1x16x1024xf32, #tpu.memory_space<vmem>> -> memref<16x1024xf32, #tpu.memory_space<vmem>>
    tpu.enqueue_dma source(%dma_start3A_925 : memref<16x1024xf32, #tpu.memory_space<vmem>>) target(%dma_start3A_921 : memref<16x1024xf32, #tpu.memory_space<hbm>>) target_semaphore(%arg16 : memref<!tpu.dma_semaphore, #tpu.memory_space<semaphore_mem>>)
    %dma_wait3A_926 = arith.constant 2 : i32
    %dma_wait3A_927 = arith.constant 2 : i32
    %dma_wait3A_928 = arith.constant 0 : i32
    %dma_wait3A_929 = arith.constant 0 : i32
    %dma_wait3A_930 = tpu.memref_slice %arg8[%dma_wait3A_926, %dma_wait3A_928, %dma_wait3A_929] : memref<4x16x1024xf32, #tpu.memory_space<vmem>> -> memref<1x16x1024xf32, #tpu.memory_space<vmem>>
    %dma_wait3A_931 = tpu.memref_squeeze %dma_wait3A_930 : memref<1x16x1024xf32, #tpu.memory_space<vmem>> -> memref<16x1024xf32, #tpu.memory_space<vmem>>
    %dma_wait3A_932 = arith.constant 0 : i32
    %dma_wait3A_933 = tpu.memref_slice %arg5[%dma_wait3A_927, %add3A_838, %dma_wait3A_932] : memref<4x2048x1024xf32, #tpu.memory_space<hbm>> -> memref<1x16x1024xf32, #tpu.memory_space<hbm>>
    %dma_wait3A_934 = tpu.memref_squeeze %dma_wait3A_933 : memref<1x16x1024xf32, #tpu.memory_space<hbm>> -> memref<16x1024xf32, #tpu.memory_space<hbm>>
    %dma_wait3A_935 = arith.constant 0 : i32
    %dma_wait3A_936 = tpu.memref_slice %arg5[%dma_wait3A_927, %add3A_838, %dma_wait3A_935] : memref<4x2048x1024xf32, #tpu.memory_space<hbm>> -> memref<1x16x1024xf32, #tpu.memory_space<hbm>>
    %dma_wait3A_937 = tpu.memref_squeeze %dma_wait3A_936 : memref<1x16x1024xf32, #tpu.memory_space<hbm>> -> memref<16x1024xf32, #tpu.memory_space<hbm>>
    %dma_wait3A_938 = arith.constant 0 : i32
    %dma_wait3A_939 = arith.constant 0 : i32
    %dma_wait3A_940 = tpu.memref_slice %arg8[%dma_wait3A_926, %dma_wait3A_938, %dma_wait3A_939] : memref<4x16x1024xf32, #tpu.memory_space<vmem>> -> memref<1x16x1024xf32, #tpu.memory_space<vmem>>
    %dma_wait3A_941 = tpu.memref_squeeze %dma_wait3A_940 : memref<1x16x1024xf32, #tpu.memory_space<vmem>> -> memref<16x1024xf32, #tpu.memory_space<vmem>>
    tpu.wait_dma2 semaphore(%arg15 : memref<!tpu.dma_semaphore, #tpu.memory_space<semaphore_mem>>) src(%dma_wait3A_941 : memref<16x1024xf32, #tpu.memory_space<vmem>>) dst(%dma_wait3A_937 : memref<16x1024xf32, #tpu.memory_space<hbm>>)
    %add3A_942 = arith.constant 48 : i32
    %add3A_943 = arith.addi %mul3A_2, %add3A_942 : i32
    %dma_start3A_944 = arith.constant 2 : i32
    %dma_start3A_945 = arith.constant 2 : i32
    %dma_start3A_946 = arith.constant 0 : i32
    %dma_start3A_947 = arith.constant 0 : i32
    %dma_start3A_948 = tpu.memref_slice %arg8[%dma_start3A_945, %dma_start3A_946, %dma_start3A_947] : memref<4x16x1024xf32, #tpu.memory_space<vmem>> -> memref<1x16x1024xf32, #tpu.memory_space<vmem>>
    %dma_start3A_949 = tpu.memref_squeeze %dma_start3A_948 : memref<1x16x1024xf32, #tpu.memory_space<vmem>> -> memref<16x1024xf32, #tpu.memory_space<vmem>>
    %dma_start3A_950 = arith.constant 0 : i32
    %dma_start3A_951 = tpu.memref_slice %arg2[%dma_start3A_944, %add3A_943, %dma_start3A_950] : memref<4x2048x1024xf32, #tpu.memory_space<hbm>> -> memref<1x16x1024xf32, #tpu.memory_space<hbm>>
    %dma_start3A_952 = tpu.memref_squeeze %dma_start3A_951 : memref<1x16x1024xf32, #tpu.memory_space<hbm>> -> memref<16x1024xf32, #tpu.memory_space<hbm>>
    %dma_start3A_953 = arith.constant 0 : i32
    %dma_start3A_954 = arith.constant 0 : i32
    %dma_start3A_955 = tpu.memref_slice %arg8[%dma_start3A_945, %dma_start3A_953, %dma_start3A_954] : memref<4x16x1024xf32, #tpu.memory_space<vmem>> -> memref<1x16x1024xf32, #tpu.memory_space<vmem>>
    %dma_start3A_956 = tpu.memref_squeeze %dma_start3A_955 : memref<1x16x1024xf32, #tpu.memory_space<vmem>> -> memref<16x1024xf32, #tpu.memory_space<vmem>>
    %dma_start3A_957 = arith.constant 0 : i32
    %dma_start3A_958 = tpu.memref_slice %arg2[%dma_start3A_944, %add3A_943, %dma_start3A_957] : memref<4x2048x1024xf32, #tpu.memory_space<hbm>> -> memref<1x16x1024xf32, #tpu.memory_space<hbm>>
    %dma_start3A_959 = tpu.memref_squeeze %dma_start3A_958 : memref<1x16x1024xf32, #tpu.memory_space<hbm>> -> memref<16x1024xf32, #tpu.memory_space<hbm>>
    tpu.enqueue_dma source(%dma_start3A_959 : memref<16x1024xf32, #tpu.memory_space<hbm>>) target(%dma_start3A_956 : memref<16x1024xf32, #tpu.memory_space<vmem>>) target_semaphore(%arg11 : memref<!tpu.dma_semaphore, #tpu.memory_space<semaphore_mem>>)
    %dma_wait3A_960 = arith.constant 1 : i32
    %dma_wait3A_961 = arith.constant 0 : i32
    %dma_wait3A_962 = arith.constant 0 : i32
    %dma_wait3A_963 = tpu.memref_slice %arg7[%dma_wait3A_960, %dma_wait3A_961, %dma_wait3A_962] : memref<2x16x1024xf32, #tpu.memory_space<vmem>> -> memref<1x16x1024xf32, #tpu.memory_space<vmem>>
    %dma_wait3A_964 = tpu.memref_squeeze %dma_wait3A_963 : memref<1x16x1024xf32, #tpu.memory_space<vmem>> -> memref<16x1024xf32, #tpu.memory_space<vmem>>
    %dma_wait3A_965 = arith.constant 48 : i32
    %dma_wait3A_966 = tpu.memref_slice %arg6[%dma_wait3A_965] : memref<64xi32, #tpu.memory_space<vmem>> -> memref<16xi32, #tpu.memory_space<vmem>>
    %dma_wait3A_967 = arith.constant 0 : i32
    %dma_wait3A_968 = arith.constant 0 : i32
    %dma_wait3A_969 = tpu.memref_slice %arg3[%dma_wait3A_967, %dma_wait3A_968] : memref<2048x1024xf32, #tpu.memory_space<hbm>> -> memref<2048x1024xf32, #tpu.memory_space<hbm>>
    tpu.wait_indirect_dma semaphore(%arg18 : memref<!tpu.dma_semaphore, #tpu.memory_space<semaphore_mem>>) src(%dma_wait3A_969 : memref<2048x1024xf32, #tpu.memory_space<hbm>>) dst(%dma_wait3A_964 : memref<16x1024xf32, #tpu.memory_space<vmem>>)
    %dma_wait3A_970 = arith.constant 0 : i32
    %dma_wait3A_971 = arith.constant 0 : i32
    %dma_wait3A_972 = arith.constant 0 : i32
    %dma_wait3A_973 = arith.constant 0 : i32
    %dma_wait3A_974 = tpu.memref_slice %arg8[%dma_wait3A_971, %dma_wait3A_972, %dma_wait3A_973] : memref<4x16x1024xf32, #tpu.memory_space<vmem>> -> memref<1x16x1024xf32, #tpu.memory_space<vmem>>
    %dma_wait3A_975 = tpu.memref_squeeze %dma_wait3A_974 : memref<1x16x1024xf32, #tpu.memory_space<vmem>> -> memref<16x1024xf32, #tpu.memory_space<vmem>>
    %dma_wait3A_976 = arith.constant 0 : i32
    %dma_wait3A_977 = tpu.memref_slice %arg2[%dma_wait3A_970, %add3A_801, %dma_wait3A_976] : memref<4x2048x1024xf32, #tpu.memory_space<hbm>> -> memref<1x16x1024xf32, #tpu.memory_space<hbm>>
    %dma_wait3A_978 = tpu.memref_squeeze %dma_wait3A_977 : memref<1x16x1024xf32, #tpu.memory_space<hbm>> -> memref<16x1024xf32, #tpu.memory_space<hbm>>
    %dma_wait3A_979 = arith.constant 0 : i32
    %dma_wait3A_980 = arith.constant 0 : i32
    %dma_wait3A_981 = tpu.memref_slice %arg8[%dma_wait3A_971, %dma_wait3A_979, %dma_wait3A_980] : memref<4x16x1024xf32, #tpu.memory_space<vmem>> -> memref<1x16x1024xf32, #tpu.memory_space<vmem>>
    %dma_wait3A_982 = tpu.memref_squeeze %dma_wait3A_981 : memref<1x16x1024xf32, #tpu.memory_space<vmem>> -> memref<16x1024xf32, #tpu.memory_space<vmem>>
    %dma_wait3A_983 = arith.constant 0 : i32
    %dma_wait3A_984 = tpu.memref_slice %arg2[%dma_wait3A_970, %add3A_801, %dma_wait3A_983] : memref<4x2048x1024xf32, #tpu.memory_space<hbm>> -> memref<1x16x1024xf32, #tpu.memory_space<hbm>>
    %dma_wait3A_985 = tpu.memref_squeeze %dma_wait3A_984 : memref<1x16x1024xf32, #tpu.memory_space<hbm>> -> memref<16x1024xf32, #tpu.memory_space<hbm>>
    tpu.wait_dma2 semaphore(%arg9 : memref<!tpu.dma_semaphore, #tpu.memory_space<semaphore_mem>>) src(%dma_wait3A_985 : memref<16x1024xf32, #tpu.memory_space<hbm>>) dst(%dma_wait3A_982 : memref<16x1024xf32, #tpu.memory_space<vmem>>)
    %parallel_loop3A_986 = arith.constant 0 : i32
    %parallel_loop3A_987 = arith.constant 1024 : i32
    %parallel_loop3A_988 = arith.constant 1 : i32
    scf.for %parallel_loop3A_1216 = %parallel_loop3A_986 to %parallel_loop3A_987 step %parallel_loop3A_988  : i32 {
      %parallel_loop3A_1217 = arith.constant 64 : i32
      %parallel_loop3A_1218 = arith.divsi %parallel_loop3A_1216, %parallel_loop3A_1217 : i32
      %parallel_loop3A_1219 = arith.constant 0 : i32
      %parallel_loop3A_1220 = arith.cmpi sgt, %parallel_loop3A_1216, %parallel_loop3A_1219 : i32
      %parallel_loop3A_1221 = arith.extui %parallel_loop3A_1220 : i1 to i32
      %parallel_loop3A_1222 = arith.constant 0 : i32
      %parallel_loop3A_1223 = arith.cmpi slt, %parallel_loop3A_1216, %parallel_loop3A_1222 : i32
      %parallel_loop3A_1224 = arith.extui %parallel_loop3A_1223 : i1 to i32
      %parallel_loop3A_1225 = arith.subi %parallel_loop3A_1221, %parallel_loop3A_1224 : i32
      %parallel_loop3A_1226 = arith.constant 0 : i32
      %parallel_loop3A_1227 = arith.cmpi sgt, %parallel_loop3A_1217, %parallel_loop3A_1226 : i32
      %parallel_loop3A_1228 = arith.extui %parallel_loop3A_1227 : i1 to i32
      %parallel_loop3A_1229 = arith.constant 0 : i32
      %parallel_loop3A_1230 = arith.cmpi slt, %parallel_loop3A_1217, %parallel_loop3A_1229 : i32
      %parallel_loop3A_1231 = arith.extui %parallel_loop3A_1230 : i1 to i32
      %parallel_loop3A_1232 = arith.subi %parallel_loop3A_1228, %parallel_loop3A_1231 : i32
      %parallel_loop3A_1233 = arith.cmpi ne, %parallel_loop3A_1225, %parallel_loop3A_1232 : i32
      %parallel_loop3A_1234 = arith.remsi %parallel_loop3A_1216, %parallel_loop3A_1217 : i32
      %parallel_loop3A_1235 = arith.constant 0 : i32
      %parallel_loop3A_1236 = arith.cmpi ne, %parallel_loop3A_1234, %parallel_loop3A_1235 : i32
      %parallel_loop3A_1237 = arith.andi %parallel_loop3A_1233, %parallel_loop3A_1236 : i1
      %parallel_loop3A_1238 = arith.constant 1 : i32
      %parallel_loop3A_1239 = arith.subi %parallel_loop3A_1218, %parallel_loop3A_1238 : i32
      %parallel_loop3A_1240 = arith.select %parallel_loop3A_1237, %parallel_loop3A_1239, %parallel_loop3A_1218 : i32
      %parallel_loop3A_1241 = arith.constant 64 : i32
      %parallel_loop3A_1242 = arith.constant 0 : i32
      %parallel_loop3A_1243 = arith.cmpi eq, %parallel_loop3A_1241, %parallel_loop3A_1242 : i32
      %parallel_loop3A_1244 = arith.constant 1 : i32
      %parallel_loop3A_1245 = arith.select %parallel_loop3A_1243, %parallel_loop3A_1244, %parallel_loop3A_1241 : i32
      %parallel_loop3A_1246 = arith.remsi %parallel_loop3A_1216, %parallel_loop3A_1245 : i32
      %parallel_loop3A_1247 = arith.constant 0 : i32
      %parallel_loop3A_1248 = arith.cmpi ne, %parallel_loop3A_1246, %parallel_loop3A_1247 : i32
      %parallel_loop3A_1249 = arith.constant 0 : i32
      %parallel_loop3A_1250 = arith.cmpi slt, %parallel_loop3A_1246, %parallel_loop3A_1249 : i32
      %parallel_loop3A_1251 = arith.constant 0 : i32
      %parallel_loop3A_1252 = arith.cmpi slt, %parallel_loop3A_1245, %parallel_loop3A_1251 : i32
      %parallel_loop3A_1253 = arith.xori %parallel_loop3A_1250, %parallel_loop3A_1252 : i1
      %parallel_loop3A_1254 = arith.andi %parallel_loop3A_1253, %parallel_loop3A_1248 : i1
      %parallel_loop3A_1255 = arith.addi %parallel_loop3A_1246, %parallel_loop3A_1245 : i32
      %parallel_loop3A_1256 = arith.select %parallel_loop3A_1254, %parallel_loop3A_1255, %parallel_loop3A_1246 : i32
      %parallel_loop3A_1257 = arith.constant 16 : i32
      %parallel_loop3A_1258 = arith.muli %parallel_loop3A_1256, %parallel_loop3A_1257 : i32
      %parallel_loop3A_1259 = arith.constant 1 : i32
      %parallel_loop3A_1260 = arith.index_cast %parallel_loop3A_1259 : i32 to index
      %parallel_loop3A_1261 = arith.index_cast %parallel_loop3A_1240 : i32 to index
      %parallel_loop3A_1262 = arith.index_cast %parallel_loop3A_1258 : i32 to index
      %parallel_loop3A_1263 = tpu.vector_load %arg7[%parallel_loop3A_1260, %parallel_loop3A_1261, %parallel_loop3A_1262] {strides = array<i32>} : memref<2x16x1024xf32, #tpu.memory_space<vmem>>, vector<1x1x16xf32>,
      %parallel_loop3A_1264 = vector.shape_cast %parallel_loop3A_1263 : vector<1x1x16xf32> to vector<16xf32>
      %parallel_loop3A_1265 = arith.constant 0 : i32
      %parallel_loop3A_1266 = arith.index_cast %parallel_loop3A_1265 : i32 to index
      %parallel_loop3A_1267 = arith.index_cast %parallel_loop3A_1240 : i32 to index
      %parallel_loop3A_1268 = arith.index_cast %parallel_loop3A_1258 : i32 to index
      %parallel_loop3A_1269 = tpu.vector_load %arg8[%parallel_loop3A_1266, %parallel_loop3A_1267, %parallel_loop3A_1268] {strides = array<i32>} : memref<4x16x1024xf32, #tpu.memory_space<vmem>>, vector<1x1x16xf32>,
      %parallel_loop3A_1270 = vector.shape_cast %parallel_loop3A_1269 : vector<1x1x16xf32> to vector<16xf32>
      %parallel_loop3A_1271 = vector.shape_cast %parallel_loop3A_1264 : vector<16xf32> to vector<1x1x16xf32>
      tpu.vector_store %arg8[%parallel_loop3A_1266, %parallel_loop3A_1267, %parallel_loop3A_1268], %parallel_loop3A_1271 {add = true, strides = array<i32>} : memref<4x16x1024xf32, #tpu.memory_space<vmem>>, vector<1x1x16xf32>,
    } {sc.loop_unroll_factor = 8 : i64, sc.parallel_access}
    %add3A_989 = arith.constant 48 : i32
    %add3A_990 = arith.addi %mul3A_2, %add3A_989 : i32
    %dma_start3A_991 = arith.constant 0 : i32
    %dma_start3A_992 = arith.constant 0 : i32
    %dma_start3A_993 = arith.constant 0 : i32
    %dma_start3A_994 = arith.constant 0 : i32
    %dma_start3A_995 = tpu.memref_slice %arg8[%dma_start3A_991, %dma_start3A_993, %dma_start3A_994] : memref<4x16x1024xf32, #tpu.memory_space<vmem>> -> memref<1x16x1024xf32, #tpu.memory_space<vmem>>
    %dma_start3A_996 = tpu.memref_squeeze %dma_start3A_995 : memref<1x16x1024xf32, #tpu.memory_space<vmem>> -> memref<16x1024xf32, #tpu.memory_space<vmem>>
    %dma_start3A_997 = arith.constant 0 : i32
    %dma_start3A_998 = tpu.memref_slice %arg5[%dma_start3A_992, %add3A_990, %dma_start3A_997] : memref<4x2048x1024xf32, #tpu.memory_space<hbm>> -> memref<1x16x1024xf32, #tpu.memory_space<hbm>>
    %dma_start3A_999 = tpu.memref_squeeze %dma_start3A_998 : memref<1x16x1024xf32, #tpu.memory_space<hbm>> -> memref<16x1024xf32, #tpu.memory_space<hbm>>
    %dma_start3A_1000 = arith.constant 0 : i32
    %dma_start3A_1001 = tpu.memref_slice %arg5[%dma_start3A_992, %add3A_990, %dma_start3A_1000] : memref<4x2048x1024xf32, #tpu.memory_space<hbm>> -> memref<1x16x1024xf32, #tpu.memory_space<hbm>>
    %dma_start3A_1002 = tpu.memref_squeeze %dma_start3A_1001 : memref<1x16x1024xf32, #tpu.memory_space<hbm>> -> memref<16x1024xf32, #tpu.memory_space<hbm>>
    %dma_start3A_1003 = arith.constant 0 : i32
    %dma_start3A_1004 = arith.constant 0 : i32
    %dma_start3A_1005 = tpu.memref_slice %arg8[%dma_start3A_991, %dma_start3A_1003, %dma_start3A_1004] : memref<4x16x1024xf32, #tpu.memory_space<vmem>> -> memref<1x16x1024xf32, #tpu.memory_space<vmem>>
    %dma_start3A_1006 = tpu.memref_squeeze %dma_start3A_1005 : memref<1x16x1024xf32, #tpu.memory_space<vmem>> -> memref<16x1024xf32, #tpu.memory_space<vmem>>
    tpu.enqueue_dma source(%dma_start3A_1006 : memref<16x1024xf32, #tpu.memory_space<vmem>>) target(%dma_start3A_1002 : memref<16x1024xf32, #tpu.memory_space<hbm>>) target_semaphore(%arg13 : memref<!tpu.dma_semaphore, #tpu.memory_space<semaphore_mem>>)
    %dma_wait3A_1007 = arith.constant 3 : i32
    %dma_wait3A_1008 = arith.constant 3 : i32
    %dma_wait3A_1009 = arith.constant 0 : i32
    %dma_wait3A_1010 = arith.constant 0 : i32
    %dma_wait3A_1011 = tpu.memref_slice %arg8[%dma_wait3A_1007, %dma_wait3A_1009, %dma_wait3A_1010] : memref<4x16x1024xf32, #tpu.memory_space<vmem>> -> memref<1x16x1024xf32, #tpu.memory_space<vmem>>
    %dma_wait3A_1012 = tpu.memref_squeeze %dma_wait3A_1011 : memref<1x16x1024xf32, #tpu.memory_space<vmem>> -> memref<16x1024xf32, #tpu.memory_space<vmem>>
    %dma_wait3A_1013 = arith.constant 0 : i32
    %dma_wait3A_1014 = tpu.memref_slice %arg5[%dma_wait3A_1008, %add3A_909, %dma_wait3A_1013] : memref<4x2048x1024xf32, #tpu.memory_space<hbm>> -> memref<1x16x1024xf32, #tpu.memory_space<hbm>>
    %dma_wait3A_1015 = tpu.memref_squeeze %dma_wait3A_1014 : memref<1x16x1024xf32, #tpu.memory_space<hbm>> -> memref<16x1024xf32, #tpu.memory_space<hbm>>
    %dma_wait3A_1016 = arith.constant 0 : i32
    %dma_wait3A_1017 = tpu.memref_slice %arg5[%dma_wait3A_1008, %add3A_909, %dma_wait3A_1016] : memref<4x2048x1024xf32, #tpu.memory_space<hbm>> -> memref<1x16x1024xf32, #tpu.memory_space<hbm>>
    %dma_wait3A_1018 = tpu.memref_squeeze %dma_wait3A_1017 : memref<1x16x1024xf32, #tpu.memory_space<hbm>> -> memref<16x1024xf32, #tpu.memory_space<hbm>>
    %dma_wait3A_1019 = arith.constant 0 : i32
    %dma_wait3A_1020 = arith.constant 0 : i32
    %dma_wait3A_1021 = tpu.memref_slice %arg8[%dma_wait3A_1007, %dma_wait3A_1019, %dma_wait3A_1020] : memref<4x16x1024xf32, #tpu.memory_space<vmem>> -> memref<1x16x1024xf32, #tpu.memory_space<vmem>>
    %dma_wait3A_1022 = tpu.memref_squeeze %dma_wait3A_1021 : memref<1x16x1024xf32, #tpu.memory_space<vmem>> -> memref<16x1024xf32, #tpu.memory_space<vmem>>
    tpu.wait_dma2 semaphore(%arg16 : memref<!tpu.dma_semaphore, #tpu.memory_space<semaphore_mem>>) src(%dma_wait3A_1022 : memref<16x1024xf32, #tpu.memory_space<vmem>>) dst(%dma_wait3A_1018 : memref<16x1024xf32, #tpu.memory_space<hbm>>)
    %add3A_1023 = arith.constant 48 : i32
    %add3A_1024 = arith.addi %mul3A_2, %add3A_1023 : i32
    %dma_start3A_1025 = arith.constant 3 : i32
    %dma_start3A_1026 = arith.constant 3 : i32
    %dma_start3A_1027 = arith.constant 0 : i32
    %dma_start3A_1028 = arith.constant 0 : i32
    %dma_start3A_1029 = tpu.memref_slice %arg8[%dma_start3A_1026, %dma_start3A_1027, %dma_start3A_1028] : memref<4x16x1024xf32, #tpu.memory_space<vmem>> -> memref<1x16x1024xf32, #tpu.memory_space<vmem>>
    %dma_start3A_1030 = tpu.memref_squeeze %dma_start3A_1029 : memref<1x16x1024xf32, #tpu.memory_space<vmem>> -> memref<16x1024xf32, #tpu.memory_space<vmem>>
    %dma_start3A_1031 = arith.constant 0 : i32
    %dma_start3A_1032 = tpu.memref_slice %arg2[%dma_start3A_1025, %add3A_1024, %dma_start3A_1031] : memref<4x2048x1024xf32, #tpu.memory_space<hbm>> -> memref<1x16x1024xf32, #tpu.memory_space<hbm>>
    %dma_start3A_1033 = tpu.memref_squeeze %dma_start3A_1032 : memref<1x16x1024xf32, #tpu.memory_space<hbm>> -> memref<16x1024xf32, #tpu.memory_space<hbm>>
    %dma_start3A_1034 = arith.constant 0 : i32
    %dma_start3A_1035 = arith.constant 0 : i32
    %dma_start3A_1036 = tpu.memref_slice %arg8[%dma_start3A_1026, %dma_start3A_1034, %dma_start3A_1035] : memref<4x16x1024xf32, #tpu.memory_space<vmem>> -> memref<1x16x1024xf32, #tpu.memory_space<vmem>>
    %dma_start3A_1037 = tpu.memref_squeeze %dma_start3A_1036 : memref<1x16x1024xf32, #tpu.memory_space<vmem>> -> memref<16x1024xf32, #tpu.memory_space<vmem>>
    %dma_start3A_1038 = arith.constant 0 : i32
    %dma_start3A_1039 = tpu.memref_slice %arg2[%dma_start3A_1025, %add3A_1024, %dma_start3A_1038] : memref<4x2048x1024xf32, #tpu.memory_space<hbm>> -> memref<1x16x1024xf32, #tpu.memory_space<hbm>>
    %dma_start3A_1040 = tpu.memref_squeeze %dma_start3A_1039 : memref<1x16x1024xf32, #tpu.memory_space<hbm>> -> memref<16x1024xf32, #tpu.memory_space<hbm>>
    tpu.enqueue_dma source(%dma_start3A_1040 : memref<16x1024xf32, #tpu.memory_space<hbm>>) target(%dma_start3A_1037 : memref<16x1024xf32, #tpu.memory_space<vmem>>) target_semaphore(%arg12 : memref<!tpu.dma_semaphore, #tpu.memory_space<semaphore_mem>>)
    %dma_wait3A_1041 = arith.constant 1 : i32
    %dma_wait3A_1042 = arith.constant 1 : i32
    %dma_wait3A_1043 = arith.constant 0 : i32
    %dma_wait3A_1044 = arith.constant 0 : i32
    %dma_wait3A_1045 = tpu.memref_slice %arg8[%dma_wait3A_1042, %dma_wait3A_1043, %dma_wait3A_1044] : memref<4x16x1024xf32, #tpu.memory_space<vmem>> -> memref<1x16x1024xf32, #tpu.memory_space<vmem>>
    %dma_wait3A_1046 = tpu.memref_squeeze %dma_wait3A_1045 : memref<1x16x1024xf32, #tpu.memory_space<vmem>> -> memref<16x1024xf32, #tpu.memory_space<vmem>>
    %dma_wait3A_1047 = arith.constant 0 : i32
    %dma_wait3A_1048 = tpu.memref_slice %arg2[%dma_wait3A_1041, %add3A_872, %dma_wait3A_1047] : memref<4x2048x1024xf32, #tpu.memory_space<hbm>> -> memref<1x16x1024xf32, #tpu.memory_space<hbm>>
    %dma_wait3A_1049 = tpu.memref_squeeze %dma_wait3A_1048 : memref<1x16x1024xf32, #tpu.memory_space<hbm>> -> memref<16x1024xf32, #tpu.memory_space<hbm>>
    %dma_wait3A_1050 = arith.constant 0 : i32
    %dma_wait3A_1051 = arith.constant 0 : i32
    %dma_wait3A_1052 = tpu.memref_slice %arg8[%dma_wait3A_1042, %dma_wait3A_1050, %dma_wait3A_1051] : memref<4x16x1024xf32, #tpu.memory_space<vmem>> -> memref<1x16x1024xf32, #tpu.memory_space<vmem>>
    %dma_wait3A_1053 = tpu.memref_squeeze %dma_wait3A_1052 : memref<1x16x1024xf32, #tpu.memory_space<vmem>> -> memref<16x1024xf32, #tpu.memory_space<vmem>>
    %dma_wait3A_1054 = arith.constant 0 : i32
    %dma_wait3A_1055 = tpu.memref_slice %arg2[%dma_wait3A_1041, %add3A_872, %dma_wait3A_1054] : memref<4x2048x1024xf32, #tpu.memory_space<hbm>> -> memref<1x16x1024xf32, #tpu.memory_space<hbm>>
    %dma_wait3A_1056 = tpu.memref_squeeze %dma_wait3A_1055 : memref<1x16x1024xf32, #tpu.memory_space<hbm>> -> memref<16x1024xf32, #tpu.memory_space<hbm>>
    tpu.wait_dma2 semaphore(%arg10 : memref<!tpu.dma_semaphore, #tpu.memory_space<semaphore_mem>>) src(%dma_wait3A_1056 : memref<16x1024xf32, #tpu.memory_space<hbm>>) dst(%dma_wait3A_1053 : memref<16x1024xf32, #tpu.memory_space<vmem>>)
    %parallel_loop3A_1057 = arith.constant 0 : i32
    %parallel_loop3A_1058 = arith.constant 1024 : i32
    %parallel_loop3A_1059 = arith.constant 1 : i32
    scf.for %parallel_loop3A_1216 = %parallel_loop3A_1057 to %parallel_loop3A_1058 step %parallel_loop3A_1059  : i32 {
      %parallel_loop3A_1217 = arith.constant 64 : i32
      %parallel_loop3A_1218 = arith.divsi %parallel_loop3A_1216, %parallel_loop3A_1217 : i32
      %parallel_loop3A_1219 = arith.constant 0 : i32
      %parallel_loop3A_1220 = arith.cmpi sgt, %parallel_loop3A_1216, %parallel_loop3A_1219 : i32
      %parallel_loop3A_1221 = arith.extui %parallel_loop3A_1220 : i1 to i32
      %parallel_loop3A_1222 = arith.constant 0 : i32
      %parallel_loop3A_1223 = arith.cmpi slt, %parallel_loop3A_1216, %parallel_loop3A_1222 : i32
      %parallel_loop3A_1224 = arith.extui %parallel_loop3A_1223 : i1 to i32
      %parallel_loop3A_1225 = arith.subi %parallel_loop3A_1221, %parallel_loop3A_1224 : i32
      %parallel_loop3A_1226 = arith.constant 0 : i32
      %parallel_loop3A_1227 = arith.cmpi sgt, %parallel_loop3A_1217, %parallel_loop3A_1226 : i32
      %parallel_loop3A_1228 = arith.extui %parallel_loop3A_1227 : i1 to i32
      %parallel_loop3A_1229 = arith.constant 0 : i32
      %parallel_loop3A_1230 = arith.cmpi slt, %parallel_loop3A_1217, %parallel_loop3A_1229 : i32
      %parallel_loop3A_1231 = arith.extui %parallel_loop3A_1230 : i1 to i32
      %parallel_loop3A_1232 = arith.subi %parallel_loop3A_1228, %parallel_loop3A_1231 : i32
      %parallel_loop3A_1233 = arith.cmpi ne, %parallel_loop3A_1225, %parallel_loop3A_1232 : i32
      %parallel_loop3A_1234 = arith.remsi %parallel_loop3A_1216, %parallel_loop3A_1217 : i32
      %parallel_loop3A_1235 = arith.constant 0 : i32
      %parallel_loop3A_1236 = arith.cmpi ne, %parallel_loop3A_1234, %parallel_loop3A_1235 : i32
      %parallel_loop3A_1237 = arith.andi %parallel_loop3A_1233, %parallel_loop3A_1236 : i1
      %parallel_loop3A_1238 = arith.constant 1 : i32
      %parallel_loop3A_1239 = arith.subi %parallel_loop3A_1218, %parallel_loop3A_1238 : i32
      %parallel_loop3A_1240 = arith.select %parallel_loop3A_1237, %parallel_loop3A_1239, %parallel_loop3A_1218 : i32
      %parallel_loop3A_1241 = arith.constant 64 : i32
      %parallel_loop3A_1242 = arith.constant 0 : i32
      %parallel_loop3A_1243 = arith.cmpi eq, %parallel_loop3A_1241, %parallel_loop3A_1242 : i32
      %parallel_loop3A_1244 = arith.constant 1 : i32
      %parallel_loop3A_1245 = arith.select %parallel_loop3A_1243, %parallel_loop3A_1244, %parallel_loop3A_1241 : i32
      %parallel_loop3A_1246 = arith.remsi %parallel_loop3A_1216, %parallel_loop3A_1245 : i32
      %parallel_loop3A_1247 = arith.constant 0 : i32
      %parallel_loop3A_1248 = arith.cmpi ne, %parallel_loop3A_1246, %parallel_loop3A_1247 : i32
      %parallel_loop3A_1249 = arith.constant 0 : i32
      %parallel_loop3A_1250 = arith.cmpi slt, %parallel_loop3A_1246, %parallel_loop3A_1249 : i32
      %parallel_loop3A_1251 = arith.constant 0 : i32
      %parallel_loop3A_1252 = arith.cmpi slt, %parallel_loop3A_1245, %parallel_loop3A_1251 : i32
      %parallel_loop3A_1253 = arith.xori %parallel_loop3A_1250, %parallel_loop3A_1252 : i1
      %parallel_loop3A_1254 = arith.andi %parallel_loop3A_1253, %parallel_loop3A_1248 : i1
      %parallel_loop3A_1255 = arith.addi %parallel_loop3A_1246, %parallel_loop3A_1245 : i32
      %parallel_loop3A_1256 = arith.select %parallel_loop3A_1254, %parallel_loop3A_1255, %parallel_loop3A_1246 : i32
      %parallel_loop3A_1257 = arith.constant 16 : i32
      %parallel_loop3A_1258 = arith.muli %parallel_loop3A_1256, %parallel_loop3A_1257 : i32
      %parallel_loop3A_1259 = arith.constant 1 : i32
      %parallel_loop3A_1260 = arith.index_cast %parallel_loop3A_1259 : i32 to index
      %parallel_loop3A_1261 = arith.index_cast %parallel_loop3A_1240 : i32 to index
      %parallel_loop3A_1262 = arith.index_cast %parallel_loop3A_1258 : i32 to index
      %parallel_loop3A_1263 = tpu.vector_load %arg7[%parallel_loop3A_1260, %parallel_loop3A_1261, %parallel_loop3A_1262] {strides = array<i32>} : memref<2x16x1024xf32, #tpu.memory_space<vmem>>, vector<1x1x16xf32>,
      %parallel_loop3A_1264 = vector.shape_cast %parallel_loop3A_1263 : vector<1x1x16xf32> to vector<16xf32>
      %parallel_loop3A_1265 = arith.constant 1 : i32
      %parallel_loop3A_1266 = arith.index_cast %parallel_loop3A_1265 : i32 to index
      %parallel_loop3A_1267 = arith.index_cast %parallel_loop3A_1240 : i32 to index
      %parallel_loop3A_1268 = arith.index_cast %parallel_loop3A_1258 : i32 to index
      %parallel_loop3A_1269 = tpu.vector_load %arg8[%parallel_loop3A_1266, %parallel_loop3A_1267, %parallel_loop3A_1268] {strides = array<i32>} : memref<4x16x1024xf32, #tpu.memory_space<vmem>>, vector<1x1x16xf32>,
      %parallel_loop3A_1270 = vector.shape_cast %parallel_loop3A_1269 : vector<1x1x16xf32> to vector<16xf32>
      %parallel_loop3A_1271 = vector.shape_cast %parallel_loop3A_1264 : vector<16xf32> to vector<1x1x16xf32>
      tpu.vector_store %arg8[%parallel_loop3A_1266, %parallel_loop3A_1267, %parallel_loop3A_1268], %parallel_loop3A_1271 {add = true, strides = array<i32>} : memref<4x16x1024xf32, #tpu.memory_space<vmem>>, vector<1x1x16xf32>,
    } {sc.loop_unroll_factor = 8 : i64, sc.parallel_access}
    %add3A_1060 = arith.constant 48 : i32
    %add3A_1061 = arith.addi %mul3A_2, %add3A_1060 : i32
    %dma_start3A_1062 = arith.constant 1 : i32
    %dma_start3A_1063 = arith.constant 1 : i32
    %dma_start3A_1064 = arith.constant 0 : i32
    %dma_start3A_1065 = arith.constant 0 : i32
    %dma_start3A_1066 = tpu.memref_slice %arg8[%dma_start3A_1062, %dma_start3A_1064, %dma_start3A_1065] : memref<4x16x1024xf32, #tpu.memory_space<vmem>> -> memref<1x16x1024xf32, #tpu.memory_space<vmem>>
    %dma_start3A_1067 = tpu.memref_squeeze %dma_start3A_1066 : memref<1x16x1024xf32, #tpu.memory_space<vmem>> -> memref<16x1024xf32, #tpu.memory_space<vmem>>
    %dma_start3A_1068 = arith.constant 0 : i32
    %dma_start3A_1069 = tpu.memref_slice %arg5[%dma_start3A_1063, %add3A_1061, %dma_start3A_1068] : memref<4x2048x1024xf32, #tpu.memory_space<hbm>> -> memref<1x16x1024xf32, #tpu.memory_space<hbm>>
    %dma_start3A_1070 = tpu.memref_squeeze %dma_start3A_1069 : memref<1x16x1024xf32, #tpu.memory_space<hbm>> -> memref<16x1024xf32, #tpu.memory_space<hbm>>
    %dma_start3A_1071 = arith.constant 0 : i32
    %dma_start3A_1072 = tpu.memref_slice %arg5[%dma_start3A_1063, %add3A_1061, %dma_start3A_1071] : memref<4x2048x1024xf32, #tpu.memory_space<hbm>> -> memref<1x16x1024xf32, #tpu.memory_space<hbm>>
    %dma_start3A_1073 = tpu.memref_squeeze %dma_start3A_1072 : memref<1x16x1024xf32, #tpu.memory_space<hbm>> -> memref<16x1024xf32, #tpu.memory_space<hbm>>
    %dma_start3A_1074 = arith.constant 0 : i32
    %dma_start3A_1075 = arith.constant 0 : i32
    %dma_start3A_1076 = tpu.memref_slice %arg8[%dma_start3A_1062, %dma_start3A_1074, %dma_start3A_1075] : memref<4x16x1024xf32, #tpu.memory_space<vmem>> -> memref<1x16x1024xf32, #tpu.memory_space<vmem>>
    %dma_start3A_1077 = tpu.memref_squeeze %dma_start3A_1076 : memref<1x16x1024xf32, #tpu.memory_space<vmem>> -> memref<16x1024xf32, #tpu.memory_space<vmem>>
    tpu.enqueue_dma source(%dma_start3A_1077 : memref<16x1024xf32, #tpu.memory_space<vmem>>) target(%dma_start3A_1073 : memref<16x1024xf32, #tpu.memory_space<hbm>>) target_semaphore(%arg14 : memref<!tpu.dma_semaphore, #tpu.memory_space<semaphore_mem>>)
    %dma_wait3A_1078 = arith.constant 0 : i32
    %dma_wait3A_1079 = arith.constant 0 : i32
    %dma_wait3A_1080 = arith.constant 0 : i32
    %dma_wait3A_1081 = arith.constant 0 : i32
    %dma_wait3A_1082 = tpu.memref_slice %arg8[%dma_wait3A_1078, %dma_wait3A_1080, %dma_wait3A_1081] : memref<4x16x1024xf32, #tpu.memory_space<vmem>> -> memref<1x16x1024xf32, #tpu.memory_space<vmem>>
    %dma_wait3A_1083 = tpu.memref_squeeze %dma_wait3A_1082 : memref<1x16x1024xf32, #tpu.memory_space<vmem>> -> memref<16x1024xf32, #tpu.memory_space<vmem>>
    %dma_wait3A_1084 = arith.constant 0 : i32
    %dma_wait3A_1085 = tpu.memref_slice %arg5[%dma_wait3A_1079, %add3A_990, %dma_wait3A_1084] : memref<4x2048x1024xf32, #tpu.memory_space<hbm>> -> memref<1x16x1024xf32, #tpu.memory_space<hbm>>
    %dma_wait3A_1086 = tpu.memref_squeeze %dma_wait3A_1085 : memref<1x16x1024xf32, #tpu.memory_space<hbm>> -> memref<16x1024xf32, #tpu.memory_space<hbm>>
    %dma_wait3A_1087 = arith.constant 0 : i32
    %dma_wait3A_1088 = tpu.memref_slice %arg5[%dma_wait3A_1079, %add3A_990, %dma_wait3A_1087] : memref<4x2048x1024xf32, #tpu.memory_space<hbm>> -> memref<1x16x1024xf32, #tpu.memory_space<hbm>>
    %dma_wait3A_1089 = tpu.memref_squeeze %dma_wait3A_1088 : memref<1x16x1024xf32, #tpu.memory_space<hbm>> -> memref<16x1024xf32, #tpu.memory_space<hbm>>
    %dma_wait3A_1090 = arith.constant 0 : i32
    %dma_wait3A_1091 = arith.constant 0 : i32
    %dma_wait3A_1092 = tpu.memref_slice %arg8[%dma_wait3A_1078, %dma_wait3A_1090, %dma_wait3A_1091] : memref<4x16x1024xf32, #tpu.memory_space<vmem>> -> memref<1x16x1024xf32, #tpu.memory_space<vmem>>
    %dma_wait3A_1093 = tpu.memref_squeeze %dma_wait3A_1092 : memref<1x16x1024xf32, #tpu.memory_space<vmem>> -> memref<16x1024xf32, #tpu.memory_space<vmem>>
    tpu.wait_dma2 semaphore(%arg13 : memref<!tpu.dma_semaphore, #tpu.memory_space<semaphore_mem>>) src(%dma_wait3A_1093 : memref<16x1024xf32, #tpu.memory_space<vmem>>) dst(%dma_wait3A_1089 : memref<16x1024xf32, #tpu.memory_space<hbm>>)
    %dma_wait3A_1094 = arith.constant 2 : i32
    %dma_wait3A_1095 = arith.constant 2 : i32
    %dma_wait3A_1096 = arith.constant 0 : i32
    %dma_wait3A_1097 = arith.constant 0 : i32
    %dma_wait3A_1098 = tpu.memref_slice %arg8[%dma_wait3A_1095, %dma_wait3A_1096, %dma_wait3A_1097] : memref<4x16x1024xf32, #tpu.memory_space<vmem>> -> memref<1x16x1024xf32, #tpu.memory_space<vmem>>
    %dma_wait3A_1099 = tpu.memref_squeeze %dma_wait3A_1098 : memref<1x16x1024xf32, #tpu.memory_space<vmem>> -> memref<16x1024xf32, #tpu.memory_space<vmem>>
    %dma_wait3A_1100 = arith.constant 0 : i32
    %dma_wait3A_1101 = tpu.memref_slice %arg2[%dma_wait3A_1094, %add3A_943, %dma_wait3A_1100] : memref<4x2048x1024xf32, #tpu.memory_space<hbm>> -> memref<1x16x1024xf32, #tpu.memory_space<hbm>>
    %dma_wait3A_1102 = tpu.memref_squeeze %dma_wait3A_1101 : memref<1x16x1024xf32, #tpu.memory_space<hbm>> -> memref<16x1024xf32, #tpu.memory_space<hbm>>
    %dma_wait3A_1103 = arith.constant 0 : i32
    %dma_wait3A_1104 = arith.constant 0 : i32
    %dma_wait3A_1105 = tpu.memref_slice %arg8[%dma_wait3A_1095, %dma_wait3A_1103, %dma_wait3A_1104] : memref<4x16x1024xf32, #tpu.memory_space<vmem>> -> memref<1x16x1024xf32, #tpu.memory_space<vmem>>
    %dma_wait3A_1106 = tpu.memref_squeeze %dma_wait3A_1105 : memref<1x16x1024xf32, #tpu.memory_space<vmem>> -> memref<16x1024xf32, #tpu.memory_space<vmem>>
    %dma_wait3A_1107 = arith.constant 0 : i32
    %dma_wait3A_1108 = tpu.memref_slice %arg2[%dma_wait3A_1094, %add3A_943, %dma_wait3A_1107] : memref<4x2048x1024xf32, #tpu.memory_space<hbm>> -> memref<1x16x1024xf32, #tpu.memory_space<hbm>>
    %dma_wait3A_1109 = tpu.memref_squeeze %dma_wait3A_1108 : memref<1x16x1024xf32, #tpu.memory_space<hbm>> -> memref<16x1024xf32, #tpu.memory_space<hbm>>
    tpu.wait_dma2 semaphore(%arg11 : memref<!tpu.dma_semaphore, #tpu.memory_space<semaphore_mem>>) src(%dma_wait3A_1109 : memref<16x1024xf32, #tpu.memory_space<hbm>>) dst(%dma_wait3A_1106 : memref<16x1024xf32, #tpu.memory_space<vmem>>)
    %parallel_loop3A_1110 = arith.constant 0 : i32
    %parallel_loop3A_1111 = arith.constant 1024 : i32
    %parallel_loop3A_1112 = arith.constant 1 : i32
    scf.for %parallel_loop3A_1216 = %parallel_loop3A_1110 to %parallel_loop3A_1111 step %parallel_loop3A_1112  : i32 {
      %parallel_loop3A_1217 = arith.constant 64 : i32
      %parallel_loop3A_1218 = arith.divsi %parallel_loop3A_1216, %parallel_loop3A_1217 : i32
      %parallel_loop3A_1219 = arith.constant 0 : i32
      %parallel_loop3A_1220 = arith.cmpi sgt, %parallel_loop3A_1216, %parallel_loop3A_1219 : i32
      %parallel_loop3A_1221 = arith.extui %parallel_loop3A_1220 : i1 to i32
      %parallel_loop3A_1222 = arith.constant 0 : i32
      %parallel_loop3A_1223 = arith.cmpi slt, %parallel_loop3A_1216, %parallel_loop3A_1222 : i32
      %parallel_loop3A_1224 = arith.extui %parallel_loop3A_1223 : i1 to i32
      %parallel_loop3A_1225 = arith.subi %parallel_loop3A_1221, %parallel_loop3A_1224 : i32
      %parallel_loop3A_1226 = arith.constant 0 : i32
      %parallel_loop3A_1227 = arith.cmpi sgt, %parallel_loop3A_1217, %parallel_loop3A_1226 : i32
      %parallel_loop3A_1228 = arith.extui %parallel_loop3A_1227 : i1 to i32
      %parallel_loop3A_1229 = arith.constant 0 : i32
      %parallel_loop3A_1230 = arith.cmpi slt, %parallel_loop3A_1217, %parallel_loop3A_1229 : i32
      %parallel_loop3A_1231 = arith.extui %parallel_loop3A_1230 : i1 to i32
      %parallel_loop3A_1232 = arith.subi %parallel_loop3A_1228, %parallel_loop3A_1231 : i32
      %parallel_loop3A_1233 = arith.cmpi ne, %parallel_loop3A_1225, %parallel_loop3A_1232 : i32
      %parallel_loop3A_1234 = arith.remsi %parallel_loop3A_1216, %parallel_loop3A_1217 : i32
      %parallel_loop3A_1235 = arith.constant 0 : i32
      %parallel_loop3A_1236 = arith.cmpi ne, %parallel_loop3A_1234, %parallel_loop3A_1235 : i32
      %parallel_loop3A_1237 = arith.andi %parallel_loop3A_1233, %parallel_loop3A_1236 : i1
      %parallel_loop3A_1238 = arith.constant 1 : i32
      %parallel_loop3A_1239 = arith.subi %parallel_loop3A_1218, %parallel_loop3A_1238 : i32
      %parallel_loop3A_1240 = arith.select %parallel_loop3A_1237, %parallel_loop3A_1239, %parallel_loop3A_1218 : i32
      %parallel_loop3A_1241 = arith.constant 64 : i32
      %parallel_loop3A_1242 = arith.constant 0 : i32
      %parallel_loop3A_1243 = arith.cmpi eq, %parallel_loop3A_1241, %parallel_loop3A_1242 : i32
      %parallel_loop3A_1244 = arith.constant 1 : i32
      %parallel_loop3A_1245 = arith.select %parallel_loop3A_1243, %parallel_loop3A_1244, %parallel_loop3A_1241 : i32
      %parallel_loop3A_1246 = arith.remsi %parallel_loop3A_1216, %parallel_loop3A_1245 : i32
      %parallel_loop3A_1247 = arith.constant 0 : i32
      %parallel_loop3A_1248 = arith.cmpi ne, %parallel_loop3A_1246, %parallel_loop3A_1247 : i32
      %parallel_loop3A_1249 = arith.constant 0 : i32
      %parallel_loop3A_1250 = arith.cmpi slt, %parallel_loop3A_1246, %parallel_loop3A_1249 : i32
      %parallel_loop3A_1251 = arith.constant 0 : i32
      %parallel_loop3A_1252 = arith.cmpi slt, %parallel_loop3A_1245, %parallel_loop3A_1251 : i32
      %parallel_loop3A_1253 = arith.xori %parallel_loop3A_1250, %parallel_loop3A_1252 : i1
      %parallel_loop3A_1254 = arith.andi %parallel_loop3A_1253, %parallel_loop3A_1248 : i1
      %parallel_loop3A_1255 = arith.addi %parallel_loop3A_1246, %parallel_loop3A_1245 : i32
      %parallel_loop3A_1256 = arith.select %parallel_loop3A_1254, %parallel_loop3A_1255, %parallel_loop3A_1246 : i32
      %parallel_loop3A_1257 = arith.constant 16 : i32
      %parallel_loop3A_1258 = arith.muli %parallel_loop3A_1256, %parallel_loop3A_1257 : i32
      %parallel_loop3A_1259 = arith.constant 1 : i32
      %parallel_loop3A_1260 = arith.index_cast %parallel_loop3A_1259 : i32 to index
      %parallel_loop3A_1261 = arith.index_cast %parallel_loop3A_1240 : i32 to index
      %parallel_loop3A_1262 = arith.index_cast %parallel_loop3A_1258 : i32 to index
      %parallel_loop3A_1263 = tpu.vector_load %arg7[%parallel_loop3A_1260, %parallel_loop3A_1261, %parallel_loop3A_1262] {strides = array<i32>} : memref<2x16x1024xf32, #tpu.memory_space<vmem>>, vector<1x1x16xf32>,
      %parallel_loop3A_1264 = vector.shape_cast %parallel_loop3A_1263 : vector<1x1x16xf32> to vector<16xf32>
      %parallel_loop3A_1265 = arith.constant 2 : i32
      %parallel_loop3A_1266 = arith.index_cast %parallel_loop3A_1265 : i32 to index
      %parallel_loop3A_1267 = arith.index_cast %parallel_loop3A_1240 : i32 to index
      %parallel_loop3A_1268 = arith.index_cast %parallel_loop3A_1258 : i32 to index
      %parallel_loop3A_1269 = tpu.vector_load %arg8[%parallel_loop3A_1266, %parallel_loop3A_1267, %parallel_loop3A_1268] {strides = array<i32>} : memref<4x16x1024xf32, #tpu.memory_space<vmem>>, vector<1x1x16xf32>,
      %parallel_loop3A_1270 = vector.shape_cast %parallel_loop3A_1269 : vector<1x1x16xf32> to vector<16xf32>
      %parallel_loop3A_1271 = vector.shape_cast %parallel_loop3A_1264 : vector<16xf32> to vector<1x1x16xf32>
      tpu.vector_store %arg8[%parallel_loop3A_1266, %parallel_loop3A_1267, %parallel_loop3A_1268], %parallel_loop3A_1271 {add = true, strides = array<i32>} : memref<4x16x1024xf32, #tpu.memory_space<vmem>>, vector<1x1x16xf32>,
    } {sc.loop_unroll_factor = 8 : i64, sc.parallel_access}
    %add3A_1113 = arith.constant 48 : i32
    %add3A_1114 = arith.addi %mul3A_2, %add3A_1113 : i32
    %dma_start3A_1115 = arith.constant 2 : i32
    %dma_start3A_1116 = arith.constant 2 : i32
    %dma_start3A_1117 = arith.constant 0 : i32
    %dma_start3A_1118 = arith.constant 0 : i32
    %dma_start3A_1119 = tpu.memref_slice %arg8[%dma_start3A_1115, %dma_start3A_1117, %dma_start3A_1118] : memref<4x16x1024xf32, #tpu.memory_space<vmem>> -> memref<1x16x1024xf32, #tpu.memory_space<vmem>>
    %dma_start3A_1120 = tpu.memref_squeeze %dma_start3A_1119 : memref<1x16x1024xf32, #tpu.memory_space<vmem>> -> memref<16x1024xf32, #tpu.memory_space<vmem>>
    %dma_start3A_1121 = arith.constant 0 : i32
    %dma_start3A_1122 = tpu.memref_slice %arg5[%dma_start3A_1116, %add3A_1114, %dma_start3A_1121] : memref<4x2048x1024xf32, #tpu.memory_space<hbm>> -> memref<1x16x1024xf32, #tpu.memory_space<hbm>>
    %dma_start3A_1123 = tpu.memref_squeeze %dma_start3A_1122 : memref<1x16x1024xf32, #tpu.memory_space<hbm>> -> memref<16x1024xf32, #tpu.memory_space<hbm>>
    %dma_start3A_1124 = arith.constant 0 : i32
    %dma_start3A_1125 = tpu.memref_slice %arg5[%dma_start3A_1116, %add3A_1114, %dma_start3A_1124] : memref<4x2048x1024xf32, #tpu.memory_space<hbm>> -> memref<1x16x1024xf32, #tpu.memory_space<hbm>>
    %dma_start3A_1126 = tpu.memref_squeeze %dma_start3A_1125 : memref<1x16x1024xf32, #tpu.memory_space<hbm>> -> memref<16x1024xf32, #tpu.memory_space<hbm>>
    %dma_start3A_1127 = arith.constant 0 : i32
    %dma_start3A_1128 = arith.constant 0 : i32
    %dma_start3A_1129 = tpu.memref_slice %arg8[%dma_start3A_1115, %dma_start3A_1127, %dma_start3A_1128] : memref<4x16x1024xf32, #tpu.memory_space<vmem>> -> memref<1x16x1024xf32, #tpu.memory_space<vmem>>
    %dma_start3A_1130 = tpu.memref_squeeze %dma_start3A_1129 : memref<1x16x1024xf32, #tpu.memory_space<vmem>> -> memref<16x1024xf32, #tpu.memory_space<vmem>>
    tpu.enqueue_dma source(%dma_start3A_1130 : memref<16x1024xf32, #tpu.memory_space<vmem>>) target(%dma_start3A_1126 : memref<16x1024xf32, #tpu.memory_space<hbm>>) target_semaphore(%arg15 : memref<!tpu.dma_semaphore, #tpu.memory_space<semaphore_mem>>)
    %dma_wait3A_1131 = arith.constant 1 : i32
    %dma_wait3A_1132 = arith.constant 1 : i32
    %dma_wait3A_1133 = arith.constant 0 : i32
    %dma_wait3A_1134 = arith.constant 0 : i32
    %dma_wait3A_1135 = tpu.memref_slice %arg8[%dma_wait3A_1131, %dma_wait3A_1133, %dma_wait3A_1134] : memref<4x16x1024xf32, #tpu.memory_space<vmem>> -> memref<1x16x1024xf32, #tpu.memory_space<vmem>>
    %dma_wait3A_1136 = tpu.memref_squeeze %dma_wait3A_1135 : memref<1x16x1024xf32, #tpu.memory_space<vmem>> -> memref<16x1024xf32, #tpu.memory_space<vmem>>
    %dma_wait3A_1137 = arith.constant 0 : i32
    %dma_wait3A_1138 = tpu.memref_slice %arg5[%dma_wait3A_1132, %add3A_1061, %dma_wait3A_1137] : memref<4x2048x1024xf32, #tpu.memory_space<hbm>> -> memref<1x16x1024xf32, #tpu.memory_space<hbm>>
    %dma_wait3A_1139 = tpu.memref_squeeze %dma_wait3A_1138 : memref<1x16x1024xf32, #tpu.memory_space<hbm>> -> memref<16x1024xf32, #tpu.memory_space<hbm>>
    %dma_wait3A_1140 = arith.constant 0 : i32
    %dma_wait3A_1141 = tpu.memref_slice %arg5[%dma_wait3A_1132, %add3A_1061, %dma_wait3A_1140] : memref<4x2048x1024xf32, #tpu.memory_space<hbm>> -> memref<1x16x1024xf32, #tpu.memory_space<hbm>>
    %dma_wait3A_1142 = tpu.memref_squeeze %dma_wait3A_1141 : memref<1x16x1024xf32, #tpu.memory_space<hbm>> -> memref<16x1024xf32, #tpu.memory_space<hbm>>
    %dma_wait3A_1143 = arith.constant 0 : i32
    %dma_wait3A_1144 = arith.constant 0 : i32
    %dma_wait3A_1145 = tpu.memref_slice %arg8[%dma_wait3A_1131, %dma_wait3A_1143, %dma_wait3A_1144] : memref<4x16x1024xf32, #tpu.memory_space<vmem>> -> memref<1x16x1024xf32, #tpu.memory_space<vmem>>
    %dma_wait3A_1146 = tpu.memref_squeeze %dma_wait3A_1145 : memref<1x16x1024xf32, #tpu.memory_space<vmem>> -> memref<16x1024xf32, #tpu.memory_space<vmem>>
    tpu.wait_dma2 semaphore(%arg14 : memref<!tpu.dma_semaphore, #tpu.memory_space<semaphore_mem>>) src(%dma_wait3A_1146 : memref<16x1024xf32, #tpu.memory_space<vmem>>) dst(%dma_wait3A_1142 : memref<16x1024xf32, #tpu.memory_space<hbm>>)
    %dma_wait3A_1147 = arith.constant 3 : i32
    %dma_wait3A_1148 = arith.constant 3 : i32
    %dma_wait3A_1149 = arith.constant 0 : i32
    %dma_wait3A_1150 = arith.constant 0 : i32
    %dma_wait3A_1151 = tpu.memref_slice %arg8[%dma_wait3A_1148, %dma_wait3A_1149, %dma_wait3A_1150] : memref<4x16x1024xf32, #tpu.memory_space<vmem>> -> memref<1x16x1024xf32, #tpu.memory_space<vmem>>
    %dma_wait3A_1152 = tpu.memref_squeeze %dma_wait3A_1151 : memref<1x16x1024xf32, #tpu.memory_space<vmem>> -> memref<16x1024xf32, #tpu.memory_space<vmem>>
    %dma_wait3A_1153 = arith.constant 0 : i32
    %dma_wait3A_1154 = tpu.memref_slice %arg2[%dma_wait3A_1147, %add3A_1024, %dma_wait3A_1153] : memref<4x2048x1024xf32, #tpu.memory_space<hbm>> -> memref<1x16x1024xf32, #tpu.memory_space<hbm>>
    %dma_wait3A_1155 = tpu.memref_squeeze %dma_wait3A_1154 : memref<1x16x1024xf32, #tpu.memory_space<hbm>> -> memref<16x1024xf32, #tpu.memory_space<hbm>>
    %dma_wait3A_1156 = arith.constant 0 : i32
    %dma_wait3A_1157 = arith.constant 0 : i32
    %dma_wait3A_1158 = tpu.memref_slice %arg8[%dma_wait3A_1148, %dma_wait3A_1156, %dma_wait3A_1157] : memref<4x16x1024xf32, #tpu.memory_space<vmem>> -> memref<1x16x1024xf32, #tpu.memory_space<vmem>>
    %dma_wait3A_1159 = tpu.memref_squeeze %dma_wait3A_1158 : memref<1x16x1024xf32, #tpu.memory_space<vmem>> -> memref<16x1024xf32, #tpu.memory_space<vmem>>
    %dma_wait3A_1160 = arith.constant 0 : i32
    %dma_wait3A_1161 = tpu.memref_slice %arg2[%dma_wait3A_1147, %add3A_1024, %dma_wait3A_1160] : memref<4x2048x1024xf32, #tpu.memory_space<hbm>> -> memref<1x16x1024xf32, #tpu.memory_space<hbm>>
    %dma_wait3A_1162 = tpu.memref_squeeze %dma_wait3A_1161 : memref<1x16x1024xf32, #tpu.memory_space<hbm>> -> memref<16x1024xf32, #tpu.memory_space<hbm>>
    tpu.wait_dma2 semaphore(%arg12 : memref<!tpu.dma_semaphore, #tpu.memory_space<semaphore_mem>>) src(%dma_wait3A_1162 : memref<16x1024xf32, #tpu.memory_space<hbm>>) dst(%dma_wait3A_1159 : memref<16x1024xf32, #tpu.memory_space<vmem>>)
    %parallel_loop3A_1163 = arith.constant 0 : i32
    %parallel_loop3A_1164 = arith.constant 1024 : i32
    %parallel_loop3A_1165 = arith.constant 1 : i32
    scf.for %parallel_loop3A_1216 = %parallel_loop3A_1163 to %parallel_loop3A_1164 step %parallel_loop3A_1165  : i32 {
      %parallel_loop3A_1217 = arith.constant 64 : i32
      %parallel_loop3A_1218 = arith.divsi %parallel_loop3A_1216, %parallel_loop3A_1217 : i32
      %parallel_loop3A_1219 = arith.constant 0 : i32
      %parallel_loop3A_1220 = arith.cmpi sgt, %parallel_loop3A_1216, %parallel_loop3A_1219 : i32
      %parallel_loop3A_1221 = arith.extui %parallel_loop3A_1220 : i1 to i32
      %parallel_loop3A_1222 = arith.constant 0 : i32
      %parallel_loop3A_1223 = arith.cmpi slt, %parallel_loop3A_1216, %parallel_loop3A_1222 : i32
      %parallel_loop3A_1224 = arith.extui %parallel_loop3A_1223 : i1 to i32
      %parallel_loop3A_1225 = arith.subi %parallel_loop3A_1221, %parallel_loop3A_1224 : i32
      %parallel_loop3A_1226 = arith.constant 0 : i32
      %parallel_loop3A_1227 = arith.cmpi sgt, %parallel_loop3A_1217, %parallel_loop3A_1226 : i32
      %parallel_loop3A_1228 = arith.extui %parallel_loop3A_1227 : i1 to i32
      %parallel_loop3A_1229 = arith.constant 0 : i32
      %parallel_loop3A_1230 = arith.cmpi slt, %parallel_loop3A_1217, %parallel_loop3A_1229 : i32
      %parallel_loop3A_1231 = arith.extui %parallel_loop3A_1230 : i1 to i32
      %parallel_loop3A_1232 = arith.subi %parallel_loop3A_1228, %parallel_loop3A_1231 : i32
      %parallel_loop3A_1233 = arith.cmpi ne, %parallel_loop3A_1225, %parallel_loop3A_1232 : i32
      %parallel_loop3A_1234 = arith.remsi %parallel_loop3A_1216, %parallel_loop3A_1217 : i32
      %parallel_loop3A_1235 = arith.constant 0 : i32
      %parallel_loop3A_1236 = arith.cmpi ne, %parallel_loop3A_1234, %parallel_loop3A_1235 : i32
      %parallel_loop3A_1237 = arith.andi %parallel_loop3A_1233, %parallel_loop3A_1236 : i1
      %parallel_loop3A_1238 = arith.constant 1 : i32
      %parallel_loop3A_1239 = arith.subi %parallel_loop3A_1218, %parallel_loop3A_1238 : i32
      %parallel_loop3A_1240 = arith.select %parallel_loop3A_1237, %parallel_loop3A_1239, %parallel_loop3A_1218 : i32
      %parallel_loop3A_1241 = arith.constant 64 : i32
      %parallel_loop3A_1242 = arith.constant 0 : i32
      %parallel_loop3A_1243 = arith.cmpi eq, %parallel_loop3A_1241, %parallel_loop3A_1242 : i32
      %parallel_loop3A_1244 = arith.constant 1 : i32
      %parallel_loop3A_1245 = arith.select %parallel_loop3A_1243, %parallel_loop3A_1244, %parallel_loop3A_1241 : i32
      %parallel_loop3A_1246 = arith.remsi %parallel_loop3A_1216, %parallel_loop3A_1245 : i32
      %parallel_loop3A_1247 = arith.constant 0 : i32
      %parallel_loop3A_1248 = arith.cmpi ne, %parallel_loop3A_1246, %parallel_loop3A_1247 : i32
      %parallel_loop3A_1249 = arith.constant 0 : i32
      %parallel_loop3A_1250 = arith.cmpi slt, %parallel_loop3A_1246, %parallel_loop3A_1249 : i32
      %parallel_loop3A_1251 = arith.constant 0 : i32
      %parallel_loop3A_1252 = arith.cmpi slt, %parallel_loop3A_1245, %parallel_loop3A_1251 : i32
      %parallel_loop3A_1253 = arith.xori %parallel_loop3A_1250, %parallel_loop3A_1252 : i1
      %parallel_loop3A_1254 = arith.andi %parallel_loop3A_1253, %parallel_loop3A_1248 : i1
      %parallel_loop3A_1255 = arith.addi %parallel_loop3A_1246, %parallel_loop3A_1245 : i32
      %parallel_loop3A_1256 = arith.select %parallel_loop3A_1254, %parallel_loop3A_1255, %parallel_loop3A_1246 : i32
      %parallel_loop3A_1257 = arith.constant 16 : i32
      %parallel_loop3A_1258 = arith.muli %parallel_loop3A_1256, %parallel_loop3A_1257 : i32
      %parallel_loop3A_1259 = arith.constant 1 : i32
      %parallel_loop3A_1260 = arith.index_cast %parallel_loop3A_1259 : i32 to index
      %parallel_loop3A_1261 = arith.index_cast %parallel_loop3A_1240 : i32 to index
      %parallel_loop3A_1262 = arith.index_cast %parallel_loop3A_1258 : i32 to index
      %parallel_loop3A_1263 = tpu.vector_load %arg7[%parallel_loop3A_1260, %parallel_loop3A_1261, %parallel_loop3A_1262] {strides = array<i32>} : memref<2x16x1024xf32, #tpu.memory_space<vmem>>, vector<1x1x16xf32>,
      %parallel_loop3A_1264 = vector.shape_cast %parallel_loop3A_1263 : vector<1x1x16xf32> to vector<16xf32>
      %parallel_loop3A_1265 = arith.constant 3 : i32
      %parallel_loop3A_1266 = arith.index_cast %parallel_loop3A_1265 : i32 to index
      %parallel_loop3A_1267 = arith.index_cast %parallel_loop3A_1240 : i32 to index
      %parallel_loop3A_1268 = arith.index_cast %parallel_loop3A_1258 : i32 to index
      %parallel_loop3A_1269 = tpu.vector_load %arg8[%parallel_loop3A_1266, %parallel_loop3A_1267, %parallel_loop3A_1268] {strides = array<i32>} : memref<4x16x1024xf32, #tpu.memory_space<vmem>>, vector<1x1x16xf32>,
      %parallel_loop3A_1270 = vector.shape_cast %parallel_loop3A_1269 : vector<1x1x16xf32> to vector<16xf32>
      %parallel_loop3A_1271 = vector.shape_cast %parallel_loop3A_1264 : vector<16xf32> to vector<1x1x16xf32>
      tpu.vector_store %arg8[%parallel_loop3A_1266, %parallel_loop3A_1267, %parallel_loop3A_1268], %parallel_loop3A_1271 {add = true, strides = array<i32>} : memref<4x16x1024xf32, #tpu.memory_space<vmem>>, vector<1x1x16xf32>,
    } {sc.loop_unroll_factor = 8 : i64, sc.parallel_access}
    %add3A_1166 = arith.constant 48 : i32
    %add3A_1167 = arith.addi %mul3A_2, %add3A_1166 : i32
    %dma_start3A_1168 = arith.constant 3 : i32
    %dma_start3A_1169 = arith.constant 3 : i32
    %dma_start3A_1170 = arith.constant 0 : i32
    %dma_start3A_1171 = arith.constant 0 : i32
    %dma_start3A_1172 = tpu.memref_slice %arg8[%dma_start3A_1168, %dma_start3A_1170, %dma_start3A_1171] : memref<4x16x1024xf32, #tpu.memory_space<vmem>> -> memref<1x16x1024xf32, #tpu.memory_space<vmem>>
    %dma_start3A_1173 = tpu.memref_squeeze %dma_start3A_1172 : memref<1x16x1024xf32, #tpu.memory_space<vmem>> -> memref<16x1024xf32, #tpu.memory_space<vmem>>
    %dma_start3A_1174 = arith.constant 0 : i32
    %dma_start3A_1175 = tpu.memref_slice %arg5[%dma_start3A_1169, %add3A_1167, %dma_start3A_1174] : memref<4x2048x1024xf32, #tpu.memory_space<hbm>> -> memref<1x16x1024xf32, #tpu.memory_space<hbm>>
    %dma_start3A_1176 = tpu.memref_squeeze %dma_start3A_1175 : memref<1x16x1024xf32, #tpu.memory_space<hbm>> -> memref<16x1024xf32, #tpu.memory_space<hbm>>
    %dma_start3A_1177 = arith.constant 0 : i32
    %dma_start3A_1178 = tpu.memref_slice %arg5[%dma_start3A_1169, %add3A_1167, %dma_start3A_1177] : memref<4x2048x1024xf32, #tpu.memory_space<hbm>> -> memref<1x16x1024xf32, #tpu.memory_space<hbm>>
    %dma_start3A_1179 = tpu.memref_squeeze %dma_start3A_1178 : memref<1x16x1024xf32, #tpu.memory_space<hbm>> -> memref<16x1024xf32, #tpu.memory_space<hbm>>
    %dma_start3A_1180 = arith.constant 0 : i32
    %dma_start3A_1181 = arith.constant 0 : i32
    %dma_start3A_1182 = tpu.memref_slice %arg8[%dma_start3A_1168, %dma_start3A_1180, %dma_start3A_1181] : memref<4x16x1024xf32, #tpu.memory_space<vmem>> -> memref<1x16x1024xf32, #tpu.memory_space<vmem>>
    %dma_start3A_1183 = tpu.memref_squeeze %dma_start3A_1182 : memref<1x16x1024xf32, #tpu.memory_space<vmem>> -> memref<16x1024xf32, #tpu.memory_space<vmem>>
    tpu.enqueue_dma source(%dma_start3A_1183 : memref<16x1024xf32, #tpu.memory_space<vmem>>) target(%dma_start3A_1179 : memref<16x1024xf32, #tpu.memory_space<hbm>>) target_semaphore(%arg16 : memref<!tpu.dma_semaphore, #tpu.memory_space<semaphore_mem>>)
    %dma_wait3A_1184 = arith.constant 2 : i32
    %dma_wait3A_1185 = arith.constant 2 : i32
    %dma_wait3A_1186 = arith.constant 0 : i32
    %dma_wait3A_1187 = arith.constant 0 : i32
    %dma_wait3A_1188 = tpu.memref_slice %arg8[%dma_wait3A_1184, %dma_wait3A_1186, %dma_wait3A_1187] : memref<4x16x1024xf32, #tpu.memory_space<vmem>> -> memref<1x16x1024xf32, #tpu.memory_space<vmem>>
    %dma_wait3A_1189 = tpu.memref_squeeze %dma_wait3A_1188 : memref<1x16x1024xf32, #tpu.memory_space<vmem>> -> memref<16x1024xf32, #tpu.memory_space<vmem>>
    %dma_wait3A_1190 = arith.constant 0 : i32
    %dma_wait3A_1191 = tpu.memref_slice %arg5[%dma_wait3A_1185, %add3A_1114, %dma_wait3A_1190] : memref<4x2048x1024xf32, #tpu.memory_space<hbm>> -> memref<1x16x1024xf32, #tpu.memory_space<hbm>>
    %dma_wait3A_1192 = tpu.memref_squeeze %dma_wait3A_1191 : memref<1x16x1024xf32, #tpu.memory_space<hbm>> -> memref<16x1024xf32, #tpu.memory_space<hbm>>
    %dma_wait3A_1193 = arith.constant 0 : i32
    %dma_wait3A_1194 = tpu.memref_slice %arg5[%dma_wait3A_1185, %add3A_1114, %dma_wait3A_1193] : memref<4x2048x1024xf32, #tpu.memory_space<hbm>> -> memref<1x16x1024xf32, #tpu.memory_space<hbm>>
    %dma_wait3A_1195 = tpu.memref_squeeze %dma_wait3A_1194 : memref<1x16x1024xf32, #tpu.memory_space<hbm>> -> memref<16x1024xf32, #tpu.memory_space<hbm>>
    %dma_wait3A_1196 = arith.constant 0 : i32
    %dma_wait3A_1197 = arith.constant 0 : i32
    %dma_wait3A_1198 = tpu.memref_slice %arg8[%dma_wait3A_1184, %dma_wait3A_1196, %dma_wait3A_1197] : memref<4x16x1024xf32, #tpu.memory_space<vmem>> -> memref<1x16x1024xf32, #tpu.memory_space<vmem>>
    %dma_wait3A_1199 = tpu.memref_squeeze %dma_wait3A_1198 : memref<1x16x1024xf32, #tpu.memory_space<vmem>> -> memref<16x1024xf32, #tpu.memory_space<vmem>>
    tpu.wait_dma2 semaphore(%arg15 : memref<!tpu.dma_semaphore, #tpu.memory_space<semaphore_mem>>) src(%dma_wait3A_1199 : memref<16x1024xf32, #tpu.memory_space<vmem>>) dst(%dma_wait3A_1195 : memref<16x1024xf32, #tpu.memory_space<hbm>>)
    %dma_wait3A_1200 = arith.constant 3 : i32
    %dma_wait3A_1201 = arith.constant 3 : i32
    %dma_wait3A_1202 = arith.constant 0 : i32
    %dma_wait3A_1203 = arith.constant 0 : i32
    %dma_wait3A_1204 = tpu.memref_slice %arg8[%dma_wait3A_1200, %dma_wait3A_1202, %dma_wait3A_1203] : memref<4x16x1024xf32, #tpu.memory_space<vmem>> -> memref<1x16x1024xf32, #tpu.memory_space<vmem>>
    %dma_wait3A_1205 = tpu.memref_squeeze %dma_wait3A_1204 : memref<1x16x1024xf32, #tpu.memory_space<vmem>> -> memref<16x1024xf32, #tpu.memory_space<vmem>>
    %dma_wait3A_1206 = arith.constant 0 : i32
    %dma_wait3A_1207 = tpu.memref_slice %arg5[%dma_wait3A_1201, %add3A_1167, %dma_wait3A_1206] : memref<4x2048x1024xf32, #tpu.memory_space<hbm>> -> memref<1x16x1024xf32, #tpu.memory_space<hbm>>
    %dma_wait3A_1208 = tpu.memref_squeeze %dma_wait3A_1207 : memref<1x16x1024xf32, #tpu.memory_space<hbm>> -> memref<16x1024xf32, #tpu.memory_space<hbm>>
    %dma_wait3A_1209 = arith.constant 0 : i32
    %dma_wait3A_1210 = tpu.memref_slice %arg5[%dma_wait3A_1201, %add3A_1167, %dma_wait3A_1209] : memref<4x2048x1024xf32, #tpu.memory_space<hbm>> -> memref<1x16x1024xf32, #tpu.memory_space<hbm>>
    %dma_wait3A_1211 = tpu.memref_squeeze %dma_wait3A_1210 : memref<1x16x1024xf32, #tpu.memory_space<hbm>> -> memref<16x1024xf32, #tpu.memory_space<hbm>>
    %dma_wait3A_1212 = arith.constant 0 : i32
    %dma_wait3A_1213 = arith.constant 0 : i32
    %dma_wait3A_1214 = tpu.memref_slice %arg8[%dma_wait3A_1200, %dma_wait3A_1212, %dma_wait3A_1213] : memref<4x16x1024xf32, #tpu.memory_space<vmem>> -> memref<1x16x1024xf32, #tpu.memory_space<vmem>>
    %dma_wait3A_1215 = tpu.memref_squeeze %dma_wait3A_1214 : memref<1x16x1024xf32, #tpu.memory_space<vmem>> -> memref<16x1024xf32, #tpu.memory_space<vmem>>
    tpu.wait_dma2 semaphore(%arg16 : memref<!tpu.dma_semaphore, #tpu.memory_space<semaphore_mem>>) src(%dma_wait3A_1215 : memref<16x1024xf32, #tpu.memory_space<vmem>>) dst(%dma_wait3A_1211 : memref<16x1024xf32, #tpu.memory_space<hbm>>)
    return
  }
}

</mosaic_0001>

<sc_bundles>
// kernel: kernel.3.cloned.1.call-start
scs
__scs_entry_jumppad:
0x0: {  	(pc) =	sbr.rel $0x88, $3  }
0x1: {  	(tag) =	ssettag $0x0;
	lr =	simm.s32 $0x1  }
0x2: {  	[smem:$0x3F9E] =	sst lr;
	_ =	strace $0xD0000000  }
0x3: {  	_ = 	snop  }
0x4: {  	_ = 	snop  }
0x5: {  	_ = 	snop  }
0x6: {  	_ = 	snop  }
0x7: {  	_ = 	snop  }
__scs_overlays_trampoline_lowered:
0x8: {  	[smem:$0x3FAD] =	sst s0  }
0x9: {  	[smem:$0x3FAE] =	sst s1  }
0xa: {  	[smem:$0x3FAF] =	sst s2  }
0xb: {  	[smem:$0x3FB0] =	sst s3  }
0xc: {  	[smem:$0x3FB1] =	sst s4  }
0xd: {  	[smem:$0x3FB2] =	sst s5  }
0xe: {  	[smem:$0x3FB3] =	sst s6  }
0xf: {  	[smem:$0x3FB4] =	sst s7  }
0x10: {  	[smem:$0x3FB5] =	sst s8  }
0x11: {  	[smem:$0x3FB6] =	sst s9;
	s0 =	simm.s32 @!p0 $0x0  }
0x12: {  	s1 =	sld [smem:$0x3F9C];
	s0 =	simm.s32 @p0 $0x1  }
0x13: {  	[smem:$0x3FB7] =	sst s0;
	s0 =	simm.s32 @!p1 $0x0  }
0x14: {  	s2 =	sld [smem:$0x3F9B];
	s0 =	simm.s32 @p1 $0x1  }
0x15: {  	[smem:$0x3FB8] =	sst s0;
	s0 =	simm.s32 @!p2 $0x0  }
0x16: {  	s3 =	sld [smem:$0x3FDB];
	s0 =	simm.s32 @p2 $0x1  }
0x17: {  	s4 =	simm.s32 $0x1BF5;
	[smem:$0x3FBA] =	sst s0  }
0x18: {  	s0 =	sld [smem:$0x3F9D];
	_ =	swait.ge [sflag:s4], $0x0  }
0x19: {  	s7 =	sld [smem:$0x3F9E]  }
0x1a: {  	s8 =	sadd.s32 $0xFFFFE003, lr  }
0x1b: {  	s9 =	sadd.s32 $0xFFFFFEF7, lr;
	s5 =	simm.s32 $0xFFFFFFFF;
	p2 =	slt.u32 s8, $0xFFFFF086  }
0x1c: {  	p1 =	slt.u32 s9, $0xF7A;
	s5 =	simm.s32 @!p2 $0x0  }
0x1d: {  	s5 =	simm.s32 @p1 $0x1;
	p0 =	seq.s32 s7, s2  }
0x1e: {  	s7 =	smul.u32 @!p0 $0xF7A, s2;
	p2 =	seq.s32 @!p0 s5, $0x0  }
0x1f: {  	s9 =	smul.u32 $0xF7A, s1;
	s8 =	simm.s32 @!p0 $0x1BF5;
	p2 =	por !p2, p0  }
0x20: {  	[sflag:s8] =	ssyncset.s32 @!p0 $0xFFFFF086;
	s6 =	sadd.s32 @!p0 s3, s7;
	s7 =	simm.s32 @!p0 $0x108  }
0x21: {  	s3 =	sadd.s32 s3, s9;
	s6 =	sadd.s32 @!p0 $0x88, s6;
	s7 =	simm.s32 @p2 $0x1082  }
0x22: {  	[simem:s7], [sflag:s8] =	dma.local @!p0 [hbm:s6], $0xF7A  }
0x23: {  	s9 =	sor.u32 $0xD0000000, s2;
	s6 =	simm.s32 $0x108;
	_ =	swait.ge @!p0 [sflag:s8], $0x0  }
0x24: {  	s3 =	sadd.s32 $0x88, s3;
	s6 =	simm.s32 @!p1 $0x1082;
	[sflag:s4] =	ssyncset.s32 $0xFFFFF086  }
0x25: {  	[simem:s6], [sflag:s4] =	dma.local [hbm:s3], $0xF7A  }
0x26: {  	[smem:$0x3F9E] =	sst s1;
	(tag) =	ssettag s2;
	_ =	strace s9  }
0x27: {  	s1 =	sld [smem:$0x3FAE]  }
0x28: {  	s2 =	sld [smem:$0x3FAF]  }
0x29: {  	s4 =	sld [smem:$0x3FB1]  }
0x2a: {  	p0 =	seq.s32 s5, $0x0;
	s5 =	sld [smem:$0x3FB2]  }
0x2b: {  	s6 =	sld [smem:$0x3FB3]  }
0x2c: {  	s7 =	sld [smem:$0x3FB4]  }
0x2d: {  	s3 =	simm.s32 $0x108;
	s8 =	sld [smem:$0x3FB5]  }
0x2e: {  	s3 =	simm.s32 @!p0 $0x1082;
	s9 =	sld [smem:$0x3FB6]  }
0x2f: {  	lr =	sadd.s32 s0, s3;
	s0 =	sld [smem:$0x3FAD]  }
0x30: {  	s3 =	sld [smem:$0x3FB0]  }
0x31: {  	[smem:$0x3FB9] =	sst s10  }
0x32: {  	s10 =	sld [smem:$0x3FB7];
	_ =	sdelay $0x3  }
0x33: {  	p0 =	seq.s32 s10, $0x1;
	s10 =	sld [smem:$0x3FB9];
	_ =	sdelay $0x3  }
0x34: {  	[smem:$0x3FB9] =	sst s10  }
0x35: {  	s10 =	sld [smem:$0x3FB8];
	_ =	sdelay $0x3  }
0x36: {  	p1 =	seq.s32 s10, $0x1;
	s10 =	sld [smem:$0x3FB9];
	_ =	sdelay $0x3  }
0x37: {  	[smem:$0x3FB9] =	sst s10  }
0x38: {  	s10 =	sld [smem:$0x3FBA]  }
0x39: {  	_ = 	snop;
	(pc) =	sbr.ind lr, $3  }
0x3a: {  	_ = 	snop  }
0x3b: {  	_ = 	snop  }
0x3c: {  	p2 =	seq.s32 s10, $0x1;
	s10 =	sld [smem:$0x3FB9]  }
0x3d: {  	_ =	shalt  }
0x3e: {  	_ =	shalt  }
0x3f: {  	_ =	shalt  }
0x40: {  	_ =	shalt  }
0x41: {  	_ =	shalt  }
0x42: {  	_ =	shalt  }
0x43: {  	_ =	shalt  }
0x44: {  	_ =	shalt  }
0x45: {  	_ =	shalt  }
0x46: {  	_ =	shalt  }
0x47: {  	_ =	shalt  }
0x48: {  	_ =	shalt  }
0x49: {  	_ =	shalt  }
0x4a: {  	_ =	shalt  }
0x4b: {  	_ =	shalt  }
0x4c: {  	_ =	shalt  }
0x4d: {  	_ =	shalt  }
0x4e: {  	_ =	shalt  }
0x4f: {  	_ =	shalt  }
0x50: {  	_ =	shalt  }
0x51: {  	_ =	shalt  }
0x52: {  	_ =	shalt  }
0x53: {  	_ =	shalt  }
0x54: {  	_ =	shalt  }
0x55: {  	_ =	shalt  }
0x56: {  	_ =	shalt  }
0x57: {  	_ =	shalt  }
0x58: {  	_ =	shalt  }
0x59: {  	_ =	shalt  }
0x5a: {  	_ =	shalt  }
0x5b: {  	_ =	shalt  }
0x5c: {  	_ =	shalt  }
0x5d: {  	_ =	shalt  }
0x5e: {  	_ =	shalt  }
0x5f: {  	_ =	shalt  }
0x60: {  	_ =	shalt  }
0x61: {  	_ =	shalt  }
0x62: {  	_ =	shalt  }
0x63: {  	_ =	shalt  }
0x64: {  	_ =	shalt  }
0x65: {  	_ =	shalt  }
0x66: {  	_ =	shalt  }
0x67: {  	_ =	shalt  }
0x68: {  	_ =	shalt  }
0x69: {  	_ =	shalt  }
0x6a: {  	_ =	shalt  }
0x6b: {  	_ =	shalt  }
0x6c: {  	_ =	shalt  }
0x6d: {  	_ =	shalt  }
0x6e: {  	_ =	shalt  }
0x6f: {  	_ =	shalt  }
0x70: {  	_ =	shalt  }
0x71: {  	_ =	shalt  }
0x72: {  	_ =	shalt  }
0x73: {  	_ =	shalt  }
0x74: {  	_ =	shalt  }
0x75: {  	_ =	shalt  }
0x76: {  	_ =	shalt  }
0x77: {  	_ =	shalt  }
0x78: {  	_ =	shalt  }
0x79: {  	_ =	shalt  }
0x7a: {  	_ =	shalt  }
0x7b: {  	_ =	shalt  }
0x7c: {  	_ =	shalt  }
0x7d: {  	_ =	shalt  }
0x7e: {  	_ =	shalt  }
0x7f: {  	_ =	shalt  }
0x80: {  	_ =	shalt  }
0x81: {  	_ =	shalt  }
0x82: {  	_ =	shalt  }
0x83: {  	_ =	shalt  }
0x84: {  	_ =	shalt  }
0x85: {  	_ =	shalt  }
0x86: {  	_ =	shalt  }
0x87: {  	_ =	shalt  }
.Lfunc_end0:
.L_simem_size_0:
called_computation_lowered:
.L_overlay_start_0:
0x88: {  	s2 =	sld [smem:$0x3FD9]  }
0x89: {  	s3 =	sld [smem:$0x3FFE];
	_ =	sdelay $0x1  }
0x8a: {  	s1 =	srdreg.scid  }
0x8b: {  	s0 =	sand.u32 $0x1, s1  }
0x8c: {  	s18 =	sshll.u32 s0, $0xA;
	s2 =	sadd.s32 s3, s2  }
0x8d: {  	s2 =	sadd.s32 s2, s18  }
0x8e: {  	[smem:$0x3FC5] =	sst s2  }
0x8f: {  	_ = 	snop  }
0x90: {  	s2 =	sld [smem:$0x3FC9]  }
0x91: {  	s19 =	sld [smem:$0x3FC8]  }
0x92: {  	s4 =	sld [smem:$0x3FC7]  }
0x93: {  	s5 =	sld [smem:$0x3FD0];
	(tm) =	ssettm $0x1  }
0x94: {  	s6 =	sld [smem:$0x3FFB];
	_ =	sdelay $0x3  }
0x95: {  	_ =	strace s6  }
0x96: {  	s6 =	sld [smem:$0x3FFC];
	_ =	sdelay $0x3  }
0x97: {  	_ =	strace s6  }
0x98: {  	s6 =	sld [smem:$0x3FFD];
	_ =	sdelay $0x3  }
0x99: {  	_ =	strace s6  }
0x9a: {  	_ =	strace $0x8FFFFFFF  }
0x9b: {  	s20 =	sld [smem:$0x3FDB];
	_ =	sdelay $0x1  }
0x9c: {  	s7 =	simm.s32 $_scs_section_size  }
0x9d: {  	s8 =	simm.s32 $_size__tile_overlayer_lowered;
	s9 =	simm.s32 $_tile_overlayer_lowered  }
0x9e: {  	s23 =	simm.s32 $0x1BFF;
	s22 =	sshll.u32 s9, $0x1;
	s6 =	sadd.s32 s7, s20  }
0x9f: {  	s10 =	simm.s32 $0x0;
	s21 =	sshll.u32 s8, $0x1;
	s8 =	sadd.s32 s22, s6  }
0xa0: {  	[timem:s10], [sflag:s23] =	dma.local [hbm:s8], s21  }
0xa1: {  	_ =	swait.ge [sflag:s23], s21  }
0xa2: {  	s7 =	ssub.s32 $0x0, s21;
	[sflag:s23] =	ssyncset.done $0x0  }
0xa3: {  	[sflag:s23] =	ssyncadd.s32 s7;
	_ =	sdelay $0x1  }
0xa4: {  	s24 =	simm.s32 $0x1B8B  }
0xa5: {  	_ =	swait.ge [sflag:s24], $0x1  }
0xa6: {  	[sflag:s24] =	ssyncset.done $0x0  }
0xa7: {  	s25 =	simm.s32 $0x1B8E;
	[sflag:s24] =	ssyncadd.s32 $0xFFFFFFFF  }
0xa8: {  	s26 =	simm.s32 $execute0_lowered;
	[smem:$0x3FD2] =	sst s25  }
0xa9: {  	s7 =	sshll.u32 s26, $0x1;
	_ =	strace $0x80000046;
	[dreg:$0x1] =	wrdreg $0xFFFFFFFF  }
0xaa: {  	s28 =	simm.s32 $_size_execute0_lowered;
	s6 =	sadd.s32 s6, s7;
	[dreg:$0x0] =	wrdreg $0x0  }
0xab: {  	s7 =	sshll.u32 s28, $0x1;
	[dreg:$0x2] =	wrdreg s6  }
0xac: {  	[dreg:$0x3] =	wrdreg s7  }
0xad: {  	[dreg:$0x4] =	wrdreg $0xC0  }
0xae: {  	_ =	task [dreg:s10], $0x5FFFF  }
0xaf: {  	[dreg:$0x1] =	wrdreg $0xFFFFFFFF  }
0xb0: {  	[dreg:$0x0] =	wrdreg $0x60  }
0xb1: {  	[dreg:$0x2] =	wrdreg s2  }
0xb2: {  	[dreg:$0x3] =	wrdreg s19  }
0xb3: {  	[dreg:$0x4] =	wrdreg s4  }
0xb4: {  	[dreg:$0x5] =	wrdreg s5  }
0xb5: {  	[dreg:$0x6] =	wrdreg $0x9  }
0xb6: {  	_ =	task.clear_ibuf [dreg:s10], $0x7FFFF;
	_ =	strace $0x90000046  }
0xb7: {  	s29 =	simm.s32 $0x9;
	_ =	strace $0x80000048  }
0xb8: {  	_ =	swait.ge [sflag:s29], $0x1  }
0xb9: {  	[sflag:s29] =	ssyncadd.s32 $0xFFFFFFFF  }
0xba: {  	_ =	strace $0x90000048  }
0xbb: {  	_ =	sfence  }
0xbc: {  	s30 =	sld [smem:$0x0];
	_ =	sdelay $0x2  }
0xbd: {  	s31 =	sshll.u32 s1, $0xD;
	s1 =	sshrl.u32 s1, $0x2  }
0xbe: {  	s3 =	sand.u32 $0x4000, s31;
	s1 =	sadd.s32 s1, s30  }
0xbf: {  	s0 =	sor.u32 s3, s0;
	s1 =	sshll.u32 s1, $0x11  }
0xc0: {  	s0 =	sor.u32 s1, s0  }
0xc1: {  	s0 =	sadd.s32 $0x8F2B, s0  }
0xc2: {  	[sflag:s0] =	ssyncadd.remote.s32 $0x1  }
0xc3: {  	_ =	sfence.sel $0xFFFF  }
0xc4: {  	[dreg:$0x0] =	wrdreg $0xFFFFFFFF;
	(pc) =	sbr.abs _section_cstart, $3  }
0xc5: {  	[dreg:$0x1] =	wrdreg $0xFFFFFFFF  }
0xc6: {  	_ =	task.clear_ibuf [dreg:s10], $0x2FFFF;
	_ =	strace $0x9FFFFFFF  }
0xc7: {  	(tm) =	ssettm $0x7FFFFFFF  }
tec
execute0_lowered:
.L_overlay_start_1:
0x0: {  	(tag) =	ssettag $0x1  }
0x1: {  	s2 =	rddreg [dreg:$0x0]  }
0x2: {  	s3 =	rddreg [dreg:$0x2]  }
0x3: {  	s0 =	rddreg [dreg:$0x3];
	s4 =	srdreg.scid;
	s1 =	simm.s32 $0x0  }
0x4: {  	s6 =	stileid.u32;
	s31 =	rddreg [dreg:$0x1];
	s4 =	sand.u32 $0x1, s4  }
0x5: {  	s6 =	sshll.u32 s6, $0x7;
	s5 =	ssub.s32 $0x2, s4;
	s4 =	sshll.u32 s4, $0x6  }
0x6: {  	s28 =	simm.s32 $0x9;
	s29 =	simm.s32 $0x14080;
	s4 =	sor.u32 s4, s6  }
0x7: {  	s30 =	simm.s32 $0x4;
	s11 =	sshrl.u32 s4, $0x3;
	s4 =	sshll.u32 s4, $0x7  }
0x8: {  	[smem:$0x7FF] =	sst s1;
	s3 =	sadd.s32 s3, s11;
	s12 =	sor.u32 $0x40000, s4  }
0x9: {  	s13 =	sor.u32 $0x80000, s4;
	[dreg:$0x5] =	wrdreg s3;
	s14 =	sadd.s32 s2, s12  }
0xa: {  	s16 =	sor.u32 $0xC0000, s4;
	s15 =	sadd.s32 s2, s13;
	[dreg:$0x6] =	wrdreg s14  }
0xb: {  	s7 =	sshrl.u32 s5, $0x1;
	s8 =	sadd.s32 s2, s16;
	[dreg:$0x7] =	wrdreg s15  }
0xc: {  	s17 =	sor.u32 $0x800, s4;
	s3 =	sadd.s32 s0, s12;
	[dreg:$0x8] =	wrdreg s8  }
0xd: {  	s6 =	ssub.s32 s5, s7;
	s18 =	sadd.s32 s2, s17;
	[dreg:$0x9] =	wrdreg s3  }
0xe: {  	s19 =	sor.u32 $0x40800, s4;
	s5 =	sadd.s32 s0, s13;
	[dreg:$0xa] =	wrdreg s18  }
0xf: {  	s21 =	sor.u32 $0x80800, s4;
	s20 =	sadd.s32 s2, s19;
	[dreg:$0xb] =	wrdreg s5  }
0x10: {  	s23 =	sor.u32 $0xC0800, s4;
	s7 =	sadd.s32 s0, s16;
	[dreg:$0xc] =	wrdreg s20  }
0x11: {  	s25 =	sor.u32 $0x1000, s4;
	s22 =	sadd.s32 s2, s21;
	[dreg:$0xd] =	wrdreg s7  }
0x12: {  	s9 =	sor.u32 $0x41000, s4;
	s24 =	sadd.s32 s2, s23;
	[dreg:$0xe] =	wrdreg s22  }
0x13: {  	s11 =	sor.u32 $0x81000, s4;
	s26 =	sadd.s32 s2, s25;
	[dreg:$0x10] =	wrdreg s24  }
0x14: {  	s6 =	smax.u32 s6, $0x1;
	s10 =	sadd.s32 s2, s9;
	[dreg:$0x12] =	wrdreg s26  }
0x15: {  	s12 =	sadd.s32 s0, s9;
	s13 =	sadd.s32 s2, s11;
	[dreg:$0x14] =	wrdreg s10  }
0x16: {  	s9 =	sadd.s32 $0x300, s31;
	s3 =	sadd.s32 s0, s17;
	[dreg:$0x17] =	wrdreg s12  }
0x17: {  	s5 =	sadd.s32 s0, s19;
	s7 =	sadd.s32 s0, s21;
	[dreg:$0x18] =	wrdreg s13  }
0x18: {  	s14 =	sor.u32 $0xC1000, s4;
	s15 =	sor.u32 $0x1800, s4;
	[dreg:$0xf] =	wrdreg s3  }
0x19: {  	s19 =	sadd.s32 s2, s4;
	s20 =	sadd.s32 s0, s4;
	[dreg:$0x11] =	wrdreg s5  }
0x1a: {  	s21 =	sor.u32 $0x41800, s4;
	s22 =	sor.u32 $0x81800, s4;
	[dreg:$0x13] =	wrdreg s7  }
0x1b: {  	s4 =	sor.u32 $0xC1800, s4;
	s8 =	sadd.s32 $0x200, s31;
	[dreg:$0x1e] =	wrdreg s19  }
0x1c: {  	s10 =	simm.s32 $0xB;
	s3 =	sadd.s32 s0, s23;
	[dreg:$0x1f] =	wrdreg s20  }
0x1d: {  	s12 =	simm.s32 $0x6880;
	s5 =	sadd.s32 s0, s25;
	[dreg:$0x15] =	wrdreg s3  }
0x1e: {  	s13 =	simm.s32 $0x7880;
	s16 =	sadd.s32 s2, s14;
	[dreg:$0x16] =	wrdreg s5  }
0x1f: {  	s17 =	sadd.s32 s2, s15;
	s18 =	sadd.s32 s0, s15;
	[dreg:$0x1a] =	wrdreg s16  }
0x20: {  	s23 =	sadd.s32 s2, s21;
	s24 =	sadd.s32 s2, s22;
	[dreg:$0x1c] =	wrdreg s17  }
0x21: {  	s2 =	sadd.s32 s2, s4;
	s25 =	sadd.s32 s0, s21;
	[dreg:$0x1d] =	wrdreg s18  }
0x22: {  	s26 =	sadd.s32 s0, s22;
	s7 =	sadd.s32 $0x100, s31;
	[smem:$0x7F8] =	sst s23  }
0x23: {  	s19 =	simm.s32 $0x8080;
	s20 =	simm.s32 $0xC080;
	[smem:$0x7F9] =	sst s24  }
0x24: {  	s21 =	simm.s32 $0x10080;
	s15 =	simm.s32 $0x2;
	[smem:$0x7FA] =	sst s2  }
0x25: {  	s22 =	simm.s32 $0x8;
	s3 =	sadd.s32 s0, s11;
	[smem:$0x7FB] =	sst s25  }
0x26: {  	[smem:$0x7FC] =	sst s26;
	s26 =	simm.s32 $0x7080;
	s16 =	simm.s32 $0x5  }
0x27: {  	s17 =	simm.s32 $0x3;
	[dreg:$0x19] =	wrdreg s3;
	s3 =	sadd.s32 s0, s14  }
0x28: {  	v2 =	vlaneseq.u32;
	s18 =	simm.s32 $0x6;
	s0 =	sadd.s32 s0, s4;
	[dreg:$0x1b] =	wrdreg s3  }
0x29: {  	vm0 =	vmmov $0xffff;
	v1 =	vshrl.u32 v2, $0x3;
	s2 =	simm.s32 $0xA;
	s14 =	simm.s32 $0x1;
	[smem:$0x7FD] =	sst s0  }
0x2a: {  	v0 =	vand.u32 $0x7, v2;
	v2 =	vor.u32 $0x8, v2;
	v1 =	vmul.u32 $0x8, v1;
	s0 =	simm.s32 $0x7;
	s3 =	simm.s32 $0x0;
	_ =	strace $0x80000047  }
.LBB2_1:
0x2b: {  	s4 =	rddreg [dreg:$0x5]  }
0x2c: {  	[tilespmem:s1], [sflag:$0xB] =	stream.linear.gather [hbm4b:s4+s1], $0x40, $0x38;
	[tilespmem:$0x18080] =	vst v63  }
0x2d: {  	_ =	swait.ge [sflag:s10], $0x40  }
0x2e: {  	[sflag:s10] =	ssyncset.done $0x0  }
0x2f: {  	[sflag:s10] =	ssyncadd.s32 $0xFFFFFFC0  }
0x30: {  	v3 =	vld [tilespmem:$0x0];
	_ =	sdelay $0x4  }
0x31: {  	v4 =	vshll.u32 v3, $0x3  }
0x32: {  	v3 =	vand.u32 $0x7, v3;
	v4 =	vand.u32 $0xFFFFFFC0, v4  }
0x33: {  	v3 =	vor.u32 v3, v4  }
0x34: {  	v4 =	vperm.xlane v3, v0;
	_ =	sdelay $0x1  }
0x35: {  	v4 =	vadd.s32 v1, v4;
	_ =	sdelay $0x3  }
0x36: {  	s23 =	simm.s32 $0x80  }
0x37: {  	[tilespmem:s23], [sflag:$0x9] =	stream.indirect_vreg.gather [hbm4b:s31+s1], $0x80, v4, vm0, $0xb8;
	[tilespmem:$0x18080] =	vst v63  }
0x38: {  	s24 =	simm.s32 $0x880;
	v3 =	vperm.xlane v3, v2  }
0x39: {  	[tilespmem:s24], [sflag:$0x9] =	stream.indirect_vreg.gather [hbm4b:s7+s1], $0x80, v4, vm0, $0xb8;
	[tilespmem:$0x18080] =	vst v63  }
0x3a: {  	s25 =	simm.s32 $0x1080;
	v3 =	vadd.s32 v1, v3  }
0x3b: {  	[tilespmem:s25], [sflag:$0x9] =	stream.indirect_vreg.gather [hbm4b:s8+s1], $0x80, v4, vm0, $0xb8;
	[tilespmem:$0x18080] =	vst v63  }
0x3c: {  	s5 =	simm.s32 $0x1880  }
0x3d: {  	[tilespmem:s5], [sflag:$0x9] =	stream.indirect_vreg.gather [hbm4b:s9+s1], $0x80, v4, vm0, $0xb8;
	[tilespmem:$0x18080] =	vst v63  }
0x3e: {  	s11 =	simm.s32 $0x2080  }
0x3f: {  	[tilespmem:s11], [sflag:$0x9] =	stream.indirect_vreg.gather [hbm4b:s31+s1], $0x80, v3, vm0, $0xb8;
	[tilespmem:$0x18080] =	vst v63  }
0x40: {  	s23 =	simm.s32 $0x2880  }
0x41: {  	[tilespmem:s23], [sflag:$0x9] =	stream.indirect_vreg.gather [hbm4b:s7+s1], $0x80, v3, vm0, $0xb8;
	[tilespmem:$0x18080] =	vst v63  }
0x42: {  	s24 =	simm.s32 $0x3080  }
0x43: {  	[tilespmem:s24], [sflag:$0x9] =	stream.indirect_vreg.gather [hbm4b:s8+s1], $0x80, v3, vm0, $0xb8;
	[tilespmem:$0x18080] =	vst v63  }
0x44: {  	s25 =	simm.s32 $0x3880  }
0x45: {  	[tilespmem:s25], [sflag:$0x9] =	stream.indirect_vreg.gather [hbm4b:s9+s1], $0x80, v3, vm0, $0xb8;
	[tilespmem:$0x18080] =	vst v63  }
0x46: {  	s5 =	rddreg [dreg:$0x1e]  }
0x47: {  	[tilespmem:s19], [sflag:$0x1] =	stream.linear.gather [hbm4b:s5+s1], $0x4000, $0x38;
	[tilespmem:$0x18080] =	vst v63  }
0x48: {  	s11 =	rddreg [dreg:$0x6]  }
0x49: {  	[tilespmem:s20], [sflag:$0x2] =	stream.linear.gather [hbm4b:s11+s1], $0x4000, $0x38;
	[tilespmem:$0x18080] =	vst v63  }
0x4a: {  	s23 =	rddreg [dreg:$0x7]  }
0x4b: {  	[tilespmem:s21], [sflag:$0x3] =	stream.linear.gather [hbm4b:s23+s1], $0x4000, $0x38;
	[tilespmem:$0x18080] =	vst v63  }
0x4c: {  	v3 =	vld [tilespmem:$0x10];
	_ =	sdelay $0x4  }
0x4d: {  	v4 =	vshll.u32 v3, $0x3  }
0x4e: {  	v3 =	vand.u32 $0x7, v3;
	v4 =	vand.u32 $0xFFFFFFC0, v4  }
0x4f: {  	v3 =	vor.u32 v3, v4  }
0x50: {  	v4 =	vperm.xlane v3, v0;
	_ =	sdelay $0x1  }
0x51: {  	v4 =	vadd.s32 v1, v4;
	_ =	sdelay $0x3  }
0x52: {  	s24 =	simm.s32 $0x4080  }
0x53: {  	[tilespmem:s24], [sflag:$0xA] =	stream.indirect_vreg.gather [hbm4b:s31+s1], $0x80, v4, vm0, $0xb8;
	[tilespmem:$0x18080] =	vst v63  }
0x54: {  	s25 =	simm.s32 $0x4880;
	v3 =	vperm.xlane v3, v2  }
0x55: {  	[tilespmem:s25], [sflag:$0xA] =	stream.indirect_vreg.gather [hbm4b:s7+s1], $0x80, v4, vm0, $0xb8;
	[tilespmem:$0x18080] =	vst v63  }
0x56: {  	s5 =	simm.s32 $0x5080;
	v3 =	vadd.s32 v1, v3  }
0x57: {  	[tilespmem:s5], [sflag:$0xA] =	stream.indirect_vreg.gather [hbm4b:s8+s1], $0x80, v4, vm0, $0xb8;
	[tilespmem:$0x18080] =	vst v63  }
0x58: {  	s11 =	simm.s32 $0x5880  }
0x59: {  	[tilespmem:s11], [sflag:$0xA] =	stream.indirect_vreg.gather [hbm4b:s9+s1], $0x80, v4, vm0, $0xb8;
	[tilespmem:$0x18080] =	vst v63  }
0x5a: {  	s23 =	simm.s32 $0x6080  }
0x5b: {  	[tilespmem:s23], [sflag:$0xA] =	stream.indirect_vreg.gather [hbm4b:s31+s1], $0x80, v3, vm0, $0xb8;
	[tilespmem:$0x18080] =	vst v63  }
0x5c: {  	_ = 	snop  }
0x5d: {  	[tilespmem:s12], [sflag:$0xA] =	stream.indirect_vreg.gather [hbm4b:s7+s1], $0x80, v3, vm0, $0xb8;
	[tilespmem:$0x18080] =	vst v63  }
0x5e: {  	_ = 	snop  }
0x5f: {  	[tilespmem:s26], [sflag:$0xA] =	stream.indirect_vreg.gather [hbm4b:s8+s1], $0x80, v3, vm0, $0xb8;
	[tilespmem:$0x18080] =	vst v63  }
0x60: {  	_ = 	snop  }
0x61: {  	[tilespmem:s13], [sflag:$0xA] =	stream.indirect_vreg.gather [hbm4b:s9+s1], $0x80, v3, vm0, $0xb8;
	[tilespmem:$0x18080] =	vst v63  }
0x62: {  	_ =	swait.ge [sflag:s28], $0x4000  }
0x63: {  	s24 =	simm.s32 $0x0;
	[sflag:s28] =	ssyncset.done $0x0  }
0x64: {  	s4 =	sand.u32 $0x2000, s24;
	[sflag:s28] =	ssyncadd.s32 $0xFFFFC000  }
0x65: {  	s11 =	sand.u32 $0x1C00, s1;
	s23 =	simm.s32 $0x0;
	_ =	swait.ge [sflag:s14], $0x4000  }
0x66: {  	s4 =	sor.u32 s11, s4;
	s25 =	sand.u32 $0x380, s23;
	[sflag:s14] =	ssyncset.done $0x0  }
0x67: {  	s23 =	sor.u32 s25, s4;
	[sflag:s14] =	ssyncadd.s32 $0xFFFFC000  }
0x68: {  	v3 =	vld [tilespmem:s23+$0xF0]  }
0x69: {  	v8 =	vld [tilespmem:s23+$0x80]  }
0x6a: {  	v9 =	vld [tilespmem:s23+$0x90]  }
0x6b: {  	v7 =	vld [tilespmem:s23+$0xA0]  }
0x6c: {  	v6 =	vld [tilespmem:s23+$0xB0]  }
0x6d: {  	v5 =	vld [tilespmem:s23+$0xC0]  }
0x6e: {  	v4 =	vld [tilespmem:s23+$0xE0]  }
0x6f: {  	[tilespmem:s23+$0x80F0] =	vst.add.f32.msk $0xffff, v3  }
0x70: {  	v3 =	vld [tilespmem:s23+$0xD0]  }
0x71: {  	[tilespmem:s23+$0x8080] =	vst.add.f32.msk $0xffff, v8  }
0x72: {  	s11 =	simm.s32 $0x0;
	s4 =	simm.s32 $0x0;
	[tilespmem:s23+$0x8090] =	vst.add.f32.msk $0xffff, v9  }
.LBB2_2:
0x73: {  	s11 =	sadd.s32 $0x8, s11;
	[tilespmem:s23+$0x80A0] =	vst.add.f32.msk $0xffff, v7  }
0x74: {  	s4 =	sadd.s32 $0x400, s4;
	s24 =	sshll.u32 s11, $0x4;
	p0 =	slt.u32 s11, $0x3F8;
	[tilespmem:s23+$0x80B0] =	vst.add.f32.msk $0xffff, v6  }
0x75: {  	s5 =	sand.u32 $0x1C00, s4;
	s25 =	sshll.u32 s11, $0x1;
	s24 =	sand.u32 $0x2000, s24;
	[tilespmem:s23+$0x80C0] =	vst.add.f32.msk $0xffff, v5  }
0x76: {  	s5 =	sor.u32 s5, s24;
	s24 =	sand.u32 $0x380, s25;
	[tilespmem:s23+$0x80D0] =	vst.add.f32.msk $0xffff, v3  }
0x77: {  	[tilespmem:s23+$0x80E0] =	vst.add.f32.msk $0xffff, v4;
	s23 =	sor.u32 s24, s5  }
0x78: {  	v3 =	vld [tilespmem:s23+$0xF0]  }
0x79: {  	v8 =	vld [tilespmem:s23+$0x80]  }
0x7a: {  	v9 =	vld [tilespmem:s23+$0x90]  }
0x7b: {  	v7 =	vld [tilespmem:s23+$0xA0]  }
0x7c: {  	v6 =	vld [tilespmem:s23+$0xB0]  }
0x7d: {  	[tilespmem:s23+$0x80F0] =	vst.add.f32.msk $0xffff, v3  }
.Ltmp0:
0x7e: {  	v5 =	vld [tilespmem:s23+$0xC0];
	(pc) =	sbr.rel @p0 .LBB2_2-.Ltmp0, $4  }
0x7f: {  	v3 =	vld [tilespmem:s23+$0xD0]  }
0x80: {  	v4 =	vld [tilespmem:s23+$0xE0]  }
0x81: {  	[tilespmem:s23+$0x8080] =	vst.add.f32.msk $0xffff, v8  }
0x82: {  	[tilespmem:s23+$0x8090] =	vst.add.f32.msk $0xffff, v9  }
0x83: {  	[tilespmem:s23+$0x80A0] =	vst.add.f32.msk $0xffff, v7  }
0x84: {  	[tilespmem:s23+$0x80B0] =	vst.add.f32.msk $0xffff, v6  }
0x85: {  	[tilespmem:s23+$0x80C0] =	vst.add.f32.msk $0xffff, v5  }
0x86: {  	[tilespmem:s23+$0x80D0] =	vst.add.f32.msk $0xffff, v3  }
0x87: {  	[tilespmem:s23+$0x80E0] =	vst.add.f32.msk $0xffff, v4  }
0x88: {  	s23 =	simm.s32 $0x0;
	s4 =	rddreg [dreg:$0x1f]  }
0x89: {  	[hbm4b:s4+s23] =	stream.linear.scatter [tilespmem:s19], [sflag:$0x5], $0x4000, $0x38;
	[tilespmem:$0x18080] =	vst v63  }
0x8a: {  	s25 =	simm.s32 $0x0;
	s11 =	simm.s32 $0x0;
	s24 =	rddreg [dreg:$0x8]  }
0x8b: {  	[tilespmem:s29], [sflag:$0x4] =	stream.linear.gather [hbm4b:s24+s23], $0x4000, $0x38;
	[tilespmem:$0x18080] =	vst v63  }
0x8c: {  	s5 =	sand.u32 $0x1C00, s23;
	s4 =	sand.u32 $0x2000, s25;
	_ =	swait.ge [sflag:s15], $0x4000  }
0x8d: {  	s11 =	sand.u32 $0x380, s11;
	s4 =	sor.u32 s5, s4;
	[sflag:s15] =	ssyncset.done $0x0  }
0x8e: {  	s11 =	sor.u32 s11, s4;
	[sflag:s15] =	ssyncadd.s32 $0xFFFFC000  }
0x8f: {  	v3 =	vld [tilespmem:s11+$0xF0]  }
0x90: {  	v8 =	vld [tilespmem:s11+$0x80]  }
0x91: {  	v9 =	vld [tilespmem:s11+$0x90]  }
0x92: {  	v7 =	vld [tilespmem:s11+$0xA0]  }
0x93: {  	v6 =	vld [tilespmem:s11+$0xB0]  }
0x94: {  	v5 =	vld [tilespmem:s11+$0xC0]  }
0x95: {  	v4 =	vld [tilespmem:s11+$0xE0]  }
0x96: {  	[tilespmem:s11+$0xC0F0] =	vst.add.f32.msk $0xffff, v3  }
0x97: {  	v3 =	vld [tilespmem:s11+$0xD0]  }
0x98: {  	[tilespmem:s11+$0xC080] =	vst.add.f32.msk $0xffff, v8  }
0x99: {  	s4 =	simm.s32 $0x0;
	[tilespmem:s11+$0xC090] =	vst.add.f32.msk $0xffff, v9  }
.LBB2_4:
0x9a: {  	s4 =	sadd.s32 $0x8, s4;
	[tilespmem:s11+$0xC0A0] =	vst.add.f32.msk $0xffff, v7  }
0x9b: {  	s23 =	sadd.s32 $0x400, s23;
	s5 =	sshll.u32 s4, $0x4;
	p0 =	slt.u32 s4, $0x3F8;
	[tilespmem:s11+$0xC0B0] =	vst.add.f32.msk $0xffff, v6  }
0x9c: {  	s24 =	sand.u32 $0x1C00, s23;
	s25 =	sshll.u32 s4, $0x1;
	s5 =	sand.u32 $0x2000, s5;
	[tilespmem:s11+$0xC0C0] =	vst.add.f32.msk $0xffff, v5  }
0x9d: {  	s25 =	sand.u32 $0x380, s25;
	s5 =	sor.u32 s24, s5;
	[tilespmem:s11+$0xC0D0] =	vst.add.f32.msk $0xffff, v3  }
0x9e: {  	[tilespmem:s11+$0xC0E0] =	vst.add.f32.msk $0xffff, v4;
	s11 =	sor.u32 s25, s5  }
0x9f: {  	v3 =	vld [tilespmem:s11+$0xF0]  }
0xa0: {  	v8 =	vld [tilespmem:s11+$0x80]  }
0xa1: {  	v9 =	vld [tilespmem:s11+$0x90]  }
0xa2: {  	v7 =	vld [tilespmem:s11+$0xA0]  }
0xa3: {  	v6 =	vld [tilespmem:s11+$0xB0]  }
0xa4: {  	[tilespmem:s11+$0xC0F0] =	vst.add.f32.msk $0xffff, v3  }
.Ltmp1:
0xa5: {  	v5 =	vld [tilespmem:s11+$0xC0];
	(pc) =	sbr.rel @p0 .LBB2_4-.Ltmp1, $4  }
0xa6: {  	v3 =	vld [tilespmem:s11+$0xD0]  }
0xa7: {  	v4 =	vld [tilespmem:s11+$0xE0]  }
0xa8: {  	[tilespmem:s11+$0xC080] =	vst.add.f32.msk $0xffff, v8  }
0xa9: {  	[tilespmem:s11+$0xC090] =	vst.add.f32.msk $0xffff, v9  }
0xaa: {  	[tilespmem:s11+$0xC0A0] =	vst.add.f32.msk $0xffff, v7  }
0xab: {  	[tilespmem:s11+$0xC0B0] =	vst.add.f32.msk $0xffff, v6  }
0xac: {  	[tilespmem:s11+$0xC0C0] =	vst.add.f32.msk $0xffff, v5  }
0xad: {  	[tilespmem:s11+$0xC0D0] =	vst.add.f32.msk $0xffff, v3  }
0xae: {  	[tilespmem:s11+$0xC0E0] =	vst.add.f32.msk $0xffff, v4  }
0xaf: {  	s23 =	simm.s32 $0x0;
	s4 =	rddreg [dreg:$0x9]  }
0xb0: {  	[hbm4b:s4+s23] =	stream.linear.scatter [tilespmem:s20], [sflag:$0x6], $0x4000, $0x38;
	[tilespmem:$0x18080] =	vst v63  }
0xb1: {  	_ =	swait.ge [sflag:s16], $0x4000  }
0xb2: {  	s24 =	simm.s32 $0x0;
	[sflag:s16] =	ssyncset.done $0x0  }
0xb3: {  	s25 =	simm.s32 $0x0;
	s11 =	rddreg [dreg:$0xa];
	[sflag:s16] =	ssyncadd.s32 $0xFFFFC000  }
0xb4: {  	[tilespmem:s19], [sflag:$0x1] =	stream.linear.gather [hbm4b:s11+s23], $0x4000, $0x38;
	[tilespmem:$0x18080] =	vst v63  }
0xb5: {  	s5 =	sand.u32 $0x1C00, s23;
	s4 =	sand.u32 $0x2000, s24;
	_ =	swait.ge [sflag:s17], $0x4000  }
0xb6: {  	s4 =	sor.u32 s5, s4;
	s11 =	sand.u32 $0x380, s25;
	[sflag:s17] =	ssyncset.done $0x0  }
0xb7: {  	s4 =	sor.u32 s11, s4;
	[sflag:s17] =	ssyncadd.s32 $0xFFFFC000  }
0xb8: {  	v3 =	vld [tilespmem:s4+$0xF0]  }
0xb9: {  	v8 =	vld [tilespmem:s4+$0x80]  }
0xba: {  	v9 =	vld [tilespmem:s4+$0x90]  }
0xbb: {  	v6 =	vld [tilespmem:s4+$0xA0]  }
0xbc: {  	v7 =	vld [tilespmem:s4+$0xB0]  }
0xbd: {  	v5 =	vld [tilespmem:s4+$0xC0]  }
0xbe: {  	s11 =	sadd.s32 $0x8080, s4;
	v4 =	vld [tilespmem:s4+$0xD0]  }
0xbf: {  	[tilespmem:s11+$0x8070] =	vst.add.f32.msk $0xffff, v3  }
0xc0: {  	v3 =	vld [tilespmem:s4+$0xE0]  }
0xc1: {  	[tilespmem:s4+$0x10080] =	vst.add.f32.msk $0xffff, v8  }
0xc2: {  	s4 =	simm.s32 $0x0;
	[tilespmem:s11+$0x8010] =	vst.add.f32.msk $0xffff, v9  }
.LBB2_6:
0xc3: {  	s4 =	sadd.s32 $0x8, s4;
	[tilespmem:s11+$0x8020] =	vst.add.f32.msk $0xffff, v6  }
0xc4: {  	s23 =	sadd.s32 $0x400, s23;
	s5 =	sshll.u32 s4, $0x4;
	p0 =	slt.u32 s4, $0x3F8;
	[tilespmem:s11+$0x8030] =	vst.add.f32.msk $0xffff, v7  }
0xc5: {  	s24 =	sand.u32 $0x1C00, s23;
	s25 =	sshll.u32 s4, $0x1;
	s5 =	sand.u32 $0x2000, s5;
	[tilespmem:s11+$0x8040] =	vst.add.f32.msk $0xffff, v5  }
0xc6: {  	s25 =	sand.u32 $0x380, s25;
	s5 =	sor.u32 s24, s5;
	[tilespmem:s11+$0x8050] =	vst.add.f32.msk $0xffff, v4  }
0xc7: {  	s5 =	sor.u32 s25, s5;
	[tilespmem:s11+$0x8060] =	vst.add.f32.msk $0xffff, v3  }
0xc8: {  	v3 =	vld [tilespmem:s5+$0xF0]  }
0xc9: {  	v8 =	vld [tilespmem:s5+$0x80]  }
0xca: {  	v9 =	vld [tilespmem:s5+$0x90]  }
0xcb: {  	v6 =	vld [tilespmem:s5+$0xA0]  }
0xcc: {  	s11 =	sadd.s32 $0x8080, s5;
	v7 =	vld [tilespmem:s5+$0xB0]  }
0xcd: {  	[tilespmem:s11+$0x8070] =	vst.add.f32.msk $0xffff, v3  }
.Ltmp2:
0xce: {  	v5 =	vld [tilespmem:s5+$0xC0];
	(pc) =	sbr.rel @p0 .LBB2_6-.Ltmp2, $4  }
0xcf: {  	v4 =	vld [tilespmem:s5+$0xD0]  }
0xd0: {  	v3 =	vld [tilespmem:s5+$0xE0]  }
0xd1: {  	[tilespmem:s5+$0x10080] =	vst.add.f32.msk $0xffff, v8  }
0xd2: {  	[tilespmem:s11+$0x8010] =	vst.add.f32.msk $0xffff, v9  }
0xd3: {  	[tilespmem:s11+$0x8020] =	vst.add.f32.msk $0xffff, v6  }
0xd4: {  	[tilespmem:s11+$0x8030] =	vst.add.f32.msk $0xffff, v7  }
0xd5: {  	[tilespmem:s11+$0x8040] =	vst.add.f32.msk $0xffff, v5  }
0xd6: {  	[tilespmem:s11+$0x8050] =	vst.add.f32.msk $0xffff, v4  }
0xd7: {  	[tilespmem:s11+$0x8060] =	vst.add.f32.msk $0xffff, v3  }
0xd8: {  	s23 =	simm.s32 $0x0;
	s4 =	rddreg [dreg:$0xb]  }
0xd9: {  	[hbm4b:s4+s23] =	stream.linear.scatter [tilespmem:s21], [sflag:$0x7], $0x4000, $0x38;
	[tilespmem:$0x18080] =	vst v63  }
0xda: {  	_ =	swait.ge [sflag:s18], $0x4000  }
0xdb: {  	s24 =	simm.s32 $0x0;
	[sflag:s18] =	ssyncset.done $0x0  }
0xdc: {  	s25 =	simm.s32 $0x0;
	s11 =	rddreg [dreg:$0xc];
	[sflag:s18] =	ssyncadd.s32 $0xFFFFC000  }
0xdd: {  	[tilespmem:s20], [sflag:$0x2] =	stream.linear.gather [hbm4b:s11+s23], $0x4000, $0x38;
	[tilespmem:$0x18080] =	vst v63  }
0xde: {  	s5 =	sand.u32 $0x1C00, s23;
	s4 =	sand.u32 $0x2000, s24;
	_ =	swait.ge [sflag:s30], $0x4000  }
0xdf: {  	s4 =	sor.u32 s5, s4;
	s11 =	sand.u32 $0x380, s25;
	[sflag:s30] =	ssyncset.done $0x0  }
0xe0: {  	s4 =	sor.u32 s11, s4;
	[sflag:s30] =	ssyncadd.s32 $0xFFFFC000  }
0xe1: {  	v3 =	vld [tilespmem:s4+$0xF0]  }
0xe2: {  	v8 =	vld [tilespmem:s4+$0x80]  }
0xe3: {  	v9 =	vld [tilespmem:s4+$0x90]  }
0xe4: {  	v6 =	vld [tilespmem:s4+$0xA0]  }
0xe5: {  	v7 =	vld [tilespmem:s4+$0xB0]  }
0xe6: {  	v5 =	vld [tilespmem:s4+$0xC0]  }
0xe7: {  	s11 =	sadd.s32 $0x8080, s4;
	v4 =	vld [tilespmem:s4+$0xD0]  }
0xe8: {  	[tilespmem:s11+$0xC070] =	vst.add.f32.msk $0xffff, v3  }
0xe9: {  	v3 =	vld [tilespmem:s4+$0xE0]  }
0xea: {  	[tilespmem:s4+$0x14080] =	vst.add.f32.msk $0xffff, v8  }
0xeb: {  	s4 =	simm.s32 $0x0;
	[tilespmem:s11+$0xC010] =	vst.add.f32.msk $0xffff, v9  }
.LBB2_8:
0xec: {  	s4 =	sadd.s32 $0x8, s4;
	[tilespmem:s11+$0xC020] =	vst.add.f32.msk $0xffff, v6  }
0xed: {  	s23 =	sadd.s32 $0x400, s23;
	s5 =	sshll.u32 s4, $0x4;
	p0 =	slt.u32 s4, $0x3F8;
	[tilespmem:s11+$0xC030] =	vst.add.f32.msk $0xffff, v7  }
0xee: {  	s24 =	sand.u32 $0x1C00, s23;
	s25 =	sshll.u32 s4, $0x1;
	s5 =	sand.u32 $0x2000, s5;
	[tilespmem:s11+$0xC040] =	vst.add.f32.msk $0xffff, v5  }
0xef: {  	s25 =	sand.u32 $0x380, s25;
	s5 =	sor.u32 s24, s5;
	[tilespmem:s11+$0xC050] =	vst.add.f32.msk $0xffff, v4  }
0xf0: {  	s5 =	sor.u32 s25, s5;
	[tilespmem:s11+$0xC060] =	vst.add.f32.msk $0xffff, v3  }
0xf1: {  	v3 =	vld [tilespmem:s5+$0xF0]  }
0xf2: {  	v8 =	vld [tilespmem:s5+$0x80]  }
0xf3: {  	v9 =	vld [tilespmem:s5+$0x90]  }
0xf4: {  	v6 =	vld [tilespmem:s5+$0xA0]  }
0xf5: {  	s11 =	sadd.s32 $0x8080, s5;
	v7 =	vld [tilespmem:s5+$0xB0]  }
0xf6: {  	[tilespmem:s11+$0xC070] =	vst.add.f32.msk $0xffff, v3  }
.Ltmp3:
0xf7: {  	v5 =	vld [tilespmem:s5+$0xC0];
	(pc) =	sbr.rel @p0 .LBB2_8-.Ltmp3, $4  }
0xf8: {  	v4 =	vld [tilespmem:s5+$0xD0]  }
0xf9: {  	v3 =	vld [tilespmem:s5+$0xE0]  }
0xfa: {  	[tilespmem:s5+$0x14080] =	vst.add.f32.msk $0xffff, v8  }
0xfb: {  	[tilespmem:s11+$0xC010] =	vst.add.f32.msk $0xffff, v9  }
0xfc: {  	[tilespmem:s11+$0xC020] =	vst.add.f32.msk $0xffff, v6  }
0xfd: {  	[tilespmem:s11+$0xC030] =	vst.add.f32.msk $0xffff, v7  }
0xfe: {  	[tilespmem:s11+$0xC040] =	vst.add.f32.msk $0xffff, v5  }
0xff: {  	[tilespmem:s11+$0xC050] =	vst.add.f32.msk $0xffff, v4  }
0x100: {  	[tilespmem:s11+$0xC060] =	vst.add.f32.msk $0xffff, v3  }
0x101: {  	s23 =	simm.s32 $0x0;
	s4 =	rddreg [dreg:$0xd]  }
0x102: {  	[hbm4b:s4+s23] =	stream.linear.scatter [tilespmem:s29], [sflag:$0x8], $0x4000, $0x38;
	[tilespmem:$0x18080] =	vst v63  }
0x103: {  	_ =	swait.ge [sflag:s0], $0x4000  }
0x104: {  	[sflag:s0] =	ssyncset.done $0x0  }
0x105: {  	s11 =	rddreg [dreg:$0xe];
	[sflag:s0] =	ssyncadd.s32 $0xFFFFC000  }
0x106: {  	[tilespmem:s21], [sflag:$0x3] =	stream.linear.gather [hbm4b:s11+s23], $0x4000, $0x38;
	[tilespmem:$0x18080] =	vst v63  }
0x107: {  	v3 =	vld [tilespmem:$0x20];
	_ =	sdelay $0x4  }
0x108: {  	v4 =	vshll.u32 v3, $0x3  }
0x109: {  	v3 =	vand.u32 $0x7, v3;
	v4 =	vand.u32 $0xFFFFFFC0, v4  }
0x10a: {  	v3 =	vor.u32 v3, v4  }
0x10b: {  	v4 =	vperm.xlane v3, v0;
	_ =	sdelay $0x1  }
0x10c: {  	v4 =	vadd.s32 v1, v4;
	_ =	sdelay $0x3  }
0x10d: {  	s24 =	simm.s32 $0x80  }
0x10e: {  	[tilespmem:s24], [sflag:$0x9] =	stream.indirect_vreg.gather [hbm4b:s31+s23], $0x80, v4, vm0, $0xb8;
	[tilespmem:$0x18080] =	vst v63  }
0x10f: {  	s25 =	simm.s32 $0x880;
	v3 =	vperm.xlane v3, v2  }
0x110: {  	[tilespmem:s25], [sflag:$0x9] =	stream.indirect_vreg.gather [hbm4b:s7+s23], $0x80, v4, vm0, $0xb8;
	[tilespmem:$0x18080] =	vst v63  }
0x111: {  	s5 =	simm.s32 $0x1080;
	v3 =	vadd.s32 v1, v3  }
0x112: {  	[tilespmem:s5], [sflag:$0x9] =	stream.indirect_vreg.gather [hbm4b:s8+s23], $0x80, v4, vm0, $0xb8;
	[tilespmem:$0x18080] =	vst v63  }
0x113: {  	s11 =	simm.s32 $0x1880  }
0x114: {  	[tilespmem:s11], [sflag:$0x9] =	stream.indirect_vreg.gather [hbm4b:s9+s23], $0x80, v4, vm0, $0xb8;
	[tilespmem:$0x18080] =	vst v63  }
0x115: {  	s24 =	simm.s32 $0x2080  }
0x116: {  	[tilespmem:s24], [sflag:$0x9] =	stream.indirect_vreg.gather [hbm4b:s31+s23], $0x80, v3, vm0, $0xb8;
	[tilespmem:$0x18080] =	vst v63  }
0x117: {  	s25 =	simm.s32 $0x2880  }
0x118: {  	[tilespmem:s25], [sflag:$0x9] =	stream.indirect_vreg.gather [hbm4b:s7+s23], $0x80, v3, vm0, $0xb8;
	[tilespmem:$0x18080] =	vst v63  }
0x119: {  	s5 =	simm.s32 $0x3080  }
0x11a: {  	[tilespmem:s5], [sflag:$0x9] =	stream.indirect_vreg.gather [hbm4b:s8+s23], $0x80, v3, vm0, $0xb8;
	[tilespmem:$0x18080] =	vst v63  }
0x11b: {  	s11 =	simm.s32 $0x3880  }
0x11c: {  	[tilespmem:s11], [sflag:$0x9] =	stream.indirect_vreg.gather [hbm4b:s9+s23], $0x80, v3, vm0, $0xb8;
	[tilespmem:$0x18080] =	vst v63  }
0x11d: {  	_ =	swait.ge [sflag:s2], $0x4000  }
0x11e: {  	s24 =	simm.s32 $0x0;
	[sflag:s2] =	ssyncset.done $0x0  }
0x11f: {  	s4 =	sand.u32 $0x2000, s24;
	[sflag:s2] =	ssyncadd.s32 $0xFFFFC000  }
0x120: {  	s25 =	simm.s32 $0x0;
	s5 =	sand.u32 $0x1C00, s23;
	_ =	swait.ge [sflag:s14], $0x4000  }
0x121: {  	s4 =	sor.u32 s5, s4;
	s11 =	sand.u32 $0x380, s25;
	[sflag:s14] =	ssyncset.done $0x0  }
0x122: {  	s11 =	sor.u32 s11, s4;
	[sflag:s14] =	ssyncadd.s32 $0xFFFFC000  }
0x123: {  	v3 =	vld [tilespmem:s11+$0x40F0]  }
0x124: {  	v8 =	vld [tilespmem:s11+$0x4080]  }
0x125: {  	v9 =	vld [tilespmem:s11+$0x4090]  }
0x126: {  	v7 =	vld [tilespmem:s11+$0x40A0]  }
0x127: {  	v6 =	vld [tilespmem:s11+$0x40B0]  }
0x128: {  	v5 =	vld [tilespmem:s11+$0x40C0]  }
0x129: {  	v4 =	vld [tilespmem:s11+$0x40E0]  }
0x12a: {  	[tilespmem:s11+$0x80F0] =	vst.add.f32.msk $0xffff, v3  }
0x12b: {  	v3 =	vld [tilespmem:s11+$0x40D0]  }
0x12c: {  	[tilespmem:s11+$0x8080] =	vst.add.f32.msk $0xffff, v8  }
0x12d: {  	s4 =	simm.s32 $0x0;
	[tilespmem:s11+$0x8090] =	vst.add.f32.msk $0xffff, v9  }
.LBB2_10:
0x12e: {  	s4 =	sadd.s32 $0x8, s4;
	[tilespmem:s11+$0x80A0] =	vst.add.f32.msk $0xffff, v7  }
0x12f: {  	s23 =	sadd.s32 $0x400, s23;
	s5 =	sshll.u32 s4, $0x4;
	p0 =	slt.u32 s4, $0x3F8;
	[tilespmem:s11+$0x80B0] =	vst.add.f32.msk $0xffff, v6  }
0x130: {  	s24 =	sand.u32 $0x1C00, s23;
	s25 =	sshll.u32 s4, $0x1;
	s5 =	sand.u32 $0x2000, s5;
	[tilespmem:s11+$0x80C0] =	vst.add.f32.msk $0xffff, v5  }
0x131: {  	s25 =	sand.u32 $0x380, s25;
	s5 =	sor.u32 s24, s5;
	[tilespmem:s11+$0x80D0] =	vst.add.f32.msk $0xffff, v3  }
0x132: {  	[tilespmem:s11+$0x80E0] =	vst.add.f32.msk $0xffff, v4;
	s11 =	sor.u32 s25, s5  }
0x133: {  	v3 =	vld [tilespmem:s11+$0x40F0]  }
0x134: {  	v8 =	vld [tilespmem:s11+$0x4080]  }
0x135: {  	v9 =	vld [tilespmem:s11+$0x4090]  }
0x136: {  	v7 =	vld [tilespmem:s11+$0x40A0]  }
0x137: {  	v6 =	vld [tilespmem:s11+$0x40B0]  }
0x138: {  	[tilespmem:s11+$0x80F0] =	vst.add.f32.msk $0xffff, v3  }
.Ltmp4:
0x139: {  	v5 =	vld [tilespmem:s11+$0x40C0];
	(pc) =	sbr.rel @p0 .LBB2_10-.Ltmp4, $4  }
0x13a: {  	v3 =	vld [tilespmem:s11+$0x40D0]  }
0x13b: {  	v4 =	vld [tilespmem:s11+$0x40E0]  }
0x13c: {  	[tilespmem:s11+$0x8080] =	vst.add.f32.msk $0xffff, v8  }
0x13d: {  	[tilespmem:s11+$0x8090] =	vst.add.f32.msk $0xffff, v9  }
0x13e: {  	[tilespmem:s11+$0x80A0] =	vst.add.f32.msk $0xffff, v7  }
0x13f: {  	[tilespmem:s11+$0x80B0] =	vst.add.f32.msk $0xffff, v6  }
0x140: {  	[tilespmem:s11+$0x80C0] =	vst.add.f32.msk $0xffff, v5  }
0x141: {  	[tilespmem:s11+$0x80D0] =	vst.add.f32.msk $0xffff, v3  }
0x142: {  	[tilespmem:s11+$0x80E0] =	vst.add.f32.msk $0xffff, v4  }
0x143: {  	s23 =	simm.s32 $0x0;
	s4 =	rddreg [dreg:$0xf]  }
0x144: {  	[hbm4b:s4+s23] =	stream.linear.scatter [tilespmem:s19], [sflag:$0x5], $0x4000, $0x38;
	[tilespmem:$0x18080] =	vst v63  }
0x145: {  	_ =	swait.ge [sflag:s22], $0x4000  }
0x146: {  	s24 =	simm.s32 $0x0;
	[sflag:s22] =	ssyncset.done $0x0  }
0x147: {  	s11 =	simm.s32 $0x0;
	s5 =	rddreg [dreg:$0x10];
	[sflag:s22] =	ssyncadd.s32 $0xFFFFC000  }
0x148: {  	[tilespmem:s29], [sflag:$0x4] =	stream.linear.gather [hbm4b:s5+s23], $0x4000, $0x38;
	[tilespmem:$0x18080] =	vst v63  }
0x149: {  	s4 =	sand.u32 $0x2000, s11;
	s5 =	sand.u32 $0x1C00, s23;
	_ =	swait.ge [sflag:s15], $0x4000  }
0x14a: {  	s25 =	sand.u32 $0x380, s24;
	s4 =	sor.u32 s5, s4;
	[sflag:s15] =	ssyncset.done $0x0  }
0x14b: {  	s11 =	sor.u32 s25, s4;
	[sflag:s15] =	ssyncadd.s32 $0xFFFFC000  }
0x14c: {  	v3 =	vld [tilespmem:s11+$0x40F0]  }
0x14d: {  	v8 =	vld [tilespmem:s11+$0x4080]  }
0x14e: {  	v9 =	vld [tilespmem:s11+$0x4090]  }
0x14f: {  	v7 =	vld [tilespmem:s11+$0x40A0]  }
0x150: {  	v6 =	vld [tilespmem:s11+$0x40B0]  }
0x151: {  	v5 =	vld [tilespmem:s11+$0x40C0]  }
0x152: {  	v4 =	vld [tilespmem:s11+$0x40E0]  }
0x153: {  	[tilespmem:s11+$0xC0F0] =	vst.add.f32.msk $0xffff, v3  }
0x154: {  	v3 =	vld [tilespmem:s11+$0x40D0]  }
0x155: {  	[tilespmem:s11+$0xC080] =	vst.add.f32.msk $0xffff, v8  }
0x156: {  	s4 =	simm.s32 $0x0;
	[tilespmem:s11+$0xC090] =	vst.add.f32.msk $0xffff, v9  }
.LBB2_12:
0x157: {  	s4 =	sadd.s32 $0x8, s4;
	[tilespmem:s11+$0xC0A0] =	vst.add.f32.msk $0xffff, v7  }
0x158: {  	s23 =	sadd.s32 $0x400, s23;
	s5 =	sshll.u32 s4, $0x4;
	p0 =	slt.u32 s4, $0x3F8;
	[tilespmem:s11+$0xC0B0] =	vst.add.f32.msk $0xffff, v6  }
0x159: {  	s24 =	sand.u32 $0x1C00, s23;
	s25 =	sshll.u32 s4, $0x1;
	s5 =	sand.u32 $0x2000, s5;
	[tilespmem:s11+$0xC0C0] =	vst.add.f32.msk $0xffff, v5  }
0x15a: {  	s5 =	sor.u32 s24, s5;
	s24 =	sand.u32 $0x380, s25;
	[tilespmem:s11+$0xC0D0] =	vst.add.f32.msk $0xffff, v3  }
0x15b: {  	[tilespmem:s11+$0xC0E0] =	vst.add.f32.msk $0xffff, v4;
	s11 =	sor.u32 s24, s5  }
0x15c: {  	v3 =	vld [tilespmem:s11+$0x40F0]  }
0x15d: {  	v8 =	vld [tilespmem:s11+$0x4080]  }
0x15e: {  	v9 =	vld [tilespmem:s11+$0x4090]  }
0x15f: {  	v7 =	vld [tilespmem:s11+$0x40A0]  }
0x160: {  	v6 =	vld [tilespmem:s11+$0x40B0]  }
0x161: {  	[tilespmem:s11+$0xC0F0] =	vst.add.f32.msk $0xffff, v3  }
.Ltmp5:
0x162: {  	v5 =	vld [tilespmem:s11+$0x40C0];
	(pc) =	sbr.rel @p0 .LBB2_12-.Ltmp5, $4  }
0x163: {  	v3 =	vld [tilespmem:s11+$0x40D0]  }
0x164: {  	v4 =	vld [tilespmem:s11+$0x40E0]  }
0x165: {  	[tilespmem:s11+$0xC080] =	vst.add.f32.msk $0xffff, v8  }
0x166: {  	[tilespmem:s11+$0xC090] =	vst.add.f32.msk $0xffff, v9  }
0x167: {  	[tilespmem:s11+$0xC0A0] =	vst.add.f32.msk $0xffff, v7  }
0x168: {  	[tilespmem:s11+$0xC0B0] =	vst.add.f32.msk $0xffff, v6  }
0x169: {  	[tilespmem:s11+$0xC0C0] =	vst.add.f32.msk $0xffff, v5  }
0x16a: {  	[tilespmem:s11+$0xC0D0] =	vst.add.f32.msk $0xffff, v3  }
0x16b: {  	[tilespmem:s11+$0xC0E0] =	vst.add.f32.msk $0xffff, v4  }
0x16c: {  	s23 =	simm.s32 $0x0;
	s4 =	rddreg [dreg:$0x11]  }
0x16d: {  	[hbm4b:s4+s23] =	stream.linear.scatter [tilespmem:s20], [sflag:$0x6], $0x4000, $0x38;
	[tilespmem:$0x18080] =	vst v63  }
0x16e: {  	_ =	swait.ge [sflag:s16], $0x4000  }
0x16f: {  	s24 =	simm.s32 $0x0;
	[sflag:s16] =	ssyncset.done $0x0  }
0x170: {  	s25 =	simm.s32 $0x0;
	s11 =	rddreg [dreg:$0x12];
	[sflag:s16] =	ssyncadd.s32 $0xFFFFC000  }
0x171: {  	[tilespmem:s19], [sflag:$0x1] =	stream.linear.gather [hbm4b:s11+s23], $0x4000, $0x38;
	[tilespmem:$0x18080] =	vst v63  }
0x172: {  	s5 =	sand.u32 $0x1C00, s23;
	s4 =	sand.u32 $0x2000, s24;
	_ =	swait.ge [sflag:s17], $0x4000  }
0x173: {  	s4 =	sor.u32 s5, s4;
	s11 =	sand.u32 $0x380, s25;
	[sflag:s17] =	ssyncset.done $0x0  }
0x174: {  	s4 =	sor.u32 s11, s4;
	[sflag:s17] =	ssyncadd.s32 $0xFFFFC000  }
0x175: {  	v3 =	vld [tilespmem:s4+$0x40F0]  }
0x176: {  	v8 =	vld [tilespmem:s4+$0x4080]  }
0x177: {  	v9 =	vld [tilespmem:s4+$0x4090]  }
0x178: {  	v6 =	vld [tilespmem:s4+$0x40A0]  }
0x179: {  	v7 =	vld [tilespmem:s4+$0x40B0]  }
0x17a: {  	v5 =	vld [tilespmem:s4+$0x40C0]  }
0x17b: {  	s11 =	sadd.s32 $0x8080, s4;
	v4 =	vld [tilespmem:s4+$0x40D0]  }
0x17c: {  	[tilespmem:s11+$0x8070] =	vst.add.f32.msk $0xffff, v3  }
0x17d: {  	v3 =	vld [tilespmem:s4+$0x40E0]  }
0x17e: {  	[tilespmem:s4+$0x10080] =	vst.add.f32.msk $0xffff, v8  }
0x17f: {  	s4 =	simm.s32 $0x0;
	[tilespmem:s11+$0x8010] =	vst.add.f32.msk $0xffff, v9  }
.LBB2_14:
0x180: {  	s4 =	sadd.s32 $0x8, s4;
	[tilespmem:s11+$0x8020] =	vst.add.f32.msk $0xffff, v6  }
0x181: {  	s23 =	sadd.s32 $0x400, s23;
	s5 =	sshll.u32 s4, $0x4;
	p0 =	slt.u32 s4, $0x3F8;
	[tilespmem:s11+$0x8030] =	vst.add.f32.msk $0xffff, v7  }
0x182: {  	s24 =	sand.u32 $0x1C00, s23;
	s25 =	sshll.u32 s4, $0x1;
	s5 =	sand.u32 $0x2000, s5;
	[tilespmem:s11+$0x8040] =	vst.add.f32.msk $0xffff, v5  }
0x183: {  	s25 =	sand.u32 $0x380, s25;
	s5 =	sor.u32 s24, s5;
	[tilespmem:s11+$0x8050] =	vst.add.f32.msk $0xffff, v4  }
0x184: {  	s5 =	sor.u32 s25, s5;
	[tilespmem:s11+$0x8060] =	vst.add.f32.msk $0xffff, v3  }
0x185: {  	v3 =	vld [tilespmem:s5+$0x40F0]  }
0x186: {  	v8 =	vld [tilespmem:s5+$0x4080]  }
0x187: {  	v9 =	vld [tilespmem:s5+$0x4090]  }
0x188: {  	v6 =	vld [tilespmem:s5+$0x40A0]  }
0x189: {  	s11 =	sadd.s32 $0x8080, s5;
	v7 =	vld [tilespmem:s5+$0x40B0]  }
0x18a: {  	[tilespmem:s11+$0x8070] =	vst.add.f32.msk $0xffff, v3  }
.Ltmp6:
0x18b: {  	v5 =	vld [tilespmem:s5+$0x40C0];
	(pc) =	sbr.rel @p0 .LBB2_14-.Ltmp6, $4  }
0x18c: {  	v4 =	vld [tilespmem:s5+$0x40D0]  }
0x18d: {  	v3 =	vld [tilespmem:s5+$0x40E0]  }
0x18e: {  	[tilespmem:s5+$0x10080] =	vst.add.f32.msk $0xffff, v8  }
0x18f: {  	[tilespmem:s11+$0x8010] =	vst.add.f32.msk $0xffff, v9  }
0x190: {  	[tilespmem:s11+$0x8020] =	vst.add.f32.msk $0xffff, v6  }
0x191: {  	[tilespmem:s11+$0x8030] =	vst.add.f32.msk $0xffff, v7  }
0x192: {  	[tilespmem:s11+$0x8040] =	vst.add.f32.msk $0xffff, v5  }
0x193: {  	[tilespmem:s11+$0x8050] =	vst.add.f32.msk $0xffff, v4  }
0x194: {  	[tilespmem:s11+$0x8060] =	vst.add.f32.msk $0xffff, v3  }
0x195: {  	s23 =	simm.s32 $0x0;
	s4 =	rddreg [dreg:$0x13]  }
0x196: {  	[hbm4b:s4+s23] =	stream.linear.scatter [tilespmem:s21], [sflag:$0x7], $0x4000, $0x38;
	[tilespmem:$0x18080] =	vst v63  }
0x197: {  	_ =	swait.ge [sflag:s18], $0x4000  }
0x198: {  	s24 =	simm.s32 $0x0;
	[sflag:s18] =	ssyncset.done $0x0  }
0x199: {  	s25 =	simm.s32 $0x0;
	s11 =	rddreg [dreg:$0x14];
	[sflag:s18] =	ssyncadd.s32 $0xFFFFC000  }
0x19a: {  	[tilespmem:s20], [sflag:$0x2] =	stream.linear.gather [hbm4b:s11+s23], $0x4000, $0x38;
	[tilespmem:$0x18080] =	vst v63  }
0x19b: {  	s5 =	sand.u32 $0x1C00, s23;
	s4 =	sand.u32 $0x2000, s24;
	_ =	swait.ge [sflag:s30], $0x4000  }
0x19c: {  	s4 =	sor.u32 s5, s4;
	s11 =	sand.u32 $0x380, s25;
	[sflag:s30] =	ssyncset.done $0x0  }
0x19d: {  	s4 =	sor.u32 s11, s4;
	[sflag:s30] =	ssyncadd.s32 $0xFFFFC000  }
0x19e: {  	v3 =	vld [tilespmem:s4+$0x40F0]  }
0x19f: {  	v8 =	vld [tilespmem:s4+$0x4080]  }
0x1a0: {  	v9 =	vld [tilespmem:s4+$0x4090]  }
0x1a1: {  	v6 =	vld [tilespmem:s4+$0x40A0]  }
0x1a2: {  	v7 =	vld [tilespmem:s4+$0x40B0]  }
0x1a3: {  	v5 =	vld [tilespmem:s4+$0x40C0]  }
0x1a4: {  	s11 =	sadd.s32 $0x8080, s4;
	v4 =	vld [tilespmem:s4+$0x40D0]  }
0x1a5: {  	[tilespmem:s11+$0xC070] =	vst.add.f32.msk $0xffff, v3  }
0x1a6: {  	v3 =	vld [tilespmem:s4+$0x40E0]  }
0x1a7: {  	[tilespmem:s4+$0x14080] =	vst.add.f32.msk $0xffff, v8  }
0x1a8: {  	s4 =	simm.s32 $0x0;
	[tilespmem:s11+$0xC010] =	vst.add.f32.msk $0xffff, v9  }
.LBB2_16:
0x1a9: {  	s4 =	sadd.s32 $0x8, s4;
	[tilespmem:s11+$0xC020] =	vst.add.f32.msk $0xffff, v6  }
0x1aa: {  	s23 =	sadd.s32 $0x400, s23;
	s5 =	sshll.u32 s4, $0x4;
	p0 =	slt.u32 s4, $0x3F8;
	[tilespmem:s11+$0xC030] =	vst.add.f32.msk $0xffff, v7  }
0x1ab: {  	s24 =	sand.u32 $0x1C00, s23;
	s25 =	sshll.u32 s4, $0x1;
	s5 =	sand.u32 $0x2000, s5;
	[tilespmem:s11+$0xC040] =	vst.add.f32.msk $0xffff, v5  }
0x1ac: {  	s25 =	sand.u32 $0x380, s25;
	s5 =	sor.u32 s24, s5;
	[tilespmem:s11+$0xC050] =	vst.add.f32.msk $0xffff, v4  }
0x1ad: {  	s5 =	sor.u32 s25, s5;
	[tilespmem:s11+$0xC060] =	vst.add.f32.msk $0xffff, v3  }
0x1ae: {  	v3 =	vld [tilespmem:s5+$0x40F0]  }
0x1af: {  	v8 =	vld [tilespmem:s5+$0x4080]  }
0x1b0: {  	v9 =	vld [tilespmem:s5+$0x4090]  }
0x1b1: {  	v6 =	vld [tilespmem:s5+$0x40A0]  }
0x1b2: {  	s11 =	sadd.s32 $0x8080, s5;
	v7 =	vld [tilespmem:s5+$0x40B0]  }
0x1b3: {  	[tilespmem:s11+$0xC070] =	vst.add.f32.msk $0xffff, v3  }
.Ltmp7:
0x1b4: {  	v5 =	vld [tilespmem:s5+$0x40C0];
	(pc) =	sbr.rel @p0 .LBB2_16-.Ltmp7, $4  }
0x1b5: {  	v4 =	vld [tilespmem:s5+$0x40D0]  }
0x1b6: {  	v3 =	vld [tilespmem:s5+$0x40E0]  }
0x1b7: {  	[tilespmem:s5+$0x14080] =	vst.add.f32.msk $0xffff, v8  }
0x1b8: {  	[tilespmem:s11+$0xC010] =	vst.add.f32.msk $0xffff, v9  }
0x1b9: {  	[tilespmem:s11+$0xC020] =	vst.add.f32.msk $0xffff, v6  }
0x1ba: {  	[tilespmem:s11+$0xC030] =	vst.add.f32.msk $0xffff, v7  }
0x1bb: {  	[tilespmem:s11+$0xC040] =	vst.add.f32.msk $0xffff, v5  }
0x1bc: {  	[tilespmem:s11+$0xC050] =	vst.add.f32.msk $0xffff, v4  }
0x1bd: {  	[tilespmem:s11+$0xC060] =	vst.add.f32.msk $0xffff, v3  }
0x1be: {  	s23 =	simm.s32 $0x0;
	s4 =	rddreg [dreg:$0x15]  }
0x1bf: {  	[hbm4b:s4+s23] =	stream.linear.scatter [tilespmem:s29], [sflag:$0x8], $0x4000, $0x38;
	[tilespmem:$0x18080] =	vst v63  }
0x1c0: {  	_ =	swait.ge [sflag:s0], $0x4000  }
0x1c1: {  	[sflag:s0] =	ssyncset.done $0x0  }
0x1c2: {  	s25 =	rddreg [dreg:$0x18];
	[sflag:s0] =	ssyncadd.s32 $0xFFFFC000  }
0x1c3: {  	[tilespmem:s21], [sflag:$0x3] =	stream.linear.gather [hbm4b:s25+s23], $0x4000, $0x38;
	[tilespmem:$0x18080] =	vst v63  }
0x1c4: {  	v3 =	vld [tilespmem:$0x30];
	_ =	sdelay $0x4  }
0x1c5: {  	v4 =	vshll.u32 v3, $0x3  }
0x1c6: {  	v3 =	vand.u32 $0x7, v3;
	v4 =	vand.u32 $0xFFFFFFC0, v4  }
0x1c7: {  	v3 =	vor.u32 v3, v4  }
0x1c8: {  	v4 =	vperm.xlane v3, v0;
	_ =	sdelay $0x1  }
0x1c9: {  	v4 =	vadd.s32 v1, v4;
	_ =	sdelay $0x3  }
0x1ca: {  	s5 =	simm.s32 $0x4080  }
0x1cb: {  	[tilespmem:s5], [sflag:$0xA] =	stream.indirect_vreg.gather [hbm4b:s31+s23], $0x80, v4, vm0, $0xb8;
	[tilespmem:$0x18080] =	vst v63  }
0x1cc: {  	s11 =	simm.s32 $0x4880;
	v3 =	vperm.xlane v3, v2  }
0x1cd: {  	[tilespmem:s11], [sflag:$0xA] =	stream.indirect_vreg.gather [hbm4b:s7+s23], $0x80, v4, vm0, $0xb8;
	[tilespmem:$0x18080] =	vst v63  }
0x1ce: {  	s24 =	simm.s32 $0x5080;
	v3 =	vadd.s32 v1, v3  }
0x1cf: {  	[tilespmem:s24], [sflag:$0xA] =	stream.indirect_vreg.gather [hbm4b:s8+s23], $0x80, v4, vm0, $0xb8;
	[tilespmem:$0x18080] =	vst v63  }
0x1d0: {  	s25 =	simm.s32 $0x5880  }
0x1d1: {  	[tilespmem:s25], [sflag:$0xA] =	stream.indirect_vreg.gather [hbm4b:s9+s23], $0x80, v4, vm0, $0xb8;
	[tilespmem:$0x18080] =	vst v63  }
0x1d2: {  	s5 =	simm.s32 $0x6080  }
0x1d3: {  	[tilespmem:s5], [sflag:$0xA] =	stream.indirect_vreg.gather [hbm4b:s31+s23], $0x80, v3, vm0, $0xb8;
	[tilespmem:$0x18080] =	vst v63  }
0x1d4: {  	_ = 	snop  }
0x1d5: {  	[tilespmem:s12], [sflag:$0xA] =	stream.indirect_vreg.gather [hbm4b:s7+s23], $0x80, v3, vm0, $0xb8;
	[tilespmem:$0x18080] =	vst v63  }
0x1d6: {  	_ = 	snop  }
0x1d7: {  	[tilespmem:s26], [sflag:$0xA] =	stream.indirect_vreg.gather [hbm4b:s8+s23], $0x80, v3, vm0, $0xb8;
	[tilespmem:$0x18080] =	vst v63  }
0x1d8: {  	_ = 	snop  }
0x1d9: {  	[tilespmem:s13], [sflag:$0xA] =	stream.indirect_vreg.gather [hbm4b:s9+s23], $0x80, v3, vm0, $0xb8;
	[tilespmem:$0x18080] =	vst v63  }
0x1da: {  	_ =	swait.ge [sflag:s28], $0x4000  }
0x1db: {  	s11 =	simm.s32 $0x0;
	[sflag:s28] =	ssyncset.done $0x0  }
0x1dc: {  	s4 =	sand.u32 $0x2000, s11;
	[sflag:s28] =	ssyncadd.s32 $0xFFFFC000  }
0x1dd: {  	s24 =	simm.s32 $0x0;
	s5 =	sand.u32 $0x1C00, s23;
	_ =	swait.ge [sflag:s14], $0x4000  }
0x1de: {  	s25 =	sand.u32 $0x380, s24;
	s4 =	sor.u32 s5, s4;
	[sflag:s14] =	ssyncset.done $0x0  }
0x1df: {  	s11 =	sor.u32 s25, s4;
	[sflag:s14] =	ssyncadd.s32 $0xFFFFC000  }
0x1e0: {  	v3 =	vld [tilespmem:s11+$0xF0]  }
0x1e1: {  	v8 =	vld [tilespmem:s11+$0x80]  }
0x1e2: {  	v9 =	vld [tilespmem:s11+$0x90]  }
0x1e3: {  	v7 =	vld [tilespmem:s11+$0xA0]  }
0x1e4: {  	v6 =	vld [tilespmem:s11+$0xB0]  }
0x1e5: {  	v5 =	vld [tilespmem:s11+$0xC0]  }
0x1e6: {  	v4 =	vld [tilespmem:s11+$0xE0]  }
0x1e7: {  	[tilespmem:s11+$0x80F0] =	vst.add.f32.msk $0xffff, v3  }
0x1e8: {  	v3 =	vld [tilespmem:s11+$0xD0]  }
0x1e9: {  	[tilespmem:s11+$0x8080] =	vst.add.f32.msk $0xffff, v8  }
0x1ea: {  	s4 =	simm.s32 $0x0;
	[tilespmem:s11+$0x8090] =	vst.add.f32.msk $0xffff, v9  }
.LBB2_18:
0x1eb: {  	s4 =	sadd.s32 $0x8, s4;
	[tilespmem:s11+$0x80A0] =	vst.add.f32.msk $0xffff, v7  }
0x1ec: {  	s23 =	sadd.s32 $0x400, s23;
	s5 =	sshll.u32 s4, $0x4;
	p0 =	slt.u32 s4, $0x3F8;
	[tilespmem:s11+$0x80B0] =	vst.add.f32.msk $0xffff, v6  }
0x1ed: {  	s24 =	sand.u32 $0x1C00, s23;
	s25 =	sshll.u32 s4, $0x1;
	s5 =	sand.u32 $0x2000, s5;
	[tilespmem:s11+$0x80C0] =	vst.add.f32.msk $0xffff, v5  }
0x1ee: {  	s5 =	sor.u32 s24, s5;
	s24 =	sand.u32 $0x380, s25;
	[tilespmem:s11+$0x80D0] =	vst.add.f32.msk $0xffff, v3  }
0x1ef: {  	[tilespmem:s11+$0x80E0] =	vst.add.f32.msk $0xffff, v4;
	s11 =	sor.u32 s24, s5  }
0x1f0: {  	v3 =	vld [tilespmem:s11+$0xF0]  }
0x1f1: {  	v8 =	vld [tilespmem:s11+$0x80]  }
0x1f2: {  	v9 =	vld [tilespmem:s11+$0x90]  }
0x1f3: {  	v7 =	vld [tilespmem:s11+$0xA0]  }
0x1f4: {  	v6 =	vld [tilespmem:s11+$0xB0]  }
0x1f5: {  	[tilespmem:s11+$0x80F0] =	vst.add.f32.msk $0xffff, v3  }
.Ltmp8:
0x1f6: {  	v5 =	vld [tilespmem:s11+$0xC0];
	(pc) =	sbr.rel @p0 .LBB2_18-.Ltmp8, $4  }
0x1f7: {  	v3 =	vld [tilespmem:s11+$0xD0]  }
0x1f8: {  	v4 =	vld [tilespmem:s11+$0xE0]  }
0x1f9: {  	[tilespmem:s11+$0x8080] =	vst.add.f32.msk $0xffff, v8  }
0x1fa: {  	[tilespmem:s11+$0x8090] =	vst.add.f32.msk $0xffff, v9  }
0x1fb: {  	[tilespmem:s11+$0x80A0] =	vst.add.f32.msk $0xffff, v7  }
0x1fc: {  	[tilespmem:s11+$0x80B0] =	vst.add.f32.msk $0xffff, v6  }
0x1fd: {  	[tilespmem:s11+$0x80C0] =	vst.add.f32.msk $0xffff, v5  }
0x1fe: {  	[tilespmem:s11+$0x80D0] =	vst.add.f32.msk $0xffff, v3  }
0x1ff: {  	[tilespmem:s11+$0x80E0] =	vst.add.f32.msk $0xffff, v4  }
0x200: {  	s23 =	simm.s32 $0x0;
	s4 =	rddreg [dreg:$0x16]  }
0x201: {  	[hbm4b:s4+s23] =	stream.linear.scatter [tilespmem:s19], [sflag:$0x5], $0x4000, $0x38;
	[tilespmem:$0x18080] =	vst v63  }
0x202: {  	_ =	swait.ge [sflag:s22], $0x4000  }
0x203: {  	s24 =	simm.s32 $0x0;
	[sflag:s22] =	ssyncset.done $0x0  }
0x204: {  	s25 =	simm.s32 $0x0;
	s11 =	rddreg [dreg:$0x1a];
	[sflag:s22] =	ssyncadd.s32 $0xFFFFC000  }
0x205: {  	[tilespmem:s29], [sflag:$0x4] =	stream.linear.gather [hbm4b:s11+s23], $0x4000, $0x38;
	[tilespmem:$0x18080] =	vst v63  }
0x206: {  	s5 =	sand.u32 $0x1C00, s23;
	s4 =	sand.u32 $0x2000, s24;
	_ =	swait.ge [sflag:s15], $0x4000  }
0x207: {  	s4 =	sor.u32 s5, s4;
	s11 =	sand.u32 $0x380, s25;
	[sflag:s15] =	ssyncset.done $0x0  }
0x208: {  	s11 =	sor.u32 s11, s4;
	[sflag:s15] =	ssyncadd.s32 $0xFFFFC000  }
0x209: {  	v3 =	vld [tilespmem:s11+$0xF0]  }
0x20a: {  	v8 =	vld [tilespmem:s11+$0x80]  }
0x20b: {  	v9 =	vld [tilespmem:s11+$0x90]  }
0x20c: {  	v7 =	vld [tilespmem:s11+$0xA0]  }
0x20d: {  	v6 =	vld [tilespmem:s11+$0xB0]  }
0x20e: {  	v5 =	vld [tilespmem:s11+$0xC0]  }
0x20f: {  	v4 =	vld [tilespmem:s11+$0xE0]  }
0x210: {  	[tilespmem:s11+$0xC0F0] =	vst.add.f32.msk $0xffff, v3  }
0x211: {  	v3 =	vld [tilespmem:s11+$0xD0]  }
0x212: {  	[tilespmem:s11+$0xC080] =	vst.add.f32.msk $0xffff, v8  }
0x213: {  	s4 =	simm.s32 $0x0;
	[tilespmem:s11+$0xC090] =	vst.add.f32.msk $0xffff, v9  }
.LBB2_20:
0x214: {  	s4 =	sadd.s32 $0x8, s4;
	[tilespmem:s11+$0xC0A0] =	vst.add.f32.msk $0xffff, v7  }
0x215: {  	s23 =	sadd.s32 $0x400, s23;
	s5 =	sshll.u32 s4, $0x4;
	p0 =	slt.u32 s4, $0x3F8;
	[tilespmem:s11+$0xC0B0] =	vst.add.f32.msk $0xffff, v6  }
0x216: {  	s24 =	sand.u32 $0x1C00, s23;
	s25 =	sshll.u32 s4, $0x1;
	s5 =	sand.u32 $0x2000, s5;
	[tilespmem:s11+$0xC0C0] =	vst.add.f32.msk $0xffff, v5  }
0x217: {  	s25 =	sand.u32 $0x380, s25;
	s5 =	sor.u32 s24, s5;
	[tilespmem:s11+$0xC0D0] =	vst.add.f32.msk $0xffff, v3  }
0x218: {  	[tilespmem:s11+$0xC0E0] =	vst.add.f32.msk $0xffff, v4;
	s11 =	sor.u32 s25, s5  }
0x219: {  	v3 =	vld [tilespmem:s11+$0xF0]  }
0x21a: {  	v8 =	vld [tilespmem:s11+$0x80]  }
0x21b: {  	v9 =	vld [tilespmem:s11+$0x90]  }
0x21c: {  	v7 =	vld [tilespmem:s11+$0xA0]  }
0x21d: {  	v6 =	vld [tilespmem:s11+$0xB0]  }
0x21e: {  	[tilespmem:s11+$0xC0F0] =	vst.add.f32.msk $0xffff, v3  }
.Ltmp9:
0x21f: {  	v5 =	vld [tilespmem:s11+$0xC0];
	(pc) =	sbr.rel @p0 .LBB2_20-.Ltmp9, $4  }
0x220: {  	v3 =	vld [tilespmem:s11+$0xD0]  }
0x221: {  	v4 =	vld [tilespmem:s11+$0xE0]  }
0x222: {  	[tilespmem:s11+$0xC080] =	vst.add.f32.msk $0xffff, v8  }
0x223: {  	[tilespmem:s11+$0xC090] =	vst.add.f32.msk $0xffff, v9  }
0x224: {  	[tilespmem:s11+$0xC0A0] =	vst.add.f32.msk $0xffff, v7  }
0x225: {  	[tilespmem:s11+$0xC0B0] =	vst.add.f32.msk $0xffff, v6  }
0x226: {  	[tilespmem:s11+$0xC0C0] =	vst.add.f32.msk $0xffff, v5  }
0x227: {  	[tilespmem:s11+$0xC0D0] =	vst.add.f32.msk $0xffff, v3  }
0x228: {  	[tilespmem:s11+$0xC0E0] =	vst.add.f32.msk $0xffff, v4  }
0x229: {  	s23 =	simm.s32 $0x0;
	s4 =	rddreg [dreg:$0x17]  }
0x22a: {  	[hbm4b:s4+s23] =	stream.linear.scatter [tilespmem:s20], [sflag:$0x6], $0x4000, $0x38;
	[tilespmem:$0x18080] =	vst v63  }
0x22b: {  	_ =	swait.ge [sflag:s16], $0x4000  }
0x22c: {  	s24 =	simm.s32 $0x0;
	[sflag:s16] =	ssyncset.done $0x0  }
0x22d: {  	s25 =	simm.s32 $0x0;
	s11 =	rddreg [dreg:$0x1c];
	[sflag:s16] =	ssyncadd.s32 $0xFFFFC000  }
0x22e: {  	[tilespmem:s19], [sflag:$0x1] =	stream.linear.gather [hbm4b:s11+s23], $0x4000, $0x38;
	[tilespmem:$0x18080] =	vst v63  }
0x22f: {  	s5 =	sand.u32 $0x1C00, s23;
	s4 =	sand.u32 $0x2000, s24;
	_ =	swait.ge [sflag:s17], $0x4000  }
0x230: {  	s4 =	sor.u32 s5, s4;
	s11 =	sand.u32 $0x380, s25;
	[sflag:s17] =	ssyncset.done $0x0  }
0x231: {  	s4 =	sor.u32 s11, s4;
	[sflag:s17] =	ssyncadd.s32 $0xFFFFC000  }
0x232: {  	v3 =	vld [tilespmem:s4+$0xF0]  }
0x233: {  	v8 =	vld [tilespmem:s4+$0x80]  }
0x234: {  	v9 =	vld [tilespmem:s4+$0x90]  }
0x235: {  	v6 =	vld [tilespmem:s4+$0xA0]  }
0x236: {  	v7 =	vld [tilespmem:s4+$0xB0]  }
0x237: {  	v5 =	vld [tilespmem:s4+$0xC0]  }
0x238: {  	s11 =	sadd.s32 $0x8080, s4;
	v4 =	vld [tilespmem:s4+$0xD0]  }
0x239: {  	[tilespmem:s11+$0x8070] =	vst.add.f32.msk $0xffff, v3  }
0x23a: {  	v3 =	vld [tilespmem:s4+$0xE0]  }
0x23b: {  	[tilespmem:s4+$0x10080] =	vst.add.f32.msk $0xffff, v8  }
0x23c: {  	s4 =	simm.s32 $0x0;
	[tilespmem:s11+$0x8010] =	vst.add.f32.msk $0xffff, v9  }
.LBB2_22:
0x23d: {  	s4 =	sadd.s32 $0x8, s4;
	[tilespmem:s11+$0x8020] =	vst.add.f32.msk $0xffff, v6  }
0x23e: {  	s23 =	sadd.s32 $0x400, s23;
	s5 =	sshll.u32 s4, $0x4;
	p0 =	slt.u32 s4, $0x3F8;
	[tilespmem:s11+$0x8030] =	vst.add.f32.msk $0xffff, v7  }
0x23f: {  	s24 =	sand.u32 $0x1C00, s23;
	s25 =	sshll.u32 s4, $0x1;
	s5 =	sand.u32 $0x2000, s5;
	[tilespmem:s11+$0x8040] =	vst.add.f32.msk $0xffff, v5  }
0x240: {  	s25 =	sand.u32 $0x380, s25;
	s5 =	sor.u32 s24, s5;
	[tilespmem:s11+$0x8050] =	vst.add.f32.msk $0xffff, v4  }
0x241: {  	s5 =	sor.u32 s25, s5;
	[tilespmem:s11+$0x8060] =	vst.add.f32.msk $0xffff, v3  }
0x242: {  	v3 =	vld [tilespmem:s5+$0xF0]  }
0x243: {  	v8 =	vld [tilespmem:s5+$0x80]  }
0x244: {  	v9 =	vld [tilespmem:s5+$0x90]  }
0x245: {  	v6 =	vld [tilespmem:s5+$0xA0]  }
0x246: {  	s11 =	sadd.s32 $0x8080, s5;
	v7 =	vld [tilespmem:s5+$0xB0]  }
0x247: {  	[tilespmem:s11+$0x8070] =	vst.add.f32.msk $0xffff, v3  }
.Ltmp10:
0x248: {  	v5 =	vld [tilespmem:s5+$0xC0];
	(pc) =	sbr.rel @p0 .LBB2_22-.Ltmp10, $4  }
0x249: {  	v4 =	vld [tilespmem:s5+$0xD0]  }
0x24a: {  	v3 =	vld [tilespmem:s5+$0xE0]  }
0x24b: {  	[tilespmem:s5+$0x10080] =	vst.add.f32.msk $0xffff, v8  }
0x24c: {  	[tilespmem:s11+$0x8010] =	vst.add.f32.msk $0xffff, v9  }
0x24d: {  	[tilespmem:s11+$0x8020] =	vst.add.f32.msk $0xffff, v6  }
0x24e: {  	[tilespmem:s11+$0x8030] =	vst.add.f32.msk $0xffff, v7  }
0x24f: {  	[tilespmem:s11+$0x8040] =	vst.add.f32.msk $0xffff, v5  }
0x250: {  	[tilespmem:s11+$0x8050] =	vst.add.f32.msk $0xffff, v4  }
0x251: {  	[tilespmem:s11+$0x8060] =	vst.add.f32.msk $0xffff, v3  }
0x252: {  	s23 =	simm.s32 $0x0;
	s4 =	rddreg [dreg:$0x19]  }
0x253: {  	[hbm4b:s4+s23] =	stream.linear.scatter [tilespmem:s21], [sflag:$0x7], $0x4000, $0x38;
	[tilespmem:$0x18080] =	vst v63  }
0x254: {  	_ =	swait.ge [sflag:s18], $0x4000  }
0x255: {  	s11 =	sld [smem:$0x7F8]  }
0x256: {  	[sflag:s18] =	ssyncset.done $0x0  }
0x257: {  	s24 =	simm.s32 $0x0;
	s25 =	simm.s32 $0x0;
	[sflag:s18] =	ssyncadd.s32 $0xFFFFC000  }
0x258: {  	[tilespmem:s20], [sflag:$0x2] =	stream.linear.gather [hbm4b:s11+s23], $0x4000, $0x38;
	[tilespmem:$0x18080] =	vst v63  }
0x259: {  	s5 =	sand.u32 $0x1C00, s23;
	s4 =	sand.u32 $0x2000, s24;
	_ =	swait.ge [sflag:s30], $0x4000  }
0x25a: {  	s4 =	sor.u32 s5, s4;
	s11 =	sand.u32 $0x380, s25;
	[sflag:s30] =	ssyncset.done $0x0  }
0x25b: {  	s4 =	sor.u32 s11, s4;
	[sflag:s30] =	ssyncadd.s32 $0xFFFFC000  }
0x25c: {  	v3 =	vld [tilespmem:s4+$0xF0]  }
0x25d: {  	v8 =	vld [tilespmem:s4+$0x80]  }
0x25e: {  	v9 =	vld [tilespmem:s4+$0x90]  }
0x25f: {  	v6 =	vld [tilespmem:s4+$0xA0]  }
0x260: {  	v7 =	vld [tilespmem:s4+$0xB0]  }
0x261: {  	v5 =	vld [tilespmem:s4+$0xC0]  }
0x262: {  	s11 =	sadd.s32 $0x8080, s4;
	v4 =	vld [tilespmem:s4+$0xD0]  }
0x263: {  	[tilespmem:s11+$0xC070] =	vst.add.f32.msk $0xffff, v3  }
0x264: {  	v3 =	vld [tilespmem:s4+$0xE0]  }
0x265: {  	[tilespmem:s4+$0x14080] =	vst.add.f32.msk $0xffff, v8  }
0x266: {  	s4 =	simm.s32 $0x0;
	[tilespmem:s11+$0xC010] =	vst.add.f32.msk $0xffff, v9  }
.LBB2_24:
0x267: {  	s4 =	sadd.s32 $0x8, s4;
	[tilespmem:s11+$0xC020] =	vst.add.f32.msk $0xffff, v6  }
0x268: {  	s23 =	sadd.s32 $0x400, s23;
	s5 =	sshll.u32 s4, $0x4;
	p0 =	slt.u32 s4, $0x3F8;
	[tilespmem:s11+$0xC030] =	vst.add.f32.msk $0xffff, v7  }
0x269: {  	s24 =	sand.u32 $0x1C00, s23;
	s25 =	sshll.u32 s4, $0x1;
	s5 =	sand.u32 $0x2000, s5;
	[tilespmem:s11+$0xC040] =	vst.add.f32.msk $0xffff, v5  }
0x26a: {  	s25 =	sand.u32 $0x380, s25;
	s5 =	sor.u32 s24, s5;
	[tilespmem:s11+$0xC050] =	vst.add.f32.msk $0xffff, v4  }
0x26b: {  	s5 =	sor.u32 s25, s5;
	[tilespmem:s11+$0xC060] =	vst.add.f32.msk $0xffff, v3  }
0x26c: {  	v3 =	vld [tilespmem:s5+$0xF0]  }
0x26d: {  	v8 =	vld [tilespmem:s5+$0x80]  }
0x26e: {  	v9 =	vld [tilespmem:s5+$0x90]  }
0x26f: {  	v6 =	vld [tilespmem:s5+$0xA0]  }
0x270: {  	s11 =	sadd.s32 $0x8080, s5;
	v7 =	vld [tilespmem:s5+$0xB0]  }
0x271: {  	[tilespmem:s11+$0xC070] =	vst.add.f32.msk $0xffff, v3  }
.Ltmp11:
0x272: {  	v5 =	vld [tilespmem:s5+$0xC0];
	(pc) =	sbr.rel @p0 .LBB2_24-.Ltmp11, $4  }
0x273: {  	v4 =	vld [tilespmem:s5+$0xD0]  }
0x274: {  	v3 =	vld [tilespmem:s5+$0xE0]  }
0x275: {  	[tilespmem:s5+$0x14080] =	vst.add.f32.msk $0xffff, v8  }
0x276: {  	[tilespmem:s11+$0xC010] =	vst.add.f32.msk $0xffff, v9  }
0x277: {  	[tilespmem:s11+$0xC020] =	vst.add.f32.msk $0xffff, v6  }
0x278: {  	[tilespmem:s11+$0xC030] =	vst.add.f32.msk $0xffff, v7  }
0x279: {  	[tilespmem:s11+$0xC040] =	vst.add.f32.msk $0xffff, v5  }
0x27a: {  	[tilespmem:s11+$0xC050] =	vst.add.f32.msk $0xffff, v4  }
0x27b: {  	[tilespmem:s11+$0xC060] =	vst.add.f32.msk $0xffff, v3  }
0x27c: {  	s23 =	simm.s32 $0x0;
	s4 =	rddreg [dreg:$0x1b]  }
0x27d: {  	[hbm4b:s4+s23] =	stream.linear.scatter [tilespmem:s29], [sflag:$0x8], $0x4000, $0x38;
	[tilespmem:$0x18080] =	vst v63  }
0x27e: {  	_ =	swait.ge [sflag:s0], $0x4000  }
0x27f: {  	s11 =	sld [smem:$0x7F9]  }
0x280: {  	[sflag:s0] =	ssyncset.done $0x0  }
0x281: {  	[sflag:s0] =	ssyncadd.s32 $0xFFFFC000  }
0x282: {  	[tilespmem:s21], [sflag:$0x3] =	stream.linear.gather [hbm4b:s11+s23], $0x4000, $0x38;
	[tilespmem:$0x18080] =	vst v63  }
0x283: {  	_ =	swait.ge [sflag:s2], $0x4000  }
0x284: {  	[sflag:s2] =	ssyncset.done $0x0  }
0x285: {  	s24 =	simm.s32 $0x0;
	s25 =	simm.s32 $0x0;
	[sflag:s2] =	ssyncadd.s32 $0xFFFFC000  }
0x286: {  	s5 =	sand.u32 $0x1C00, s23;
	s4 =	sand.u32 $0x2000, s24;
	_ =	swait.ge [sflag:s14], $0x4000  }
0x287: {  	s4 =	sor.u32 s5, s4;
	s11 =	sand.u32 $0x380, s25;
	[sflag:s14] =	ssyncset.done $0x0  }
0x288: {  	s11 =	sor.u32 s11, s4;
	[sflag:s14] =	ssyncadd.s32 $0xFFFFC000  }
0x289: {  	v3 =	vld [tilespmem:s11+$0x40F0]  }
0x28a: {  	v8 =	vld [tilespmem:s11+$0x4080]  }
0x28b: {  	v9 =	vld [tilespmem:s11+$0x4090]  }
0x28c: {  	v7 =	vld [tilespmem:s11+$0x40A0]  }
0x28d: {  	v6 =	vld [tilespmem:s11+$0x40B0]  }
0x28e: {  	v5 =	vld [tilespmem:s11+$0x40C0]  }
0x28f: {  	v4 =	vld [tilespmem:s11+$0x40E0]  }
0x290: {  	[tilespmem:s11+$0x80F0] =	vst.add.f32.msk $0xffff, v3  }
0x291: {  	v3 =	vld [tilespmem:s11+$0x40D0]  }
0x292: {  	[tilespmem:s11+$0x8080] =	vst.add.f32.msk $0xffff, v8  }
0x293: {  	s4 =	simm.s32 $0x0;
	[tilespmem:s11+$0x8090] =	vst.add.f32.msk $0xffff, v9  }
.LBB2_26:
0x294: {  	s4 =	sadd.s32 $0x8, s4;
	[tilespmem:s11+$0x80A0] =	vst.add.f32.msk $0xffff, v7  }
0x295: {  	s23 =	sadd.s32 $0x400, s23;
	s5 =	sshll.u32 s4, $0x4;
	p0 =	slt.u32 s4, $0x3F8;
	[tilespmem:s11+$0x80B0] =	vst.add.f32.msk $0xffff, v6  }
0x296: {  	s24 =	sand.u32 $0x1C00, s23;
	s25 =	sshll.u32 s4, $0x1;
	s5 =	sand.u32 $0x2000, s5;
	[tilespmem:s11+$0x80C0] =	vst.add.f32.msk $0xffff, v5  }
0x297: {  	s25 =	sand.u32 $0x380, s25;
	s5 =	sor.u32 s24, s5;
	[tilespmem:s11+$0x80D0] =	vst.add.f32.msk $0xffff, v3  }
0x298: {  	[tilespmem:s11+$0x80E0] =	vst.add.f32.msk $0xffff, v4;
	s11 =	sor.u32 s25, s5  }
0x299: {  	v3 =	vld [tilespmem:s11+$0x40F0]  }
0x29a: {  	v8 =	vld [tilespmem:s11+$0x4080]  }
0x29b: {  	v9 =	vld [tilespmem:s11+$0x4090]  }
0x29c: {  	v7 =	vld [tilespmem:s11+$0x40A0]  }
0x29d: {  	v6 =	vld [tilespmem:s11+$0x40B0]  }
0x29e: {  	[tilespmem:s11+$0x80F0] =	vst.add.f32.msk $0xffff, v3  }
.Ltmp12:
0x29f: {  	v5 =	vld [tilespmem:s11+$0x40C0];
	(pc) =	sbr.rel @p0 .LBB2_26-.Ltmp12, $4  }
0x2a0: {  	v3 =	vld [tilespmem:s11+$0x40D0]  }
0x2a1: {  	v4 =	vld [tilespmem:s11+$0x40E0]  }
0x2a2: {  	[tilespmem:s11+$0x8080] =	vst.add.f32.msk $0xffff, v8  }
0x2a3: {  	[tilespmem:s11+$0x8090] =	vst.add.f32.msk $0xffff, v9  }
0x2a4: {  	[tilespmem:s11+$0x80A0] =	vst.add.f32.msk $0xffff, v7  }
0x2a5: {  	[tilespmem:s11+$0x80B0] =	vst.add.f32.msk $0xffff, v6  }
0x2a6: {  	[tilespmem:s11+$0x80C0] =	vst.add.f32.msk $0xffff, v5  }
0x2a7: {  	[tilespmem:s11+$0x80D0] =	vst.add.f32.msk $0xffff, v3  }
0x2a8: {  	[tilespmem:s11+$0x80E0] =	vst.add.f32.msk $0xffff, v4  }
0x2a9: {  	s23 =	simm.s32 $0x0;
	s4 =	rddreg [dreg:$0x1d]  }
0x2aa: {  	[hbm4b:s4+s23] =	stream.linear.scatter [tilespmem:s19], [sflag:$0x5], $0x4000, $0x38;
	[tilespmem:$0x18080] =	vst v63  }
0x2ab: {  	_ =	swait.ge [sflag:s22], $0x4000  }
0x2ac: {  	s5 =	sld [smem:$0x7FA]  }
0x2ad: {  	[sflag:s22] =	ssyncset.done $0x0  }
0x2ae: {  	s24 =	simm.s32 $0x0;
	s11 =	simm.s32 $0x0;
	[sflag:s22] =	ssyncadd.s32 $0xFFFFC000  }
0x2af: {  	[tilespmem:s29], [sflag:$0x4] =	stream.linear.gather [hbm4b:s5+s23], $0x4000, $0x38;
	[tilespmem:$0x18080] =	vst v63  }
0x2b0: {  	s4 =	sand.u32 $0x2000, s11;
	s5 =	sand.u32 $0x1C00, s23;
	_ =	swait.ge [sflag:s15], $0x4000  }
0x2b1: {  	s25 =	sand.u32 $0x380, s24;
	s4 =	sor.u32 s5, s4;
	[sflag:s15] =	ssyncset.done $0x0  }
0x2b2: {  	s11 =	sor.u32 s25, s4;
	[sflag:s15] =	ssyncadd.s32 $0xFFFFC000  }
0x2b3: {  	v3 =	vld [tilespmem:s11+$0x40F0]  }
0x2b4: {  	v8 =	vld [tilespmem:s11+$0x4080]  }
0x2b5: {  	v9 =	vld [tilespmem:s11+$0x4090]  }
0x2b6: {  	v7 =	vld [tilespmem:s11+$0x40A0]  }
0x2b7: {  	v6 =	vld [tilespmem:s11+$0x40B0]  }
0x2b8: {  	v5 =	vld [tilespmem:s11+$0x40C0]  }
0x2b9: {  	v4 =	vld [tilespmem:s11+$0x40E0]  }
0x2ba: {  	[tilespmem:s11+$0xC0F0] =	vst.add.f32.msk $0xffff, v3  }
0x2bb: {  	v3 =	vld [tilespmem:s11+$0x40D0]  }
0x2bc: {  	[tilespmem:s11+$0xC080] =	vst.add.f32.msk $0xffff, v8  }
0x2bd: {  	s4 =	simm.s32 $0x0;
	[tilespmem:s11+$0xC090] =	vst.add.f32.msk $0xffff, v9  }
.LBB2_28:
0x2be: {  	s4 =	sadd.s32 $0x8, s4;
	[tilespmem:s11+$0xC0A0] =	vst.add.f32.msk $0xffff, v7  }
0x2bf: {  	s23 =	sadd.s32 $0x400, s23;
	s5 =	sshll.u32 s4, $0x4;
	p0 =	slt.u32 s4, $0x3F8;
	[tilespmem:s11+$0xC0B0] =	vst.add.f32.msk $0xffff, v6  }
0x2c0: {  	s24 =	sand.u32 $0x1C00, s23;
	s25 =	sshll.u32 s4, $0x1;
	s5 =	sand.u32 $0x2000, s5;
	[tilespmem:s11+$0xC0C0] =	vst.add.f32.msk $0xffff, v5  }
0x2c1: {  	s5 =	sor.u32 s24, s5;
	s24 =	sand.u32 $0x380, s25;
	[tilespmem:s11+$0xC0D0] =	vst.add.f32.msk $0xffff, v3  }
0x2c2: {  	[tilespmem:s11+$0xC0E0] =	vst.add.f32.msk $0xffff, v4;
	s11 =	sor.u32 s24, s5  }
0x2c3: {  	v3 =	vld [tilespmem:s11+$0x40F0]  }
0x2c4: {  	v8 =	vld [tilespmem:s11+$0x4080]  }
0x2c5: {  	v9 =	vld [tilespmem:s11+$0x4090]  }
0x2c6: {  	v7 =	vld [tilespmem:s11+$0x40A0]  }
0x2c7: {  	v6 =	vld [tilespmem:s11+$0x40B0]  }
0x2c8: {  	[tilespmem:s11+$0xC0F0] =	vst.add.f32.msk $0xffff, v3  }
.Ltmp13:
0x2c9: {  	v5 =	vld [tilespmem:s11+$0x40C0];
	(pc) =	sbr.rel @p0 .LBB2_28-.Ltmp13, $4  }
0x2ca: {  	v3 =	vld [tilespmem:s11+$0x40D0]  }
0x2cb: {  	v4 =	vld [tilespmem:s11+$0x40E0]  }
0x2cc: {  	[tilespmem:s11+$0xC080] =	vst.add.f32.msk $0xffff, v8  }
0x2cd: {  	[tilespmem:s11+$0xC090] =	vst.add.f32.msk $0xffff, v9  }
0x2ce: {  	[tilespmem:s11+$0xC0A0] =	vst.add.f32.msk $0xffff, v7  }
0x2cf: {  	[tilespmem:s11+$0xC0B0] =	vst.add.f32.msk $0xffff, v6  }
0x2d0: {  	[tilespmem:s11+$0xC0C0] =	vst.add.f32.msk $0xffff, v5  }
0x2d1: {  	[tilespmem:s11+$0xC0D0] =	vst.add.f32.msk $0xffff, v3  }
0x2d2: {  	[tilespmem:s11+$0xC0E0] =	vst.add.f32.msk $0xffff, v4  }
0x2d3: {  	s4 =	sld [smem:$0x7FB];
	_ =	sdelay $0x1  }
0x2d4: {  	s23 =	simm.s32 $0x0  }
0x2d5: {  	[hbm4b:s4+s23] =	stream.linear.scatter [tilespmem:s20], [sflag:$0x6], $0x4000, $0x38;
	[tilespmem:$0x18080] =	vst v63  }
0x2d6: {  	_ =	swait.ge [sflag:s16], $0x4000  }
0x2d7: {  	[sflag:s16] =	ssyncset.done $0x0  }
0x2d8: {  	s24 =	simm.s32 $0x0;
	s25 =	simm.s32 $0x0;
	[sflag:s16] =	ssyncadd.s32 $0xFFFFC000  }
0x2d9: {  	s5 =	sand.u32 $0x1C00, s23;
	s4 =	sand.u32 $0x2000, s24;
	_ =	swait.ge [sflag:s17], $0x4000  }
0x2da: {  	s11 =	sand.u32 $0x380, s25;
	s4 =	sor.u32 s5, s4;
	[sflag:s17] =	ssyncset.done $0x0  }
0x2db: {  	s4 =	sor.u32 s11, s4;
	[sflag:s17] =	ssyncadd.s32 $0xFFFFC000  }
0x2dc: {  	v3 =	vld [tilespmem:s4+$0x40F0]  }
0x2dd: {  	v8 =	vld [tilespmem:s4+$0x4080]  }
0x2de: {  	v9 =	vld [tilespmem:s4+$0x4090]  }
0x2df: {  	v6 =	vld [tilespmem:s4+$0x40A0]  }
0x2e0: {  	v7 =	vld [tilespmem:s4+$0x40B0]  }
0x2e1: {  	v5 =	vld [tilespmem:s4+$0x40C0]  }
0x2e2: {  	s11 =	sadd.s32 $0x8080, s4;
	v4 =	vld [tilespmem:s4+$0x40D0]  }
0x2e3: {  	[tilespmem:s11+$0x8070] =	vst.add.f32.msk $0xffff, v3  }
0x2e4: {  	v3 =	vld [tilespmem:s4+$0x40E0]  }
0x2e5: {  	[tilespmem:s4+$0x10080] =	vst.add.f32.msk $0xffff, v8  }
0x2e6: {  	s4 =	simm.s32 $0x0;
	[tilespmem:s11+$0x8010] =	vst.add.f32.msk $0xffff, v9  }
.LBB2_30:
0x2e7: {  	s4 =	sadd.s32 $0x8, s4;
	[tilespmem:s11+$0x8020] =	vst.add.f32.msk $0xffff, v6  }
0x2e8: {  	s23 =	sadd.s32 $0x400, s23;
	s5 =	sshll.u32 s4, $0x4;
	p0 =	slt.u32 s4, $0x3F8;
	[tilespmem:s11+$0x8030] =	vst.add.f32.msk $0xffff, v7  }
0x2e9: {  	s24 =	sand.u32 $0x1C00, s23;
	s25 =	sshll.u32 s4, $0x1;
	s5 =	sand.u32 $0x2000, s5;
	[tilespmem:s11+$0x8040] =	vst.add.f32.msk $0xffff, v5  }
0x2ea: {  	s25 =	sand.u32 $0x380, s25;
	s5 =	sor.u32 s24, s5;
	[tilespmem:s11+$0x8050] =	vst.add.f32.msk $0xffff, v4  }
0x2eb: {  	s5 =	sor.u32 s25, s5;
	[tilespmem:s11+$0x8060] =	vst.add.f32.msk $0xffff, v3  }
0x2ec: {  	v3 =	vld [tilespmem:s5+$0x40F0]  }
0x2ed: {  	v8 =	vld [tilespmem:s5+$0x4080]  }
0x2ee: {  	v9 =	vld [tilespmem:s5+$0x4090]  }
0x2ef: {  	v6 =	vld [tilespmem:s5+$0x40A0]  }
0x2f0: {  	s11 =	sadd.s32 $0x8080, s5;
	v7 =	vld [tilespmem:s5+$0x40B0]  }
0x2f1: {  	[tilespmem:s11+$0x8070] =	vst.add.f32.msk $0xffff, v3  }
.Ltmp14:
0x2f2: {  	v5 =	vld [tilespmem:s5+$0x40C0];
	(pc) =	sbr.rel @p0 .LBB2_30-.Ltmp14, $4  }
0x2f3: {  	v4 =	vld [tilespmem:s5+$0x40D0]  }
0x2f4: {  	v3 =	vld [tilespmem:s5+$0x40E0]  }
0x2f5: {  	[tilespmem:s5+$0x10080] =	vst.add.f32.msk $0xffff, v8  }
0x2f6: {  	[tilespmem:s11+$0x8010] =	vst.add.f32.msk $0xffff, v9  }
0x2f7: {  	[tilespmem:s11+$0x8020] =	vst.add.f32.msk $0xffff, v6  }
0x2f8: {  	[tilespmem:s11+$0x8030] =	vst.add.f32.msk $0xffff, v7  }
0x2f9: {  	[tilespmem:s11+$0x8040] =	vst.add.f32.msk $0xffff, v5  }
0x2fa: {  	[tilespmem:s11+$0x8050] =	vst.add.f32.msk $0xffff, v4  }
0x2fb: {  	[tilespmem:s11+$0x8060] =	vst.add.f32.msk $0xffff, v3  }
0x2fc: {  	s4 =	sld [smem:$0x7FC];
	_ =	sdelay $0x1  }
0x2fd: {  	s23 =	simm.s32 $0x0  }
0x2fe: {  	[hbm4b:s4+s23] =	stream.linear.scatter [tilespmem:s21], [sflag:$0x7], $0x4000, $0x38;
	[tilespmem:$0x18080] =	vst v63  }
0x2ff: {  	_ =	swait.ge [sflag:s18], $0x4000  }
0x300: {  	[sflag:s18] =	ssyncset.done $0x0  }
0x301: {  	s24 =	simm.s32 $0x0;
	s25 =	simm.s32 $0x0;
	[sflag:s18] =	ssyncadd.s32 $0xFFFFC000  }
0x302: {  	s5 =	sand.u32 $0x1C00, s23;
	s4 =	sand.u32 $0x2000, s24;
	_ =	swait.ge [sflag:s30], $0x4000  }
0x303: {  	s11 =	sand.u32 $0x380, s25;
	s4 =	sor.u32 s5, s4;
	[sflag:s30] =	ssyncset.done $0x0  }
0x304: {  	s4 =	sor.u32 s11, s4;
	[sflag:s30] =	ssyncadd.s32 $0xFFFFC000  }
0x305: {  	v3 =	vld [tilespmem:s4+$0x40F0]  }
0x306: {  	v8 =	vld [tilespmem:s4+$0x4080]  }
0x307: {  	v9 =	vld [tilespmem:s4+$0x4090]  }
0x308: {  	v6 =	vld [tilespmem:s4+$0x40A0]  }
0x309: {  	v7 =	vld [tilespmem:s4+$0x40B0]  }
0x30a: {  	v5 =	vld [tilespmem:s4+$0x40C0]  }
0x30b: {  	s11 =	sadd.s32 $0x8080, s4;
	v4 =	vld [tilespmem:s4+$0x40D0]  }
0x30c: {  	[tilespmem:s11+$0xC070] =	vst.add.f32.msk $0xffff, v3  }
0x30d: {  	v3 =	vld [tilespmem:s4+$0x40E0]  }
0x30e: {  	[tilespmem:s4+$0x14080] =	vst.add.f32.msk $0xffff, v8  }
0x30f: {  	s4 =	simm.s32 $0x0;
	[tilespmem:s11+$0xC010] =	vst.add.f32.msk $0xffff, v9  }
.LBB2_32:
0x310: {  	s4 =	sadd.s32 $0x8, s4;
	[tilespmem:s11+$0xC020] =	vst.add.f32.msk $0xffff, v6  }
0x311: {  	s23 =	sadd.s32 $0x400, s23;
	s5 =	sshll.u32 s4, $0x4;
	p0 =	slt.u32 s4, $0x3F8;
	[tilespmem:s11+$0xC030] =	vst.add.f32.msk $0xffff, v7  }
0x312: {  	s24 =	sand.u32 $0x1C00, s23;
	s25 =	sshll.u32 s4, $0x1;
	s5 =	sand.u32 $0x2000, s5;
	[tilespmem:s11+$0xC040] =	vst.add.f32.msk $0xffff, v5  }
0x313: {  	s25 =	sand.u32 $0x380, s25;
	s5 =	sor.u32 s24, s5;
	[tilespmem:s11+$0xC050] =	vst.add.f32.msk $0xffff, v4  }
0x314: {  	s5 =	sor.u32 s25, s5;
	[tilespmem:s11+$0xC060] =	vst.add.f32.msk $0xffff, v3  }
0x315: {  	v3 =	vld [tilespmem:s5+$0x40F0]  }
0x316: {  	v8 =	vld [tilespmem:s5+$0x4080]  }
0x317: {  	v9 =	vld [tilespmem:s5+$0x4090]  }
0x318: {  	v6 =	vld [tilespmem:s5+$0x40A0]  }
0x319: {  	s11 =	sadd.s32 $0x8080, s5;
	v7 =	vld [tilespmem:s5+$0x40B0]  }
0x31a: {  	[tilespmem:s11+$0xC070] =	vst.add.f32.msk $0xffff, v3  }
.Ltmp15:
0x31b: {  	v5 =	vld [tilespmem:s5+$0x40C0];
	(pc) =	sbr.rel @p0 .LBB2_32-.Ltmp15, $4  }
0x31c: {  	v4 =	vld [tilespmem:s5+$0x40D0]  }
0x31d: {  	v3 =	vld [tilespmem:s5+$0x40E0]  }
0x31e: {  	[tilespmem:s5+$0x14080] =	vst.add.f32.msk $0xffff, v8  }
0x31f: {  	[tilespmem:s11+$0xC010] =	vst.add.f32.msk $0xffff, v9  }
0x320: {  	[tilespmem:s11+$0xC020] =	vst.add.f32.msk $0xffff, v6  }
0x321: {  	[tilespmem:s11+$0xC030] =	vst.add.f32.msk $0xffff, v7  }
0x322: {  	[tilespmem:s11+$0xC040] =	vst.add.f32.msk $0xffff, v5  }
0x323: {  	[tilespmem:s11+$0xC050] =	vst.add.f32.msk $0xffff, v4  }
0x324: {  	[tilespmem:s11+$0xC060] =	vst.add.f32.msk $0xffff, v3  }
0x325: {  	s4 =	sld [smem:$0x7FD];
	_ =	sdelay $0x1  }
0x326: {  	s3 =	sadd.s32 $0x1, s3  }
0x327: {  	[hbm4b:s4+s1] =	stream.linear.scatter [tilespmem:s29], [sflag:$0x8], $0x4000, $0x38;
	[tilespmem:$0x18080] =	vst v63  }
0x328: {  	p0 =	sne.s32 s3, s6;
	_ =	swait.ge [sflag:s0], $0x4000  }
.Ltmp16:
0x329: {  	[sflag:s0] =	ssyncset.done $0x0;
	(pc) =	sbr.rel @p0 .LBB2_1-.Ltmp16, $4  }
0x32a: {  	[sflag:s0] =	ssyncadd.s32 $0xFFFFC000  }
0x32b: {  	_ =	swait.ge [sflag:s22], $0x4000  }
0x32c: {  	[sflag:s22] =	ssyncset.done $0x0  }
0x32d: {  	[sflag:s22] =	ssyncadd.s32 $0xFFFFC000  }
0x32e: {  	_ =	sfence.sel $0x180000  }
0x32f: {  	[bflag:$0x0] =	sbarrier.arrive $0xFFFF  }
0x330: {  	_ =	strace $0x90000047  }
0x331: {  	s0 =	stileid.u32;
	[bflag:$0x2] =	sbarrier.arrive $0xFFFF  }
0x332: {  	p0 =	sne.s32 s0, $0x0;
	s0 =	rddreg [dreg:$0x4]  }
0x333: {  	s0 =	sadd.s32 @!p0 $0x100000, s0  }
0x334: {  	[sflag:s0] =	ssyncadd.tile.s32 @!p0 $0x1;
	_ =	shalt  }
.Lfunc_end2:
_tile_overlayer_lowered:
.L_overlay_start_2:
0x335: {  	(tag) =	ssettag $0x2  }
0x336: {  	s0 =	rddreg [dreg:$0x0];
	s2 =	stileid.u32  }
0x337: {  	s1 =	rddreg [dreg:$0x1];
	p0 =	sne.s32 s2, $0x0  }
0x338: {  	s3 =	rddreg [dreg:$0x2];
	[bflag:$0x3] =	sbarrier.arrive $0xFFFF;
	s2 =	simm.s32 @!p0 $0x1C0B  }
0x339: {  	[timem:s3], [sflag:s2] =	dma.local @!p0 [hbm:s0], s1  }
0x33a: {  	s0 =	simm.s32 @!p0 $0xB  }
0x33b: {  	_ =	swait.ge @!p0 [sflag:s0], s1  }
0x33c: {  	s1 =	ssub.s32 @!p0 $0x0, s1;
	[sflag:s0] =	ssyncset.done @!p0 $0x0  }
0x33d: {  	[sflag:s0] =	ssyncadd.s32 @!p0 s1  }
0x33e: {  	[bflag:$0x3] =	sbarrier.arrive $0xFFFF  }
0x33f: {  	_ =	shalt  }

</sc_bundles>
